<compile_context>
chip_gen: v7x
topology: tpu7x:2x2x1
jax: 0.10.2.dev20260603
libtpu: 0.0.44.dev20260713+nightly
codegen_flags: <defaults>
</compile_context>

<pallas_src>
import jax
import jax.numpy as jnp
from jax import lax
from jax.experimental import pallas as pl
from jax.experimental.pallas import tpu as pltpu
from jax.experimental.pallas import tpu_sc as plsc

D_MODEL = 1024
HID = 1024
N_ROUTED = 15
TOP_K = 3
EPS = 1e-09
RMS_EPS = 1.1920929e-07

N_TOK = 2048
RT = 256
N_EXP = 16

TM = 512
G = (N_TOK * TOP_K) // TM + N_ROUTED
PMAX = G * TM

NASSIGN = N_TOK * TOP_K

SC_NC = 2
SC_NS = 16
SC_NW = SC_NC * SC_NS
RPW = NASSIGN // SC_NW
CH = 32
NCH = RPW // CH


def _router_body(x_ref, r_ref, xhat_ref, ti_ref, tw_ref):
    x = x_ref[...]
    v = jnp.mean(x * x, axis=-1, keepdims=True)
    xhat_ref[...] = x * jax.lax.rsqrt(v + RMS_EPS)
    logits = jax.lax.dot_general(x, r_ref[...], (((1,), (0,)), ((), ())),
                                 preferred_element_type=jnp.float32)
    m = jnp.max(logits, axis=-1, keepdims=True)
    eg = jnp.exp(logits - m)
    gates = eg / jnp.sum(eg, axis=-1, keepdims=True)
    lanes = jax.lax.broadcasted_iota(jnp.int32, (RT, N_ROUTED), 1)
    g = gates
    idxs, vals = [], []
    for _ in range(TOP_K):
        vals.append(jnp.max(g, axis=-1, keepdims=True))
        j = jnp.argmax(g, axis=-1)[:, None]
        idxs.append(j)
        g = jnp.where(lanes == j, -1.0, g)
    tot = vals[0] + vals[1] + vals[2] + EPS
    topw = jnp.concatenate(vals, axis=1) / tot
    topi = jnp.concatenate(idxs, axis=1)
    ti_ref[...] = jnp.concatenate(
        [topi, jnp.zeros((RT, N_EXP - TOP_K), jnp.int32)], axis=1)
    tw_ref[...] = jnp.concatenate(
        [topw, jnp.zeros((RT, N_EXP - TOP_K), jnp.float32)], axis=1)


def _dispatch_body(xhat_hbm, idx_hbm, xs_hbm, idx_v, rows_v, sem):
    wid = lax.axis_index("s") * SC_NC + lax.axis_index("c")
    pltpu.sync_copy(idx_hbm.at[wid], idx_v)
    base = wid * RPW
    scat = [None] * NCH
    for j in range(NCH):
        b = j % 2
        if j >= 2:
            scat[j - 2].wait()
        src = (base + j * CH) % N_TOK
        pltpu.sync_copy(xhat_hbm.at[pl.ds(src, CH)], rows_v.at[b])
        scat[j] = pltpu.async_copy(rows_v.at[b], xs_hbm.at[idx_v.at[j]], sem)
    scat[NCH - 2].wait()
    scat[NCH - 1].wait()


def _combine_gather_body(ys_hbm, idx_hbm, ys4_hbm, idx_v, rows_v, sem):
    wid = lax.axis_index("s") * SC_NC + lax.axis_index("c")
    pltpu.sync_copy(idx_hbm.at[wid], idx_v)
    base = wid * RPW
    gath = [None] * NCH
    gath[0] = pltpu.async_copy(ys_hbm.at[idx_v.at[0]], rows_v.at[0], sem)
    for j in range(NCH):
        if j + 1 < NCH:
            gath[j + 1] = pltpu.async_copy(
                ys_hbm.at[idx_v.at[j + 1]], rows_v.at[(j + 1) % 2], sem)
        gath[j].wait()
        pltpu.sync_copy(rows_v.at[j % 2],
                        ys4_hbm.at[pl.ds(base + j * CH, CH)])


def _ffn_body(expert_of_ref, nused_ref, xs_ref, W1_ref, W2_ref, ys_ref):
    g = pl.program_id(0)

    @pl.when(g < nused_ref[0])
    def _():
        xh = xs_ref[...].astype(jnp.bfloat16)
        h = jax.lax.dot_general(xh, W1_ref[0], (((1,), (1,)), ((), ())),
                                preferred_element_type=jnp.float32)
        h = h * jax.nn.sigmoid(h)
        y = jax.lax.dot_general(h.astype(jnp.bfloat16), W2_ref[0],
                                (((1,), (1,)), ((), ())),
                                preferred_element_type=jnp.float32)
        ys_ref[...] = y


def _ffn_shared_body(xhat_ref, W1_ref, W2_ref, ysh_ref):
    xh = xhat_ref[...].astype(jnp.bfloat16)
    h = jax.lax.dot_general(xh, W1_ref[0], (((1,), (1,)), ((), ())),
                            preferred_element_type=jnp.float32)
    h = h * jax.nn.sigmoid(h)
    ysh_ref[...] = jax.lax.dot_general(h.astype(jnp.bfloat16), W2_ref[0],
                                       (((1,), (1,)), ((), ())),
                                       preferred_element_type=jnp.float32)


def _combine_body(ys4_ref, w3_ref, ysh_ref, out_ref):
    acc = ysh_ref[...]
    for k in range(TOP_K):
        acc += ys4_ref[k] * w3_ref[k, :][:, None]
    out_ref[...] = acc


@jax.jit
def kernel(x, router, W1_r, W2_r, g_r, W1_s, W2_s, g_s):
    B, T, _ = x.shape
    xf = x.reshape(B * T, D_MODEL)
    W1e = jnp.concatenate([W1_r * g_r[:, None, :], W1_s * g_s[:, None, :]],
                          axis=0).astype(jnp.bfloat16)
    W2e = jnp.concatenate([W2_r, W2_s], axis=0).astype(jnp.bfloat16)

    xhat, ti16, tw16 = pl.pallas_call(
        _router_body,
        grid=(N_TOK // RT,),
        in_specs=[
            pl.BlockSpec((RT, D_MODEL), lambda t: (t, 0)),
            pl.BlockSpec((D_MODEL, N_ROUTED), lambda t: (0, 0)),
        ],
        out_specs=[
            pl.BlockSpec((RT, D_MODEL), lambda t: (t, 0)),
            pl.BlockSpec((RT, N_EXP), lambda t: (t, 0)),
            pl.BlockSpec((RT, N_EXP), lambda t: (t, 0)),
        ],
        out_shape=[
            jax.ShapeDtypeStruct((N_TOK, D_MODEL), jnp.float32),
            jax.ShapeDtypeStruct((N_TOK, N_EXP), jnp.int32),
            jax.ShapeDtypeStruct((N_TOK, N_EXP), jnp.float32),
        ],
    )(xf, router)
    top_i = ti16[:, :TOP_K]
    top_w = tw16[:, :TOP_K]

    e_lanes = jnp.arange(N_EXP, dtype=jnp.int32)
    onehot = (top_i[:, :, None] == e_lanes[None, None, :]).astype(jnp.int32)
    Xtok = onehot.sum(axis=1)
    Xc = jnp.cumsum(Xtok, axis=0)
    counts = Xc[-1]
    tiles_e = (counts + TM - 1) // TM
    cum_tiles = jnp.cumsum(tiles_e)
    tile_start = cum_tiles - tiles_e
    n_used = cum_tiles[-1]
    pstart = tile_start * TM
    Xex = Xc - Xtok
    rank = (onehot * Xex[:, None, :]).sum(-1)
    padpos = (onehot * pstart[None, None, :]).sum(-1) + rank
    padflat = jnp.concatenate(
        [padpos[:, 0], padpos[:, 1], padpos[:, 2]])
    idx3d = padflat.reshape(SC_NW, NCH, CH)
    w3 = top_w.T

    grange = jnp.arange(G, dtype=jnp.int32)
    expert_of = jnp.minimum(
        (grange[:, None] >= cum_tiles[None, :]).astype(jnp.int32).sum(-1),
        N_EXP - 2)
    nused_arr = n_used[None]

    mesh = plsc.VectorSubcoreMesh(core_axis_name="c", subcore_axis_name="s")
    xs = pl.kernel(
        _dispatch_body, mesh=mesh,
        out_type=jax.ShapeDtypeStruct((PMAX, D_MODEL), jnp.float32),
        scratch_types=[
            pltpu.VMEM((NCH, CH), jnp.int32),
            pltpu.VMEM((2, CH, D_MODEL), jnp.float32),
            pltpu.SemaphoreType.DMA,
        ],
    )(xhat, idx3d)

    ys = pl.pallas_call(
        _ffn_body,
        grid_spec=pltpu.PrefetchScalarGridSpec(
            num_scalar_prefetch=2,
            grid=(G,),
            in_specs=[
                pl.BlockSpec((TM, D_MODEL),
                             lambda g, eo, nu: (jnp.minimum(g, nu[0] - 1), 0)),
                pl.BlockSpec((1, HID, D_MODEL), lambda g, eo, nu: (eo[g], 0, 0)),
                pl.BlockSpec((1, D_MODEL, HID), lambda g, eo, nu: (eo[g], 0, 0)),
            ],
            out_specs=pl.BlockSpec(
                (TM, D_MODEL), lambda g, eo, nu: (jnp.minimum(g, nu[0] - 1), 0)),
        ),
        out_shape=jax.ShapeDtypeStruct((PMAX, D_MODEL), jnp.float32),
    )(expert_of, nused_arr, xs, W1e, W2e)

    ys4 = pl.kernel(
        _combine_gather_body, mesh=mesh,
        out_type=jax.ShapeDtypeStruct((NASSIGN, D_MODEL), jnp.float32),
        scratch_types=[
            pltpu.VMEM((NCH, CH), jnp.int32),
            pltpu.VMEM((2, CH, D_MODEL), jnp.float32),
            pltpu.SemaphoreType.DMA,
        ],
    )(ys, idx3d)
    ys4r = ys4.reshape(TOP_K, N_TOK, D_MODEL)

    ysh = pl.pallas_call(
        _ffn_shared_body,
        grid=(N_TOK // TM,),
        in_specs=[
            pl.BlockSpec((TM, D_MODEL), lambda t: (t, 0)),
            pl.BlockSpec((1, HID, D_MODEL), lambda t: (0, 0, 0)),
            pl.BlockSpec((1, D_MODEL, HID), lambda t: (0, 0, 0)),
        ],
        out_specs=pl.BlockSpec((TM, D_MODEL), lambda t: (t, 0)),
        out_shape=jax.ShapeDtypeStruct((N_TOK, D_MODEL), jnp.float32),
    )(xhat, W1e[N_EXP - 1:], W2e[N_EXP - 1:])

    TT = 512
    out = pl.pallas_call(
        _combine_body,
        grid=(N_TOK // TT,),
        in_specs=[
            pl.BlockSpec((TOP_K, TT, D_MODEL), lambda t: (0, t, 0)),
            pl.BlockSpec((TOP_K, TT), lambda t: (0, t)),
            pl.BlockSpec((TT, D_MODEL), lambda t: (t, 0)),
        ],
        out_specs=pl.BlockSpec((TT, D_MODEL), lambda t: (t, 0)),
        out_shape=jax.ShapeDtypeStruct((N_TOK, D_MODEL), jnp.float32),
    )(ys4r, w3, ysh)

    return out.reshape(B, T, D_MODEL)

# --- scband reference (transcript-rebuilt; emitter-appended) ---
"""Pipeline reference for scband-mo-e-88021059764414 (READ-ONLY COPY).

The authoritative reference and input builder live on the scoring server;
editing this copy changes nothing except your own understanding.
"""

import jax, jax.numpy as jnp
import numpy as np

D_MODEL = 1024
HID = 1024          # hidden_dimension // num_smaller_experts_per_expert = 2048 // 2
N_ROUTED = 15       # total_num_experts*num_smaller - num_shared = 8*2 - 1
N_SHARED = 1
TOP_K = 3           # num_activated*num_smaller - num_shared = 2*2 - 1
EPS = 1e-09
RMS_EPS = 1.1920929e-07  # torch.finfo(float32).eps (torch RMSNorm default eps=None)


def rms_norm(x, g):
    v = jnp.mean(x * x, axis=-1, keepdims=True)
    return x * jax.lax.rsqrt(v + RMS_EPS) * g


def ffn(x, g, W1, W2):
    # FeedForward: linear2(dropout(silu(linear1(rms_norm(x))))), dropout=0 (eval)
    h = rms_norm(x, g) @ W1.T
    h = h * jax.nn.sigmoid(h)  # SiLU
    return h @ W2.T


def setup_inputs(seed: int = 0) -> dict:
    key = jax.random.key(seed)
    ks = jax.random.split(key, 9)
    x = jax.random.normal(ks[0], (1, 2048, D_MODEL), dtype=jnp.float32)
    router = jax.random.normal(ks[1], (D_MODEL, N_ROUTED), dtype=jnp.float32) * 0.006
    W1_r = jax.random.normal(ks[2], (N_ROUTED, HID, D_MODEL), dtype=jnp.float32) * 0.02
    W2_r = jax.random.normal(ks[3], (N_ROUTED, D_MODEL, HID), dtype=jnp.float32) * 0.02
    g_r = jnp.ones((N_ROUTED, D_MODEL), dtype=jnp.float32)
    W1_s = jax.random.normal(ks[4], (N_SHARED, HID, D_MODEL), dtype=jnp.float32) * 0.02
    W2_s = jax.random.normal(ks[5], (N_SHARED, D_MODEL, HID), dtype=jnp.float32) * 0.02
    g_s = jnp.ones((N_SHARED, D_MODEL), dtype=jnp.float32)
    return {"x": x, "router": router, "W1_r": W1_r, "W2_r": W2_r, "g_r": g_r,
            "W1_s": W1_s, "W2_s": W2_s, "g_s": g_s}


def reference(x, router, W1_r, W2_r, g_r, W1_s, W2_s, g_s):
    # Faithful to MoE._forward_optimized in eval mode (no dropout, no aux loss, no residual)
    B, T, _ = x.shape
    xf = x.reshape(B * T, D_MODEL)
    N = xf.shape[0]
    gates = jax.nn.softmax(xf @ router, axis=-1)                       # [N, E]
    top_v, top_i = jax.lax.top_k(gates, TOP_K)                          # [N, k]
    masked = jnp.zeros_like(gates).at[jnp.arange(N)[:, None], top_i].set(top_v)
    masked = masked / (masked.sum(axis=-1, keepdims=True) + EPS)
    # Distributor dispatch/combine is mathematically sum_e masked[:, e] * FFN_e(x)
    routed_all = jax.vmap(lambda g, W1, W2: ffn(xf, g, W1, W2))(g_r, W1_r, W2_r)  # [E, N, d]
    routed = jnp.einsum('ne,end->nd', masked, routed_all)
    shared = jax.vmap(lambda g, W1, W2: ffn(xf, g, W1, W2))(g_s, W1_s, W2_s).sum(axis=0)
    out = routed + shared
    return out.reshape(B, T, D_MODEL)

if __name__ == "__main__":
    import jax
    _d = setup_inputs()
    print(jax.jit(kernel)(*tuple(_d.values())))

</pallas_src>

<mosaic_0001>
#map = affine_map<(d0, d1) -> (0, 0)>
#map1 = affine_map<(d0, d1) -> (0, 0, 0)>
module attributes {stable_mosaic.version = 14 : i64} {
  func.func @_combine_gather_body(%arg0: i32, %arg1: i32, %arg2: memref<13824x1024xf32, #tpu.memory_space<hbm>>, %arg3: memref<32x6x32xi32, #tpu.memory_space<hbm>>, %arg4: memref<6144x1024xf32, #tpu.memory_space<hbm>>, %arg5: memref<6x32xi32, #tpu.memory_space<vmem>>, %arg6: memref<2x32x1024xf32, #tpu.memory_space<vmem>>, %arg7: memref<!tpu.dma_semaphore, #tpu.memory_space<semaphore_mem>>) attributes {dimension_semantics = [#tpu.dimension_semantics<core_parallel>, #tpu.dimension_semantics<subcore_parallel>], iteration_bounds = array<i64: 2, 16>, scalar_prefetch = 0 : i64, scratch_operands = 3 : i64, tpu.core_type = #tpu.core_type<sc_vector_subcore>, window_params = [{transform_indices = #map}, {transform_indices = #map1}, {transform_indices = #map}]} {
    %mul3A = arith.constant 2 : i32
    %mul3A_0 = arith.muli %arg1, %mul3A : i32
    %add3A = arith.addi %mul3A_0, %arg0 : i32
    "tpu.region"() ({
      %run_scoped3A_162 = tpu.sem_alloc : memref<!tpu.dma_semaphore, #tpu.memory_space<semaphore_mem>>
      %dma_start3A_163 = arith.constant 0 : i32
      %dma_start3A_164 = arith.constant 0 : i32
      %dma_start3A_165 = tpu.memref_slice %arg3[%add3A, %dma_start3A_163, %dma_start3A_164] : memref<32x6x32xi32, #tpu.memory_space<hbm>> -> memref<1x6x32xi32, #tpu.memory_space<hbm>>
      %dma_start3A_166 = tpu.memref_squeeze %dma_start3A_165 : memref<1x6x32xi32, #tpu.memory_space<hbm>> -> memref<6x32xi32, #tpu.memory_space<hbm>>
      %dma_start3A_167 = arith.constant 0 : i32
      %dma_start3A_168 = arith.constant 0 : i32
      %dma_start3A_169 = tpu.memref_slice %arg3[%add3A, %dma_start3A_167, %dma_start3A_168] : memref<32x6x32xi32, #tpu.memory_space<hbm>> -> memref<1x6x32xi32, #tpu.memory_space<hbm>>
      %dma_start3A_170 = tpu.memref_squeeze %dma_start3A_169 : memref<1x6x32xi32, #tpu.memory_space<hbm>> -> memref<6x32xi32, #tpu.memory_space<hbm>>
      tpu.enqueue_dma source(%dma_start3A_170 : memref<6x32xi32, #tpu.memory_space<hbm>>) target(%arg5 : memref<6x32xi32, #tpu.memory_space<vmem>>) target_semaphore(%run_scoped3A_162 : memref<!tpu.dma_semaphore, #tpu.memory_space<semaphore_mem>>)
      %dma_wait3A_171 = arith.constant 0 : i32
      %dma_wait3A_172 = arith.constant 0 : i32
      %dma_wait3A_173 = tpu.memref_slice %arg3[%add3A, %dma_wait3A_171, %dma_wait3A_172] : memref<32x6x32xi32, #tpu.memory_space<hbm>> -> memref<1x6x32xi32, #tpu.memory_space<hbm>>
      %dma_wait3A_174 = tpu.memref_squeeze %dma_wait3A_173 : memref<1x6x32xi32, #tpu.memory_space<hbm>> -> memref<6x32xi32, #tpu.memory_space<hbm>>
      %dma_wait3A_175 = arith.constant 0 : i32
      %dma_wait3A_176 = arith.constant 0 : i32
      %dma_wait3A_177 = tpu.memref_slice %arg3[%add3A, %dma_wait3A_175, %dma_wait3A_176] : memref<32x6x32xi32, #tpu.memory_space<hbm>> -> memref<1x6x32xi32, #tpu.memory_space<hbm>>
      %dma_wait3A_178 = tpu.memref_squeeze %dma_wait3A_177 : memref<1x6x32xi32, #tpu.memory_space<hbm>> -> memref<6x32xi32, #tpu.memory_space<hbm>>
      tpu.wait_dma2 semaphore(%run_scoped3A_162 : memref<!tpu.dma_semaphore, #tpu.memory_space<semaphore_mem>>) src(%dma_wait3A_178 : memref<6x32xi32, #tpu.memory_space<hbm>>) dst(%arg5 : memref<6x32xi32, #tpu.memory_space<vmem>>)
      tpu.yield
    }) : () -> ()
    %mul3A_1 = arith.constant 192 : i32
    %mul3A_2 = arith.muli %add3A, %mul3A_1 : i32
    %dma_start3A = arith.constant 0 : i32
    %dma_start3A_3 = arith.constant 0 : i32
    %dma_start3A_4 = arith.constant 0 : i32
    %dma_start3A_5 = arith.constant 0 : i32
    %dma_start3A_6 = tpu.memref_slice %arg6[%dma_start3A_3, %dma_start3A_4, %dma_start3A_5] : memref<2x32x1024xf32, #tpu.memory_space<vmem>> -> memref<1x32x1024xf32, #tpu.memory_space<vmem>>
    %dma_start3A_7 = tpu.memref_squeeze %dma_start3A_6 : memref<1x32x1024xf32, #tpu.memory_space<vmem>> -> memref<32x1024xf32, #tpu.memory_space<vmem>>
    %dma_start3A_8 = arith.constant 0 : i32
    %dma_start3A_9 = tpu.memref_slice %arg5[%dma_start3A, %dma_start3A_8] : memref<6x32xi32, #tpu.memory_space<vmem>> -> memref<1x32xi32, #tpu.memory_space<vmem>>
    %dma_start3A_10 = tpu.memref_squeeze %dma_start3A_9 : memref<1x32xi32, #tpu.memory_space<vmem>> -> memref<32xi32, #tpu.memory_space<vmem>>
    %dma_start3A_11 = arith.constant 0 : i32
    %dma_start3A_12 = arith.constant 0 : i32
    %dma_start3A_13 = tpu.memref_slice %arg2[%dma_start3A_11, %dma_start3A_12] : memref<13824x1024xf32, #tpu.memory_space<hbm>> -> memref<13824x1024xf32, #tpu.memory_space<hbm>>
    tpu.enqueue_indirect_dma source(%dma_start3A_13 : memref<13824x1024xf32, #tpu.memory_space<hbm>>) target(%dma_start3A_7 : memref<32x1024xf32, #tpu.memory_space<vmem>>) offsets(%dma_start3A_10 : memref<32xi32, #tpu.memory_space<vmem>>) semaphore(%arg7 : memref<!tpu.dma_semaphore, #tpu.memory_space<semaphore_mem>>)
    %dma_start3A_14 = arith.constant 1 : i32
    %dma_start3A_15 = arith.constant 1 : i32
    %dma_start3A_16 = arith.constant 0 : i32
    %dma_start3A_17 = arith.constant 0 : i32
    %dma_start3A_18 = tpu.memref_slice %arg6[%dma_start3A_15, %dma_start3A_16, %dma_start3A_17] : memref<2x32x1024xf32, #tpu.memory_space<vmem>> -> memref<1x32x1024xf32, #tpu.memory_space<vmem>>
    %dma_start3A_19 = tpu.memref_squeeze %dma_start3A_18 : memref<1x32x1024xf32, #tpu.memory_space<vmem>> -> memref<32x1024xf32, #tpu.memory_space<vmem>>
    %dma_start3A_20 = arith.constant 0 : i32
    %dma_start3A_21 = tpu.memref_slice %arg5[%dma_start3A_14, %dma_start3A_20] : memref<6x32xi32, #tpu.memory_space<vmem>> -> memref<1x32xi32, #tpu.memory_space<vmem>>
    %dma_start3A_22 = tpu.memref_squeeze %dma_start3A_21 : memref<1x32xi32, #tpu.memory_space<vmem>> -> memref<32xi32, #tpu.memory_space<vmem>>
    %dma_start3A_23 = arith.constant 0 : i32
    %dma_start3A_24 = arith.constant 0 : i32
    %dma_start3A_25 = tpu.memref_slice %arg2[%dma_start3A_23, %dma_start3A_24] : memref<13824x1024xf32, #tpu.memory_space<hbm>> -> memref<13824x1024xf32, #tpu.memory_space<hbm>>
    tpu.enqueue_indirect_dma source(%dma_start3A_25 : memref<13824x1024xf32, #tpu.memory_space<hbm>>) target(%dma_start3A_19 : memref<32x1024xf32, #tpu.memory_space<vmem>>) offsets(%dma_start3A_22 : memref<32xi32, #tpu.memory_space<vmem>>) semaphore(%arg7 : memref<!tpu.dma_semaphore, #tpu.memory_space<semaphore_mem>>)
    %dma_wait3A = arith.constant 0 : i32
    %dma_wait3A_26 = arith.constant 0 : i32
    %dma_wait3A_27 = arith.constant 0 : i32
    %dma_wait3A_28 = arith.constant 0 : i32
    %dma_wait3A_29 = tpu.memref_slice %arg6[%dma_wait3A_26, %dma_wait3A_27, %dma_wait3A_28] : memref<2x32x1024xf32, #tpu.memory_space<vmem>> -> memref<1x32x1024xf32, #tpu.memory_space<vmem>>
    %dma_wait3A_30 = tpu.memref_squeeze %dma_wait3A_29 : memref<1x32x1024xf32, #tpu.memory_space<vmem>> -> memref<32x1024xf32, #tpu.memory_space<vmem>>
    %dma_wait3A_31 = arith.constant 0 : i32
    %dma_wait3A_32 = tpu.memref_slice %arg5[%dma_wait3A, %dma_wait3A_31] : memref<6x32xi32, #tpu.memory_space<vmem>> -> memref<1x32xi32, #tpu.memory_space<vmem>>
    %dma_wait3A_33 = tpu.memref_squeeze %dma_wait3A_32 : memref<1x32xi32, #tpu.memory_space<vmem>> -> memref<32xi32, #tpu.memory_space<vmem>>
    %dma_wait3A_34 = arith.constant 0 : i32
    %dma_wait3A_35 = arith.constant 0 : i32
    %dma_wait3A_36 = tpu.memref_slice %arg2[%dma_wait3A_34, %dma_wait3A_35] : memref<13824x1024xf32, #tpu.memory_space<hbm>> -> memref<13824x1024xf32, #tpu.memory_space<hbm>>
    tpu.wait_indirect_dma semaphore(%arg7 : memref<!tpu.dma_semaphore, #tpu.memory_space<semaphore_mem>>) src(%dma_wait3A_36 : memref<13824x1024xf32, #tpu.memory_space<hbm>>) dst(%dma_wait3A_30 : memref<32x1024xf32, #tpu.memory_space<vmem>>)
    %add3A_37 = arith.constant 0 : i32
    %add3A_38 = arith.addi %mul3A_2, %add3A_37 : i32
    %run_scoped3A = arith.constant 0 : i32
    "tpu.region"() ({
      %run_scoped3A_162 = tpu.sem_alloc : memref<!tpu.dma_semaphore, #tpu.memory_space<semaphore_mem>>
      %dma_start3A_163 = arith.constant 0 : i32
      %dma_start3A_164 = arith.constant 0 : i32
      %dma_start3A_165 = tpu.memref_slice %arg6[%run_scoped3A, %dma_start3A_163, %dma_start3A_164] : memref<2x32x1024xf32, #tpu.memory_space<vmem>> -> memref<1x32x1024xf32, #tpu.memory_space<vmem>>
      %dma_start3A_166 = tpu.memref_squeeze %dma_start3A_165 : memref<1x32x1024xf32, #tpu.memory_space<vmem>> -> memref<32x1024xf32, #tpu.memory_space<vmem>>
      %dma_start3A_167 = arith.constant 0 : i32
      %dma_start3A_168 = tpu.memref_slice %arg4[%add3A_38, %dma_start3A_167] : memref<6144x1024xf32, #tpu.memory_space<hbm>> -> memref<32x1024xf32, #tpu.memory_space<hbm>>
      %dma_start3A_169 = arith.constant 0 : i32
      %dma_start3A_170 = tpu.memref_slice %arg4[%add3A_38, %dma_start3A_169] : memref<6144x1024xf32, #tpu.memory_space<hbm>> -> memref<32x1024xf32, #tpu.memory_space<hbm>>
      %dma_start3A_171 = arith.constant 0 : i32
      %dma_start3A_172 = arith.constant 0 : i32
      %dma_start3A_173 = tpu.memref_slice %arg6[%run_scoped3A, %dma_start3A_171, %dma_start3A_172] : memref<2x32x1024xf32, #tpu.memory_space<vmem>> -> memref<1x32x1024xf32, #tpu.memory_space<vmem>>
      %dma_start3A_174 = tpu.memref_squeeze %dma_start3A_173 : memref<1x32x1024xf32, #tpu.memory_space<vmem>> -> memref<32x1024xf32, #tpu.memory_space<vmem>>
      tpu.enqueue_dma source(%dma_start3A_174 : memref<32x1024xf32, #tpu.memory_space<vmem>>) target(%dma_start3A_170 : memref<32x1024xf32, #tpu.memory_space<hbm>>) target_semaphore(%run_scoped3A_162 : memref<!tpu.dma_semaphore, #tpu.memory_space<semaphore_mem>>)
      %dma_wait3A_175 = arith.constant 0 : i32
      %dma_wait3A_176 = arith.constant 0 : i32
      %dma_wait3A_177 = tpu.memref_slice %arg6[%run_scoped3A, %dma_wait3A_175, %dma_wait3A_176] : memref<2x32x1024xf32, #tpu.memory_space<vmem>> -> memref<1x32x1024xf32, #tpu.memory_space<vmem>>
      %dma_wait3A_178 = tpu.memref_squeeze %dma_wait3A_177 : memref<1x32x1024xf32, #tpu.memory_space<vmem>> -> memref<32x1024xf32, #tpu.memory_space<vmem>>
      %dma_wait3A_179 = arith.constant 0 : i32
      %dma_wait3A_180 = tpu.memref_slice %arg4[%add3A_38, %dma_wait3A_179] : memref<6144x1024xf32, #tpu.memory_space<hbm>> -> memref<32x1024xf32, #tpu.memory_space<hbm>>
      %dma_wait3A_181 = arith.constant 0 : i32
      %dma_wait3A_182 = tpu.memref_slice %arg4[%add3A_38, %dma_wait3A_181] : memref<6144x1024xf32, #tpu.memory_space<hbm>> -> memref<32x1024xf32, #tpu.memory_space<hbm>>
      %dma_wait3A_183 = arith.constant 0 : i32
      %dma_wait3A_184 = arith.constant 0 : i32
      %dma_wait3A_185 = tpu.memref_slice %arg6[%run_scoped3A, %dma_wait3A_183, %dma_wait3A_184] : memref<2x32x1024xf32, #tpu.memory_space<vmem>> -> memref<1x32x1024xf32, #tpu.memory_space<vmem>>
      %dma_wait3A_186 = tpu.memref_squeeze %dma_wait3A_185 : memref<1x32x1024xf32, #tpu.memory_space<vmem>> -> memref<32x1024xf32, #tpu.memory_space<vmem>>
      tpu.wait_dma2 semaphore(%run_scoped3A_162 : memref<!tpu.dma_semaphore, #tpu.memory_space<semaphore_mem>>) src(%dma_wait3A_186 : memref<32x1024xf32, #tpu.memory_space<vmem>>) dst(%dma_wait3A_182 : memref<32x1024xf32, #tpu.memory_space<hbm>>)
      tpu.yield
    }) : () -> ()
    %dma_start3A_39 = arith.constant 2 : i32
    %dma_start3A_40 = arith.constant 0 : i32
    %dma_start3A_41 = arith.constant 0 : i32
    %dma_start3A_42 = arith.constant 0 : i32
    %dma_start3A_43 = tpu.memref_slice %arg6[%dma_start3A_40, %dma_start3A_41, %dma_start3A_42] : memref<2x32x1024xf32, #tpu.memory_space<vmem>> -> memref<1x32x1024xf32, #tpu.memory_space<vmem>>
    %dma_start3A_44 = tpu.memref_squeeze %dma_start3A_43 : memref<1x32x1024xf32, #tpu.memory_space<vmem>> -> memref<32x1024xf32, #tpu.memory_space<vmem>>
    %dma_start3A_45 = arith.constant 0 : i32
    %dma_start3A_46 = tpu.memref_slice %arg5[%dma_start3A_39, %dma_start3A_45] : memref<6x32xi32, #tpu.memory_space<vmem>> -> memref<1x32xi32, #tpu.memory_space<vmem>>
    %dma_start3A_47 = tpu.memref_squeeze %dma_start3A_46 : memref<1x32xi32, #tpu.memory_space<vmem>> -> memref<32xi32, #tpu.memory_space<vmem>>
    %dma_start3A_48 = arith.constant 0 : i32
    %dma_start3A_49 = arith.constant 0 : i32
    %dma_start3A_50 = tpu.memref_slice %arg2[%dma_start3A_48, %dma_start3A_49] : memref<13824x1024xf32, #tpu.memory_space<hbm>> -> memref<13824x1024xf32, #tpu.memory_space<hbm>>
    tpu.enqueue_indirect_dma source(%dma_start3A_50 : memref<13824x1024xf32, #tpu.memory_space<hbm>>) target(%dma_start3A_44 : memref<32x1024xf32, #tpu.memory_space<vmem>>) offsets(%dma_start3A_47 : memref<32xi32, #tpu.memory_space<vmem>>) semaphore(%arg7 : memref<!tpu.dma_semaphore, #tpu.memory_space<semaphore_mem>>)
    %dma_wait3A_51 = arith.constant 1 : i32
    %dma_wait3A_52 = arith.constant 1 : i32
    %dma_wait3A_53 = arith.constant 0 : i32
    %dma_wait3A_54 = arith.constant 0 : i32
    %dma_wait3A_55 = tpu.memref_slice %arg6[%dma_wait3A_52, %dma_wait3A_53, %dma_wait3A_54] : memref<2x32x1024xf32, #tpu.memory_space<vmem>> -> memref<1x32x1024xf32, #tpu.memory_space<vmem>>
    %dma_wait3A_56 = tpu.memref_squeeze %dma_wait3A_55 : memref<1x32x1024xf32, #tpu.memory_space<vmem>> -> memref<32x1024xf32, #tpu.memory_space<vmem>>
    %dma_wait3A_57 = arith.constant 0 : i32
    %dma_wait3A_58 = tpu.memref_slice %arg5[%dma_wait3A_51, %dma_wait3A_57] : memref<6x32xi32, #tpu.memory_space<vmem>> -> memref<1x32xi32, #tpu.memory_space<vmem>>
    %dma_wait3A_59 = tpu.memref_squeeze %dma_wait3A_58 : memref<1x32xi32, #tpu.memory_space<vmem>> -> memref<32xi32, #tpu.memory_space<vmem>>
    %dma_wait3A_60 = arith.constant 0 : i32
    %dma_wait3A_61 = arith.constant 0 : i32
    %dma_wait3A_62 = tpu.memref_slice %arg2[%dma_wait3A_60, %dma_wait3A_61] : memref<13824x1024xf32, #tpu.memory_space<hbm>> -> memref<13824x1024xf32, #tpu.memory_space<hbm>>
    tpu.wait_indirect_dma semaphore(%arg7 : memref<!tpu.dma_semaphore, #tpu.memory_space<semaphore_mem>>) src(%dma_wait3A_62 : memref<13824x1024xf32, #tpu.memory_space<hbm>>) dst(%dma_wait3A_56 : memref<32x1024xf32, #tpu.memory_space<vmem>>)
    %add3A_63 = arith.constant 32 : i32
    %add3A_64 = arith.addi %mul3A_2, %add3A_63 : i32
    %run_scoped3A_65 = arith.constant 1 : i32
    "tpu.region"() ({
      %run_scoped3A_162 = tpu.sem_alloc : memref<!tpu.dma_semaphore, #tpu.memory_space<semaphore_mem>>
      %dma_start3A_163 = arith.constant 0 : i32
      %dma_start3A_164 = arith.constant 0 : i32
      %dma_start3A_165 = tpu.memref_slice %arg6[%run_scoped3A_65, %dma_start3A_163, %dma_start3A_164] : memref<2x32x1024xf32, #tpu.memory_space<vmem>> -> memref<1x32x1024xf32, #tpu.memory_space<vmem>>
      %dma_start3A_166 = tpu.memref_squeeze %dma_start3A_165 : memref<1x32x1024xf32, #tpu.memory_space<vmem>> -> memref<32x1024xf32, #tpu.memory_space<vmem>>
      %dma_start3A_167 = arith.constant 0 : i32
      %dma_start3A_168 = tpu.memref_slice %arg4[%add3A_64, %dma_start3A_167] : memref<6144x1024xf32, #tpu.memory_space<hbm>> -> memref<32x1024xf32, #tpu.memory_space<hbm>>
      %dma_start3A_169 = arith.constant 0 : i32
      %dma_start3A_170 = tpu.memref_slice %arg4[%add3A_64, %dma_start3A_169] : memref<6144x1024xf32, #tpu.memory_space<hbm>> -> memref<32x1024xf32, #tpu.memory_space<hbm>>
      %dma_start3A_171 = arith.constant 0 : i32
      %dma_start3A_172 = arith.constant 0 : i32
      %dma_start3A_173 = tpu.memref_slice %arg6[%run_scoped3A_65, %dma_start3A_171, %dma_start3A_172] : memref<2x32x1024xf32, #tpu.memory_space<vmem>> -> memref<1x32x1024xf32, #tpu.memory_space<vmem>>
      %dma_start3A_174 = tpu.memref_squeeze %dma_start3A_173 : memref<1x32x1024xf32, #tpu.memory_space<vmem>> -> memref<32x1024xf32, #tpu.memory_space<vmem>>
      tpu.enqueue_dma source(%dma_start3A_174 : memref<32x1024xf32, #tpu.memory_space<vmem>>) target(%dma_start3A_170 : memref<32x1024xf32, #tpu.memory_space<hbm>>) target_semaphore(%run_scoped3A_162 : memref<!tpu.dma_semaphore, #tpu.memory_space<semaphore_mem>>)
      %dma_wait3A_175 = arith.constant 0 : i32
      %dma_wait3A_176 = arith.constant 0 : i32
      %dma_wait3A_177 = tpu.memref_slice %arg6[%run_scoped3A_65, %dma_wait3A_175, %dma_wait3A_176] : memref<2x32x1024xf32, #tpu.memory_space<vmem>> -> memref<1x32x1024xf32, #tpu.memory_space<vmem>>
      %dma_wait3A_178 = tpu.memref_squeeze %dma_wait3A_177 : memref<1x32x1024xf32, #tpu.memory_space<vmem>> -> memref<32x1024xf32, #tpu.memory_space<vmem>>
      %dma_wait3A_179 = arith.constant 0 : i32
      %dma_wait3A_180 = tpu.memref_slice %arg4[%add3A_64, %dma_wait3A_179] : memref<6144x1024xf32, #tpu.memory_space<hbm>> -> memref<32x1024xf32, #tpu.memory_space<hbm>>
      %dma_wait3A_181 = arith.constant 0 : i32
      %dma_wait3A_182 = tpu.memref_slice %arg4[%add3A_64, %dma_wait3A_181] : memref<6144x1024xf32, #tpu.memory_space<hbm>> -> memref<32x1024xf32, #tpu.memory_space<hbm>>
      %dma_wait3A_183 = arith.constant 0 : i32
      %dma_wait3A_184 = arith.constant 0 : i32
      %dma_wait3A_185 = tpu.memref_slice %arg6[%run_scoped3A_65, %dma_wait3A_183, %dma_wait3A_184] : memref<2x32x1024xf32, #tpu.memory_space<vmem>> -> memref<1x32x1024xf32, #tpu.memory_space<vmem>>
      %dma_wait3A_186 = tpu.memref_squeeze %dma_wait3A_185 : memref<1x32x1024xf32, #tpu.memory_space<vmem>> -> memref<32x1024xf32, #tpu.memory_space<vmem>>
      tpu.wait_dma2 semaphore(%run_scoped3A_162 : memref<!tpu.dma_semaphore, #tpu.memory_space<semaphore_mem>>) src(%dma_wait3A_186 : memref<32x1024xf32, #tpu.memory_space<vmem>>) dst(%dma_wait3A_182 : memref<32x1024xf32, #tpu.memory_space<hbm>>)
      tpu.yield
    }) : () -> ()
    %dma_start3A_66 = arith.constant 3 : i32
    %dma_start3A_67 = arith.constant 1 : i32
    %dma_start3A_68 = arith.constant 0 : i32
    %dma_start3A_69 = arith.constant 0 : i32
    %dma_start3A_70 = tpu.memref_slice %arg6[%dma_start3A_67, %dma_start3A_68, %dma_start3A_69] : memref<2x32x1024xf32, #tpu.memory_space<vmem>> -> memref<1x32x1024xf32, #tpu.memory_space<vmem>>
    %dma_start3A_71 = tpu.memref_squeeze %dma_start3A_70 : memref<1x32x1024xf32, #tpu.memory_space<vmem>> -> memref<32x1024xf32, #tpu.memory_space<vmem>>
    %dma_start3A_72 = arith.constant 0 : i32
    %dma_start3A_73 = tpu.memref_slice %arg5[%dma_start3A_66, %dma_start3A_72] : memref<6x32xi32, #tpu.memory_space<vmem>> -> memref<1x32xi32, #tpu.memory_space<vmem>>
    %dma_start3A_74 = tpu.memref_squeeze %dma_start3A_73 : memref<1x32xi32, #tpu.memory_space<vmem>> -> memref<32xi32, #tpu.memory_space<vmem>>
    %dma_start3A_75 = arith.constant 0 : i32
    %dma_start3A_76 = arith.constant 0 : i32
    %dma_start3A_77 = tpu.memref_slice %arg2[%dma_start3A_75, %dma_start3A_76] : memref<13824x1024xf32, #tpu.memory_space<hbm>> -> memref<13824x1024xf32, #tpu.memory_space<hbm>>
    tpu.enqueue_indirect_dma source(%dma_start3A_77 : memref<13824x1024xf32, #tpu.memory_space<hbm>>) target(%dma_start3A_71 : memref<32x1024xf32, #tpu.memory_space<vmem>>) offsets(%dma_start3A_74 : memref<32xi32, #tpu.memory_space<vmem>>) semaphore(%arg7 : memref<!tpu.dma_semaphore, #tpu.memory_space<semaphore_mem>>)
    %dma_wait3A_78 = arith.constant 2 : i32
    %dma_wait3A_79 = arith.constant 0 : i32
    %dma_wait3A_80 = arith.constant 0 : i32
    %dma_wait3A_81 = arith.constant 0 : i32
    %dma_wait3A_82 = tpu.memref_slice %arg6[%dma_wait3A_79, %dma_wait3A_80, %dma_wait3A_81] : memref<2x32x1024xf32, #tpu.memory_space<vmem>> -> memref<1x32x1024xf32, #tpu.memory_space<vmem>>
    %dma_wait3A_83 = tpu.memref_squeeze %dma_wait3A_82 : memref<1x32x1024xf32, #tpu.memory_space<vmem>> -> memref<32x1024xf32, #tpu.memory_space<vmem>>
    %dma_wait3A_84 = arith.constant 0 : i32
    %dma_wait3A_85 = tpu.memref_slice %arg5[%dma_wait3A_78, %dma_wait3A_84] : memref<6x32xi32, #tpu.memory_space<vmem>> -> memref<1x32xi32, #tpu.memory_space<vmem>>
    %dma_wait3A_86 = tpu.memref_squeeze %dma_wait3A_85 : memref<1x32xi32, #tpu.memory_space<vmem>> -> memref<32xi32, #tpu.memory_space<vmem>>
    %dma_wait3A_87 = arith.constant 0 : i32
    %dma_wait3A_88 = arith.constant 0 : i32
    %dma_wait3A_89 = tpu.memref_slice %arg2[%dma_wait3A_87, %dma_wait3A_88] : memref<13824x1024xf32, #tpu.memory_space<hbm>> -> memref<13824x1024xf32, #tpu.memory_space<hbm>>
    tpu.wait_indirect_dma semaphore(%arg7 : memref<!tpu.dma_semaphore, #tpu.memory_space<semaphore_mem>>) src(%dma_wait3A_89 : memref<13824x1024xf32, #tpu.memory_space<hbm>>) dst(%dma_wait3A_83 : memref<32x1024xf32, #tpu.memory_space<vmem>>)
    %add3A_90 = arith.constant 64 : i32
    %add3A_91 = arith.addi %mul3A_2, %add3A_90 : i32
    %run_scoped3A_92 = arith.constant 0 : i32
    "tpu.region"() ({
      %run_scoped3A_162 = tpu.sem_alloc : memref<!tpu.dma_semaphore, #tpu.memory_space<semaphore_mem>>
      %dma_start3A_163 = arith.constant 0 : i32
      %dma_start3A_164 = arith.constant 0 : i32
      %dma_start3A_165 = tpu.memref_slice %arg6[%run_scoped3A_92, %dma_start3A_163, %dma_start3A_164] : memref<2x32x1024xf32, #tpu.memory_space<vmem>> -> memref<1x32x1024xf32, #tpu.memory_space<vmem>>
      %dma_start3A_166 = tpu.memref_squeeze %dma_start3A_165 : memref<1x32x1024xf32, #tpu.memory_space<vmem>> -> memref<32x1024xf32, #tpu.memory_space<vmem>>
      %dma_start3A_167 = arith.constant 0 : i32
      %dma_start3A_168 = tpu.memref_slice %arg4[%add3A_91, %dma_start3A_167] : memref<6144x1024xf32, #tpu.memory_space<hbm>> -> memref<32x1024xf32, #tpu.memory_space<hbm>>
      %dma_start3A_169 = arith.constant 0 : i32
      %dma_start3A_170 = tpu.memref_slice %arg4[%add3A_91, %dma_start3A_169] : memref<6144x1024xf32, #tpu.memory_space<hbm>> -> memref<32x1024xf32, #tpu.memory_space<hbm>>
      %dma_start3A_171 = arith.constant 0 : i32
      %dma_start3A_172 = arith.constant 0 : i32
      %dma_start3A_173 = tpu.memref_slice %arg6[%run_scoped3A_92, %dma_start3A_171, %dma_start3A_172] : memref<2x32x1024xf32, #tpu.memory_space<vmem>> -> memref<1x32x1024xf32, #tpu.memory_space<vmem>>
      %dma_start3A_174 = tpu.memref_squeeze %dma_start3A_173 : memref<1x32x1024xf32, #tpu.memory_space<vmem>> -> memref<32x1024xf32, #tpu.memory_space<vmem>>
      tpu.enqueue_dma source(%dma_start3A_174 : memref<32x1024xf32, #tpu.memory_space<vmem>>) target(%dma_start3A_170 : memref<32x1024xf32, #tpu.memory_space<hbm>>) target_semaphore(%run_scoped3A_162 : memref<!tpu.dma_semaphore, #tpu.memory_space<semaphore_mem>>)
      %dma_wait3A_175 = arith.constant 0 : i32
      %dma_wait3A_176 = arith.constant 0 : i32
      %dma_wait3A_177 = tpu.memref_slice %arg6[%run_scoped3A_92, %dma_wait3A_175, %dma_wait3A_176] : memref<2x32x1024xf32, #tpu.memory_space<vmem>> -> memref<1x32x1024xf32, #tpu.memory_space<vmem>>
      %dma_wait3A_178 = tpu.memref_squeeze %dma_wait3A_177 : memref<1x32x1024xf32, #tpu.memory_space<vmem>> -> memref<32x1024xf32, #tpu.memory_space<vmem>>
      %dma_wait3A_179 = arith.constant 0 : i32
      %dma_wait3A_180 = tpu.memref_slice %arg4[%add3A_91, %dma_wait3A_179] : memref<6144x1024xf32, #tpu.memory_space<hbm>> -> memref<32x1024xf32, #tpu.memory_space<hbm>>
      %dma_wait3A_181 = arith.constant 0 : i32
      %dma_wait3A_182 = tpu.memref_slice %arg4[%add3A_91, %dma_wait3A_181] : memref<6144x1024xf32, #tpu.memory_space<hbm>> -> memref<32x1024xf32, #tpu.memory_space<hbm>>
      %dma_wait3A_183 = arith.constant 0 : i32
      %dma_wait3A_184 = arith.constant 0 : i32
      %dma_wait3A_185 = tpu.memref_slice %arg6[%run_scoped3A_92, %dma_wait3A_183, %dma_wait3A_184] : memref<2x32x1024xf32, #tpu.memory_space<vmem>> -> memref<1x32x1024xf32, #tpu.memory_space<vmem>>
      %dma_wait3A_186 = tpu.memref_squeeze %dma_wait3A_185 : memref<1x32x1024xf32, #tpu.memory_space<vmem>> -> memref<32x1024xf32, #tpu.memory_space<vmem>>
      tpu.wait_dma2 semaphore(%run_scoped3A_162 : memref<!tpu.dma_semaphore, #tpu.memory_space<semaphore_mem>>) src(%dma_wait3A_186 : memref<32x1024xf32, #tpu.memory_space<vmem>>) dst(%dma_wait3A_182 : memref<32x1024xf32, #tpu.memory_space<hbm>>)
      tpu.yield
    }) : () -> ()
    %dma_start3A_93 = arith.constant 4 : i32
    %dma_start3A_94 = arith.constant 0 : i32
    %dma_start3A_95 = arith.constant 0 : i32
    %dma_start3A_96 = arith.constant 0 : i32
    %dma_start3A_97 = tpu.memref_slice %arg6[%dma_start3A_94, %dma_start3A_95, %dma_start3A_96] : memref<2x32x1024xf32, #tpu.memory_space<vmem>> -> memref<1x32x1024xf32, #tpu.memory_space<vmem>>
    %dma_start3A_98 = tpu.memref_squeeze %dma_start3A_97 : memref<1x32x1024xf32, #tpu.memory_space<vmem>> -> memref<32x1024xf32, #tpu.memory_space<vmem>>
    %dma_start3A_99 = arith.constant 0 : i32
    %dma_start3A_100 = tpu.memref_slice %arg5[%dma_start3A_93, %dma_start3A_99] : memref<6x32xi32, #tpu.memory_space<vmem>> -> memref<1x32xi32, #tpu.memory_space<vmem>>
    %dma_start3A_101 = tpu.memref_squeeze %dma_start3A_100 : memref<1x32xi32, #tpu.memory_space<vmem>> -> memref<32xi32, #tpu.memory_space<vmem>>
    %dma_start3A_102 = arith.constant 0 : i32
    %dma_start3A_103 = arith.constant 0 : i32
    %dma_start3A_104 = tpu.memref_slice %arg2[%dma_start3A_102, %dma_start3A_103] : memref<13824x1024xf32, #tpu.memory_space<hbm>> -> memref<13824x1024xf32, #tpu.memory_space<hbm>>
    tpu.enqueue_indirect_dma source(%dma_start3A_104 : memref<13824x1024xf32, #tpu.memory_space<hbm>>) target(%dma_start3A_98 : memref<32x1024xf32, #tpu.memory_space<vmem>>) offsets(%dma_start3A_101 : memref<32xi32, #tpu.memory_space<vmem>>) semaphore(%arg7 : memref<!tpu.dma_semaphore, #tpu.memory_space<semaphore_mem>>)
    %dma_wait3A_105 = arith.constant 3 : i32
    %dma_wait3A_106 = arith.constant 1 : i32
    %dma_wait3A_107 = arith.constant 0 : i32
    %dma_wait3A_108 = arith.constant 0 : i32
    %dma_wait3A_109 = tpu.memref_slice %arg6[%dma_wait3A_106, %dma_wait3A_107, %dma_wait3A_108] : memref<2x32x1024xf32, #tpu.memory_space<vmem>> -> memref<1x32x1024xf32, #tpu.memory_space<vmem>>
    %dma_wait3A_110 = tpu.memref_squeeze %dma_wait3A_109 : memref<1x32x1024xf32, #tpu.memory_space<vmem>> -> memref<32x1024xf32, #tpu.memory_space<vmem>>
    %dma_wait3A_111 = arith.constant 0 : i32
    %dma_wait3A_112 = tpu.memref_slice %arg5[%dma_wait3A_105, %dma_wait3A_111] : memref<6x32xi32, #tpu.memory_space<vmem>> -> memref<1x32xi32, #tpu.memory_space<vmem>>
    %dma_wait3A_113 = tpu.memref_squeeze %dma_wait3A_112 : memref<1x32xi32, #tpu.memory_space<vmem>> -> memref<32xi32, #tpu.memory_space<vmem>>
    %dma_wait3A_114 = arith.constant 0 : i32
    %dma_wait3A_115 = arith.constant 0 : i32
    %dma_wait3A_116 = tpu.memref_slice %arg2[%dma_wait3A_114, %dma_wait3A_115] : memref<13824x1024xf32, #tpu.memory_space<hbm>> -> memref<13824x1024xf32, #tpu.memory_space<hbm>>
    tpu.wait_indirect_dma semaphore(%arg7 : memref<!tpu.dma_semaphore, #tpu.memory_space<semaphore_mem>>) src(%dma_wait3A_116 : memref<13824x1024xf32, #tpu.memory_space<hbm>>) dst(%dma_wait3A_110 : memref<32x1024xf32, #tpu.memory_space<vmem>>)
    %add3A_117 = arith.constant 96 : i32
    %add3A_118 = arith.addi %mul3A_2, %add3A_117 : i32
    %run_scoped3A_119 = arith.constant 1 : i32
    "tpu.region"() ({
      %run_scoped3A_162 = tpu.sem_alloc : memref<!tpu.dma_semaphore, #tpu.memory_space<semaphore_mem>>
      %dma_start3A_163 = arith.constant 0 : i32
      %dma_start3A_164 = arith.constant 0 : i32
      %dma_start3A_165 = tpu.memref_slice %arg6[%run_scoped3A_119, %dma_start3A_163, %dma_start3A_164] : memref<2x32x1024xf32, #tpu.memory_space<vmem>> -> memref<1x32x1024xf32, #tpu.memory_space<vmem>>
      %dma_start3A_166 = tpu.memref_squeeze %dma_start3A_165 : memref<1x32x1024xf32, #tpu.memory_space<vmem>> -> memref<32x1024xf32, #tpu.memory_space<vmem>>
      %dma_start3A_167 = arith.constant 0 : i32
      %dma_start3A_168 = tpu.memref_slice %arg4[%add3A_118, %dma_start3A_167] : memref<6144x1024xf32, #tpu.memory_space<hbm>> -> memref<32x1024xf32, #tpu.memory_space<hbm>>
      %dma_start3A_169 = arith.constant 0 : i32
      %dma_start3A_170 = tpu.memref_slice %arg4[%add3A_118, %dma_start3A_169] : memref<6144x1024xf32, #tpu.memory_space<hbm>> -> memref<32x1024xf32, #tpu.memory_space<hbm>>
      %dma_start3A_171 = arith.constant 0 : i32
      %dma_start3A_172 = arith.constant 0 : i32
      %dma_start3A_173 = tpu.memref_slice %arg6[%run_scoped3A_119, %dma_start3A_171, %dma_start3A_172] : memref<2x32x1024xf32, #tpu.memory_space<vmem>> -> memref<1x32x1024xf32, #tpu.memory_space<vmem>>
      %dma_start3A_174 = tpu.memref_squeeze %dma_start3A_173 : memref<1x32x1024xf32, #tpu.memory_space<vmem>> -> memref<32x1024xf32, #tpu.memory_space<vmem>>
      tpu.enqueue_dma source(%dma_start3A_174 : memref<32x1024xf32, #tpu.memory_space<vmem>>) target(%dma_start3A_170 : memref<32x1024xf32, #tpu.memory_space<hbm>>) target_semaphore(%run_scoped3A_162 : memref<!tpu.dma_semaphore, #tpu.memory_space<semaphore_mem>>)
      %dma_wait3A_175 = arith.constant 0 : i32
      %dma_wait3A_176 = arith.constant 0 : i32
      %dma_wait3A_177 = tpu.memref_slice %arg6[%run_scoped3A_119, %dma_wait3A_175, %dma_wait3A_176] : memref<2x32x1024xf32, #tpu.memory_space<vmem>> -> memref<1x32x1024xf32, #tpu.memory_space<vmem>>
      %dma_wait3A_178 = tpu.memref_squeeze %dma_wait3A_177 : memref<1x32x1024xf32, #tpu.memory_space<vmem>> -> memref<32x1024xf32, #tpu.memory_space<vmem>>
      %dma_wait3A_179 = arith.constant 0 : i32
      %dma_wait3A_180 = tpu.memref_slice %arg4[%add3A_118, %dma_wait3A_179] : memref<6144x1024xf32, #tpu.memory_space<hbm>> -> memref<32x1024xf32, #tpu.memory_space<hbm>>
      %dma_wait3A_181 = arith.constant 0 : i32
      %dma_wait3A_182 = tpu.memref_slice %arg4[%add3A_118, %dma_wait3A_181] : memref<6144x1024xf32, #tpu.memory_space<hbm>> -> memref<32x1024xf32, #tpu.memory_space<hbm>>
      %dma_wait3A_183 = arith.constant 0 : i32
      %dma_wait3A_184 = arith.constant 0 : i32
      %dma_wait3A_185 = tpu.memref_slice %arg6[%run_scoped3A_119, %dma_wait3A_183, %dma_wait3A_184] : memref<2x32x1024xf32, #tpu.memory_space<vmem>> -> memref<1x32x1024xf32, #tpu.memory_space<vmem>>
      %dma_wait3A_186 = tpu.memref_squeeze %dma_wait3A_185 : memref<1x32x1024xf32, #tpu.memory_space<vmem>> -> memref<32x1024xf32, #tpu.memory_space<vmem>>
      tpu.wait_dma2 semaphore(%run_scoped3A_162 : memref<!tpu.dma_semaphore, #tpu.memory_space<semaphore_mem>>) src(%dma_wait3A_186 : memref<32x1024xf32, #tpu.memory_space<vmem>>) dst(%dma_wait3A_182 : memref<32x1024xf32, #tpu.memory_space<hbm>>)
      tpu.yield
    }) : () -> ()
    %dma_start3A_120 = arith.constant 5 : i32
    %dma_start3A_121 = arith.constant 1 : i32
    %dma_start3A_122 = arith.constant 0 : i32
    %dma_start3A_123 = arith.constant 0 : i32
    %dma_start3A_124 = tpu.memref_slice %arg6[%dma_start3A_121, %dma_start3A_122, %dma_start3A_123] : memref<2x32x1024xf32, #tpu.memory_space<vmem>> -> memref<1x32x1024xf32, #tpu.memory_space<vmem>>
    %dma_start3A_125 = tpu.memref_squeeze %dma_start3A_124 : memref<1x32x1024xf32, #tpu.memory_space<vmem>> -> memref<32x1024xf32, #tpu.memory_space<vmem>>
    %dma_start3A_126 = arith.constant 0 : i32
    %dma_start3A_127 = tpu.memref_slice %arg5[%dma_start3A_120, %dma_start3A_126] : memref<6x32xi32, #tpu.memory_space<vmem>> -> memref<1x32xi32, #tpu.memory_space<vmem>>
    %dma_start3A_128 = tpu.memref_squeeze %dma_start3A_127 : memref<1x32xi32, #tpu.memory_space<vmem>> -> memref<32xi32, #tpu.memory_space<vmem>>
    %dma_start3A_129 = arith.constant 0 : i32
    %dma_start3A_130 = arith.constant 0 : i32
    %dma_start3A_131 = tpu.memref_slice %arg2[%dma_start3A_129, %dma_start3A_130] : memref<13824x1024xf32, #tpu.memory_space<hbm>> -> memref<13824x1024xf32, #tpu.memory_space<hbm>>
    tpu.enqueue_indirect_dma source(%dma_start3A_131 : memref<13824x1024xf32, #tpu.memory_space<hbm>>) target(%dma_start3A_125 : memref<32x1024xf32, #tpu.memory_space<vmem>>) offsets(%dma_start3A_128 : memref<32xi32, #tpu.memory_space<vmem>>) semaphore(%arg7 : memref<!tpu.dma_semaphore, #tpu.memory_space<semaphore_mem>>)
    %dma_wait3A_132 = arith.constant 4 : i32
    %dma_wait3A_133 = arith.constant 0 : i32
    %dma_wait3A_134 = arith.constant 0 : i32
    %dma_wait3A_135 = arith.constant 0 : i32
    %dma_wait3A_136 = tpu.memref_slice %arg6[%dma_wait3A_133, %dma_wait3A_134, %dma_wait3A_135] : memref<2x32x1024xf32, #tpu.memory_space<vmem>> -> memref<1x32x1024xf32, #tpu.memory_space<vmem>>
    %dma_wait3A_137 = tpu.memref_squeeze %dma_wait3A_136 : memref<1x32x1024xf32, #tpu.memory_space<vmem>> -> memref<32x1024xf32, #tpu.memory_space<vmem>>
    %dma_wait3A_138 = arith.constant 0 : i32
    %dma_wait3A_139 = tpu.memref_slice %arg5[%dma_wait3A_132, %dma_wait3A_138] : memref<6x32xi32, #tpu.memory_space<vmem>> -> memref<1x32xi32, #tpu.memory_space<vmem>>
    %dma_wait3A_140 = tpu.memref_squeeze %dma_wait3A_139 : memref<1x32xi32, #tpu.memory_space<vmem>> -> memref<32xi32, #tpu.memory_space<vmem>>
    %dma_wait3A_141 = arith.constant 0 : i32
    %dma_wait3A_142 = arith.constant 0 : i32
    %dma_wait3A_143 = tpu.memref_slice %arg2[%dma_wait3A_141, %dma_wait3A_142] : memref<13824x1024xf32, #tpu.memory_space<hbm>> -> memref<13824x1024xf32, #tpu.memory_space<hbm>>
    tpu.wait_indirect_dma semaphore(%arg7 : memref<!tpu.dma_semaphore, #tpu.memory_space<semaphore_mem>>) src(%dma_wait3A_143 : memref<13824x1024xf32, #tpu.memory_space<hbm>>) dst(%dma_wait3A_137 : memref<32x1024xf32, #tpu.memory_space<vmem>>)
    %add3A_144 = arith.constant 128 : i32
    %add3A_145 = arith.addi %mul3A_2, %add3A_144 : i32
    %run_scoped3A_146 = arith.constant 0 : i32
    "tpu.region"() ({
      %run_scoped3A_162 = tpu.sem_alloc : memref<!tpu.dma_semaphore, #tpu.memory_space<semaphore_mem>>
      %dma_start3A_163 = arith.constant 0 : i32
      %dma_start3A_164 = arith.constant 0 : i32
      %dma_start3A_165 = tpu.memref_slice %arg6[%run_scoped3A_146, %dma_start3A_163, %dma_start3A_164] : memref<2x32x1024xf32, #tpu.memory_space<vmem>> -> memref<1x32x1024xf32, #tpu.memory_space<vmem>>
      %dma_start3A_166 = tpu.memref_squeeze %dma_start3A_165 : memref<1x32x1024xf32, #tpu.memory_space<vmem>> -> memref<32x1024xf32, #tpu.memory_space<vmem>>
      %dma_start3A_167 = arith.constant 0 : i32
      %dma_start3A_168 = tpu.memref_slice %arg4[%add3A_145, %dma_start3A_167] : memref<6144x1024xf32, #tpu.memory_space<hbm>> -> memref<32x1024xf32, #tpu.memory_space<hbm>>
      %dma_start3A_169 = arith.constant 0 : i32
      %dma_start3A_170 = tpu.memref_slice %arg4[%add3A_145, %dma_start3A_169] : memref<6144x1024xf32, #tpu.memory_space<hbm>> -> memref<32x1024xf32, #tpu.memory_space<hbm>>
      %dma_start3A_171 = arith.constant 0 : i32
      %dma_start3A_172 = arith.constant 0 : i32
      %dma_start3A_173 = tpu.memref_slice %arg6[%run_scoped3A_146, %dma_start3A_171, %dma_start3A_172] : memref<2x32x1024xf32, #tpu.memory_space<vmem>> -> memref<1x32x1024xf32, #tpu.memory_space<vmem>>
      %dma_start3A_174 = tpu.memref_squeeze %dma_start3A_173 : memref<1x32x1024xf32, #tpu.memory_space<vmem>> -> memref<32x1024xf32, #tpu.memory_space<vmem>>
      tpu.enqueue_dma source(%dma_start3A_174 : memref<32x1024xf32, #tpu.memory_space<vmem>>) target(%dma_start3A_170 : memref<32x1024xf32, #tpu.memory_space<hbm>>) target_semaphore(%run_scoped3A_162 : memref<!tpu.dma_semaphore, #tpu.memory_space<semaphore_mem>>)
      %dma_wait3A_175 = arith.constant 0 : i32
      %dma_wait3A_176 = arith.constant 0 : i32
      %dma_wait3A_177 = tpu.memref_slice %arg6[%run_scoped3A_146, %dma_wait3A_175, %dma_wait3A_176] : memref<2x32x1024xf32, #tpu.memory_space<vmem>> -> memref<1x32x1024xf32, #tpu.memory_space<vmem>>
      %dma_wait3A_178 = tpu.memref_squeeze %dma_wait3A_177 : memref<1x32x1024xf32, #tpu.memory_space<vmem>> -> memref<32x1024xf32, #tpu.memory_space<vmem>>
      %dma_wait3A_179 = arith.constant 0 : i32
      %dma_wait3A_180 = tpu.memref_slice %arg4[%add3A_145, %dma_wait3A_179] : memref<6144x1024xf32, #tpu.memory_space<hbm>> -> memref<32x1024xf32, #tpu.memory_space<hbm>>
      %dma_wait3A_181 = arith.constant 0 : i32
      %dma_wait3A_182 = tpu.memref_slice %arg4[%add3A_145, %dma_wait3A_181] : memref<6144x1024xf32, #tpu.memory_space<hbm>> -> memref<32x1024xf32, #tpu.memory_space<hbm>>
      %dma_wait3A_183 = arith.constant 0 : i32
      %dma_wait3A_184 = arith.constant 0 : i32
      %dma_wait3A_185 = tpu.memref_slice %arg6[%run_scoped3A_146, %dma_wait3A_183, %dma_wait3A_184] : memref<2x32x1024xf32, #tpu.memory_space<vmem>> -> memref<1x32x1024xf32, #tpu.memory_space<vmem>>
      %dma_wait3A_186 = tpu.memref_squeeze %dma_wait3A_185 : memref<1x32x1024xf32, #tpu.memory_space<vmem>> -> memref<32x1024xf32, #tpu.memory_space<vmem>>
      tpu.wait_dma2 semaphore(%run_scoped3A_162 : memref<!tpu.dma_semaphore, #tpu.memory_space<semaphore_mem>>) src(%dma_wait3A_186 : memref<32x1024xf32, #tpu.memory_space<vmem>>) dst(%dma_wait3A_182 : memref<32x1024xf32, #tpu.memory_space<hbm>>)
      tpu.yield
    }) : () -> ()
    %dma_wait3A_147 = arith.constant 5 : i32
    %dma_wait3A_148 = arith.constant 1 : i32
    %dma_wait3A_149 = arith.constant 0 : i32
    %dma_wait3A_150 = arith.constant 0 : i32
    %dma_wait3A_151 = tpu.memref_slice %arg6[%dma_wait3A_148, %dma_wait3A_149, %dma_wait3A_150] : memref<2x32x1024xf32, #tpu.memory_space<vmem>> -> memref<1x32x1024xf32, #tpu.memory_space<vmem>>
    %dma_wait3A_152 = tpu.memref_squeeze %dma_wait3A_151 : memref<1x32x1024xf32, #tpu.memory_space<vmem>> -> memref<32x1024xf32, #tpu.memory_space<vmem>>
    %dma_wait3A_153 = arith.constant 0 : i32
    %dma_wait3A_154 = tpu.memref_slice %arg5[%dma_wait3A_147, %dma_wait3A_153] : memref<6x32xi32, #tpu.memory_space<vmem>> -> memref<1x32xi32, #tpu.memory_space<vmem>>
    %dma_wait3A_155 = tpu.memref_squeeze %dma_wait3A_154 : memref<1x32xi32, #tpu.memory_space<vmem>> -> memref<32xi32, #tpu.memory_space<vmem>>
    %dma_wait3A_156 = arith.constant 0 : i32
    %dma_wait3A_157 = arith.constant 0 : i32
    %dma_wait3A_158 = tpu.memref_slice %arg2[%dma_wait3A_156, %dma_wait3A_157] : memref<13824x1024xf32, #tpu.memory_space<hbm>> -> memref<13824x1024xf32, #tpu.memory_space<hbm>>
    tpu.wait_indirect_dma semaphore(%arg7 : memref<!tpu.dma_semaphore, #tpu.memory_space<semaphore_mem>>) src(%dma_wait3A_158 : memref<13824x1024xf32, #tpu.memory_space<hbm>>) dst(%dma_wait3A_152 : memref<32x1024xf32, #tpu.memory_space<vmem>>)
    %add3A_159 = arith.constant 160 : i32
    %add3A_160 = arith.addi %mul3A_2, %add3A_159 : i32
    %run_scoped3A_161 = arith.constant 1 : i32
    "tpu.region"() ({
      %run_scoped3A_162 = tpu.sem_alloc : memref<!tpu.dma_semaphore, #tpu.memory_space<semaphore_mem>>
      %dma_start3A_163 = arith.constant 0 : i32
      %dma_start3A_164 = arith.constant 0 : i32
      %dma_start3A_165 = tpu.memref_slice %arg6[%run_scoped3A_161, %dma_start3A_163, %dma_start3A_164] : memref<2x32x1024xf32, #tpu.memory_space<vmem>> -> memref<1x32x1024xf32, #tpu.memory_space<vmem>>
      %dma_start3A_166 = tpu.memref_squeeze %dma_start3A_165 : memref<1x32x1024xf32, #tpu.memory_space<vmem>> -> memref<32x1024xf32, #tpu.memory_space<vmem>>
      %dma_start3A_167 = arith.constant 0 : i32
      %dma_start3A_168 = tpu.memref_slice %arg4[%add3A_160, %dma_start3A_167] : memref<6144x1024xf32, #tpu.memory_space<hbm>> -> memref<32x1024xf32, #tpu.memory_space<hbm>>
      %dma_start3A_169 = arith.constant 0 : i32
      %dma_start3A_170 = tpu.memref_slice %arg4[%add3A_160, %dma_start3A_169] : memref<6144x1024xf32, #tpu.memory_space<hbm>> -> memref<32x1024xf32, #tpu.memory_space<hbm>>
      %dma_start3A_171 = arith.constant 0 : i32
      %dma_start3A_172 = arith.constant 0 : i32
      %dma_start3A_173 = tpu.memref_slice %arg6[%run_scoped3A_161, %dma_start3A_171, %dma_start3A_172] : memref<2x32x1024xf32, #tpu.memory_space<vmem>> -> memref<1x32x1024xf32, #tpu.memory_space<vmem>>
      %dma_start3A_174 = tpu.memref_squeeze %dma_start3A_173 : memref<1x32x1024xf32, #tpu.memory_space<vmem>> -> memref<32x1024xf32, #tpu.memory_space<vmem>>
      tpu.enqueue_dma source(%dma_start3A_174 : memref<32x1024xf32, #tpu.memory_space<vmem>>) target(%dma_start3A_170 : memref<32x1024xf32, #tpu.memory_space<hbm>>) target_semaphore(%run_scoped3A_162 : memref<!tpu.dma_semaphore, #tpu.memory_space<semaphore_mem>>)
      %dma_wait3A_175 = arith.constant 0 : i32
      %dma_wait3A_176 = arith.constant 0 : i32
      %dma_wait3A_177 = tpu.memref_slice %arg6[%run_scoped3A_161, %dma_wait3A_175, %dma_wait3A_176] : memref<2x32x1024xf32, #tpu.memory_space<vmem>> -> memref<1x32x1024xf32, #tpu.memory_space<vmem>>
      %dma_wait3A_178 = tpu.memref_squeeze %dma_wait3A_177 : memref<1x32x1024xf32, #tpu.memory_space<vmem>> -> memref<32x1024xf32, #tpu.memory_space<vmem>>
      %dma_wait3A_179 = arith.constant 0 : i32
      %dma_wait3A_180 = tpu.memref_slice %arg4[%add3A_160, %dma_wait3A_179] : memref<6144x1024xf32, #tpu.memory_space<hbm>> -> memref<32x1024xf32, #tpu.memory_space<hbm>>
      %dma_wait3A_181 = arith.constant 0 : i32
      %dma_wait3A_182 = tpu.memref_slice %arg4[%add3A_160, %dma_wait3A_181] : memref<6144x1024xf32, #tpu.memory_space<hbm>> -> memref<32x1024xf32, #tpu.memory_space<hbm>>
      %dma_wait3A_183 = arith.constant 0 : i32
      %dma_wait3A_184 = arith.constant 0 : i32
      %dma_wait3A_185 = tpu.memref_slice %arg6[%run_scoped3A_161, %dma_wait3A_183, %dma_wait3A_184] : memref<2x32x1024xf32, #tpu.memory_space<vmem>> -> memref<1x32x1024xf32, #tpu.memory_space<vmem>>
      %dma_wait3A_186 = tpu.memref_squeeze %dma_wait3A_185 : memref<1x32x1024xf32, #tpu.memory_space<vmem>> -> memref<32x1024xf32, #tpu.memory_space<vmem>>
      tpu.wait_dma2 semaphore(%run_scoped3A_162 : memref<!tpu.dma_semaphore, #tpu.memory_space<semaphore_mem>>) src(%dma_wait3A_186 : memref<32x1024xf32, #tpu.memory_space<vmem>>) dst(%dma_wait3A_182 : memref<32x1024xf32, #tpu.memory_space<hbm>>)
      tpu.yield
    }) : () -> ()
    return
  }
}

#map = affine_map<(d0, d1) -> (0, 0)>
#map1 = affine_map<(d0, d1) -> (0, 0, 0)>
module attributes {stable_mosaic.version = 14 : i64} {
  func.func @_dispatch_body(%arg0: i32, %arg1: i32, %arg2: memref<2048x1024xf32, #tpu.memory_space<hbm>>, %arg3: memref<32x6x32xi32, #tpu.memory_space<hbm>>, %arg4: memref<13824x1024xf32, #tpu.memory_space<hbm>>, %arg5: memref<6x32xi32, #tpu.memory_space<vmem>>, %arg6: memref<2x32x1024xf32, #tpu.memory_space<vmem>>, %arg7: memref<!tpu.dma_semaphore, #tpu.memory_space<semaphore_mem>>) attributes {dimension_semantics = [#tpu.dimension_semantics<core_parallel>, #tpu.dimension_semantics<subcore_parallel>], iteration_bounds = array<i64: 2, 16>, scalar_prefetch = 0 : i64, scratch_operands = 3 : i64, tpu.core_type = #tpu.core_type<sc_vector_subcore>, window_params = [{transform_indices = #map}, {transform_indices = #map1}, {transform_indices = #map}]} {
    %mul3A = arith.constant 2 : i32
    %mul3A_0 = arith.muli %arg1, %mul3A : i32
    %add3A = arith.addi %mul3A_0, %arg0 : i32
    "tpu.region"() ({
      %run_scoped3A_251 = tpu.sem_alloc : memref<!tpu.dma_semaphore, #tpu.memory_space<semaphore_mem>>
      %dma_start3A_252 = arith.constant 0 : i32
      %dma_start3A_253 = arith.constant 0 : i32
      %dma_start3A_254 = tpu.memref_slice %arg3[%add3A, %dma_start3A_252, %dma_start3A_253] : memref<32x6x32xi32, #tpu.memory_space<hbm>> -> memref<1x6x32xi32, #tpu.memory_space<hbm>>
      %dma_start3A_255 = tpu.memref_squeeze %dma_start3A_254 : memref<1x6x32xi32, #tpu.memory_space<hbm>> -> memref<6x32xi32, #tpu.memory_space<hbm>>
      %dma_start3A_256 = arith.constant 0 : i32
      %dma_start3A_257 = arith.constant 0 : i32
      %dma_start3A_258 = tpu.memref_slice %arg3[%add3A, %dma_start3A_256, %dma_start3A_257] : memref<32x6x32xi32, #tpu.memory_space<hbm>> -> memref<1x6x32xi32, #tpu.memory_space<hbm>>
      %dma_start3A_259 = tpu.memref_squeeze %dma_start3A_258 : memref<1x6x32xi32, #tpu.memory_space<hbm>> -> memref<6x32xi32, #tpu.memory_space<hbm>>
      tpu.enqueue_dma source(%dma_start3A_259 : memref<6x32xi32, #tpu.memory_space<hbm>>) target(%arg5 : memref<6x32xi32, #tpu.memory_space<vmem>>) target_semaphore(%run_scoped3A_251 : memref<!tpu.dma_semaphore, #tpu.memory_space<semaphore_mem>>)
      %dma_wait3A_260 = arith.constant 0 : i32
      %dma_wait3A_261 = arith.constant 0 : i32
      %dma_wait3A_262 = tpu.memref_slice %arg3[%add3A, %dma_wait3A_260, %dma_wait3A_261] : memref<32x6x32xi32, #tpu.memory_space<hbm>> -> memref<1x6x32xi32, #tpu.memory_space<hbm>>
      %dma_wait3A_263 = tpu.memref_squeeze %dma_wait3A_262 : memref<1x6x32xi32, #tpu.memory_space<hbm>> -> memref<6x32xi32, #tpu.memory_space<hbm>>
      %dma_wait3A_264 = arith.constant 0 : i32
      %dma_wait3A_265 = arith.constant 0 : i32
      %dma_wait3A_266 = tpu.memref_slice %arg3[%add3A, %dma_wait3A_264, %dma_wait3A_265] : memref<32x6x32xi32, #tpu.memory_space<hbm>> -> memref<1x6x32xi32, #tpu.memory_space<hbm>>
      %dma_wait3A_267 = tpu.memref_squeeze %dma_wait3A_266 : memref<1x6x32xi32, #tpu.memory_space<hbm>> -> memref<6x32xi32, #tpu.memory_space<hbm>>
      tpu.wait_dma2 semaphore(%run_scoped3A_251 : memref<!tpu.dma_semaphore, #tpu.memory_space<semaphore_mem>>) src(%dma_wait3A_267 : memref<6x32xi32, #tpu.memory_space<hbm>>) dst(%arg5 : memref<6x32xi32, #tpu.memory_space<vmem>>)
      tpu.yield
    }) : () -> ()
    %mul3A_1 = arith.constant 192 : i32
    %mul3A_2 = arith.muli %add3A, %mul3A_1 : i32
    %add3A_3 = arith.constant 0 : i32
    %add3A_4 = arith.addi %mul3A_2, %add3A_3 : i32
    %jit3A = arith.constant 2048 : i32
    %eq3A = arith.constant 0 : i32
    %eq3A_5 = arith.cmpi eq, %jit3A, %eq3A : i32
    %jit3A_6 = arith.constant 1 : i32
    %select_n3A = arith.select %eq3A_5, %jit3A_6, %jit3A : i32
    %rem3A = arith.remsi %add3A_4, %select_n3A : i32
    %ne3A = arith.constant 0 : i32
    %ne3A_7 = arith.cmpi ne, %rem3A, %ne3A : i32
    %lt3A = arith.constant 0 : i32
    %lt3A_8 = arith.cmpi slt, %rem3A, %lt3A : i32
    %lt3A_9 = arith.constant 0 : i32
    %lt3A_10 = arith.cmpi slt, %select_n3A, %lt3A_9 : i32
    %ne3A_11 = arith.xori %lt3A_8, %lt3A_10 : i1
    %and3A = arith.andi %ne3A_11, %ne3A_7 : i1
    %add3A_12 = arith.addi %rem3A, %select_n3A : i32
    %select_n3A_13 = arith.select %and3A, %add3A_12, %rem3A : i32
    %run_scoped3A = arith.constant 0 : i32
    "tpu.region"() ({
      %run_scoped3A_251 = tpu.sem_alloc : memref<!tpu.dma_semaphore, #tpu.memory_space<semaphore_mem>>
      %dma_start3A_252 = arith.constant 0 : i32
      %dma_start3A_253 = arith.constant 0 : i32
      %dma_start3A_254 = tpu.memref_slice %arg6[%run_scoped3A, %dma_start3A_252, %dma_start3A_253] : memref<2x32x1024xf32, #tpu.memory_space<vmem>> -> memref<1x32x1024xf32, #tpu.memory_space<vmem>>
      %dma_start3A_255 = tpu.memref_squeeze %dma_start3A_254 : memref<1x32x1024xf32, #tpu.memory_space<vmem>> -> memref<32x1024xf32, #tpu.memory_space<vmem>>
      %dma_start3A_256 = arith.constant 0 : i32
      %dma_start3A_257 = tpu.memref_slice %arg2[%select_n3A_13, %dma_start3A_256] : memref<2048x1024xf32, #tpu.memory_space<hbm>> -> memref<32x1024xf32, #tpu.memory_space<hbm>>
      %dma_start3A_258 = arith.constant 0 : i32
      %dma_start3A_259 = arith.constant 0 : i32
      %dma_start3A_260 = tpu.memref_slice %arg6[%run_scoped3A, %dma_start3A_258, %dma_start3A_259] : memref<2x32x1024xf32, #tpu.memory_space<vmem>> -> memref<1x32x1024xf32, #tpu.memory_space<vmem>>
      %dma_start3A_261 = tpu.memref_squeeze %dma_start3A_260 : memref<1x32x1024xf32, #tpu.memory_space<vmem>> -> memref<32x1024xf32, #tpu.memory_space<vmem>>
      %dma_start3A_262 = arith.constant 0 : i32
      %dma_start3A_263 = tpu.memref_slice %arg2[%select_n3A_13, %dma_start3A_262] : memref<2048x1024xf32, #tpu.memory_space<hbm>> -> memref<32x1024xf32, #tpu.memory_space<hbm>>
      tpu.enqueue_dma source(%dma_start3A_263 : memref<32x1024xf32, #tpu.memory_space<hbm>>) target(%dma_start3A_261 : memref<32x1024xf32, #tpu.memory_space<vmem>>) target_semaphore(%run_scoped3A_251 : memref<!tpu.dma_semaphore, #tpu.memory_space<semaphore_mem>>)
      %dma_wait3A_264 = arith.constant 0 : i32
      %dma_wait3A_265 = arith.constant 0 : i32
      %dma_wait3A_266 = tpu.memref_slice %arg6[%run_scoped3A, %dma_wait3A_264, %dma_wait3A_265] : memref<2x32x1024xf32, #tpu.memory_space<vmem>> -> memref<1x32x1024xf32, #tpu.memory_space<vmem>>
      %dma_wait3A_267 = tpu.memref_squeeze %dma_wait3A_266 : memref<1x32x1024xf32, #tpu.memory_space<vmem>> -> memref<32x1024xf32, #tpu.memory_space<vmem>>
      %dma_wait3A_268 = arith.constant 0 : i32
      %dma_wait3A_269 = tpu.memref_slice %arg2[%select_n3A_13, %dma_wait3A_268] : memref<2048x1024xf32, #tpu.memory_space<hbm>> -> memref<32x1024xf32, #tpu.memory_space<hbm>>
      %dma_wait3A_270 = arith.constant 0 : i32
      %dma_wait3A_271 = arith.constant 0 : i32
      %dma_wait3A_272 = tpu.memref_slice %arg6[%run_scoped3A, %dma_wait3A_270, %dma_wait3A_271] : memref<2x32x1024xf32, #tpu.memory_space<vmem>> -> memref<1x32x1024xf32, #tpu.memory_space<vmem>>
      %dma_wait3A_273 = tpu.memref_squeeze %dma_wait3A_272 : memref<1x32x1024xf32, #tpu.memory_space<vmem>> -> memref<32x1024xf32, #tpu.memory_space<vmem>>
      %dma_wait3A_274 = arith.constant 0 : i32
      %dma_wait3A_275 = tpu.memref_slice %arg2[%select_n3A_13, %dma_wait3A_274] : memref<2048x1024xf32, #tpu.memory_space<hbm>> -> memref<32x1024xf32, #tpu.memory_space<hbm>>
      tpu.wait_dma2 semaphore(%run_scoped3A_251 : memref<!tpu.dma_semaphore, #tpu.memory_space<semaphore_mem>>) src(%dma_wait3A_275 : memref<32x1024xf32, #tpu.memory_space<hbm>>) dst(%dma_wait3A_273 : memref<32x1024xf32, #tpu.memory_space<vmem>>)
      tpu.yield
    }) : () -> ()
    %dma_start3A = arith.constant 0 : i32
    %dma_start3A_14 = arith.constant 0 : i32
    %dma_start3A_15 = arith.constant 0 : i32
    %dma_start3A_16 = arith.constant 0 : i32
    %dma_start3A_17 = tpu.memref_slice %arg6[%dma_start3A, %dma_start3A_15, %dma_start3A_16] : memref<2x32x1024xf32, #tpu.memory_space<vmem>> -> memref<1x32x1024xf32, #tpu.memory_space<vmem>>
    %dma_start3A_18 = tpu.memref_squeeze %dma_start3A_17 : memref<1x32x1024xf32, #tpu.memory_space<vmem>> -> memref<32x1024xf32, #tpu.memory_space<vmem>>
    %dma_start3A_19 = arith.constant 0 : i32
    %dma_start3A_20 = tpu.memref_slice %arg5[%dma_start3A_14, %dma_start3A_19] : memref<6x32xi32, #tpu.memory_space<vmem>> -> memref<1x32xi32, #tpu.memory_space<vmem>>
    %dma_start3A_21 = tpu.memref_squeeze %dma_start3A_20 : memref<1x32xi32, #tpu.memory_space<vmem>> -> memref<32xi32, #tpu.memory_space<vmem>>
    %dma_start3A_22 = arith.constant 0 : i32
    %dma_start3A_23 = arith.constant 0 : i32
    %dma_start3A_24 = tpu.memref_slice %arg4[%dma_start3A_22, %dma_start3A_23] : memref<13824x1024xf32, #tpu.memory_space<hbm>> -> memref<13824x1024xf32, #tpu.memory_space<hbm>>
    tpu.enqueue_indirect_dma source(%dma_start3A_18 : memref<32x1024xf32, #tpu.memory_space<vmem>>) target(%dma_start3A_24 : memref<13824x1024xf32, #tpu.memory_space<hbm>>) offsets(%dma_start3A_21 : memref<32xi32, #tpu.memory_space<vmem>>) semaphore(%arg7 : memref<!tpu.dma_semaphore, #tpu.memory_space<semaphore_mem>>)
    %add3A_25 = arith.constant 32 : i32
    %add3A_26 = arith.addi %mul3A_2, %add3A_25 : i32
    %jit3A_27 = arith.constant 2048 : i32
    %eq3A_28 = arith.constant 0 : i32
    %eq3A_29 = arith.cmpi eq, %jit3A_27, %eq3A_28 : i32
    %jit3A_30 = arith.constant 1 : i32
    %select_n3A_31 = arith.select %eq3A_29, %jit3A_30, %jit3A_27 : i32
    %rem3A_32 = arith.remsi %add3A_26, %select_n3A_31 : i32
    %ne3A_33 = arith.constant 0 : i32
    %ne3A_34 = arith.cmpi ne, %rem3A_32, %ne3A_33 : i32
    %lt3A_35 = arith.constant 0 : i32
    %lt3A_36 = arith.cmpi slt, %rem3A_32, %lt3A_35 : i32
    %lt3A_37 = arith.constant 0 : i32
    %lt3A_38 = arith.cmpi slt, %select_n3A_31, %lt3A_37 : i32
    %ne3A_39 = arith.xori %lt3A_36, %lt3A_38 : i1
    %and3A_40 = arith.andi %ne3A_39, %ne3A_34 : i1
    %add3A_41 = arith.addi %rem3A_32, %select_n3A_31 : i32
    %select_n3A_42 = arith.select %and3A_40, %add3A_41, %rem3A_32 : i32
    %run_scoped3A_43 = arith.constant 1 : i32
    "tpu.region"() ({
      %run_scoped3A_251 = tpu.sem_alloc : memref<!tpu.dma_semaphore, #tpu.memory_space<semaphore_mem>>
      %dma_start3A_252 = arith.constant 0 : i32
      %dma_start3A_253 = arith.constant 0 : i32
      %dma_start3A_254 = tpu.memref_slice %arg6[%run_scoped3A_43, %dma_start3A_252, %dma_start3A_253] : memref<2x32x1024xf32, #tpu.memory_space<vmem>> -> memref<1x32x1024xf32, #tpu.memory_space<vmem>>
      %dma_start3A_255 = tpu.memref_squeeze %dma_start3A_254 : memref<1x32x1024xf32, #tpu.memory_space<vmem>> -> memref<32x1024xf32, #tpu.memory_space<vmem>>
      %dma_start3A_256 = arith.constant 0 : i32
      %dma_start3A_257 = tpu.memref_slice %arg2[%select_n3A_42, %dma_start3A_256] : memref<2048x1024xf32, #tpu.memory_space<hbm>> -> memref<32x1024xf32, #tpu.memory_space<hbm>>
      %dma_start3A_258 = arith.constant 0 : i32
      %dma_start3A_259 = arith.constant 0 : i32
      %dma_start3A_260 = tpu.memref_slice %arg6[%run_scoped3A_43, %dma_start3A_258, %dma_start3A_259] : memref<2x32x1024xf32, #tpu.memory_space<vmem>> -> memref<1x32x1024xf32, #tpu.memory_space<vmem>>
      %dma_start3A_261 = tpu.memref_squeeze %dma_start3A_260 : memref<1x32x1024xf32, #tpu.memory_space<vmem>> -> memref<32x1024xf32, #tpu.memory_space<vmem>>
      %dma_start3A_262 = arith.constant 0 : i32
      %dma_start3A_263 = tpu.memref_slice %arg2[%select_n3A_42, %dma_start3A_262] : memref<2048x1024xf32, #tpu.memory_space<hbm>> -> memref<32x1024xf32, #tpu.memory_space<hbm>>
      tpu.enqueue_dma source(%dma_start3A_263 : memref<32x1024xf32, #tpu.memory_space<hbm>>) target(%dma_start3A_261 : memref<32x1024xf32, #tpu.memory_space<vmem>>) target_semaphore(%run_scoped3A_251 : memref<!tpu.dma_semaphore, #tpu.memory_space<semaphore_mem>>)
      %dma_wait3A_264 = arith.constant 0 : i32
      %dma_wait3A_265 = arith.constant 0 : i32
      %dma_wait3A_266 = tpu.memref_slice %arg6[%run_scoped3A_43, %dma_wait3A_264, %dma_wait3A_265] : memref<2x32x1024xf32, #tpu.memory_space<vmem>> -> memref<1x32x1024xf32, #tpu.memory_space<vmem>>
      %dma_wait3A_267 = tpu.memref_squeeze %dma_wait3A_266 : memref<1x32x1024xf32, #tpu.memory_space<vmem>> -> memref<32x1024xf32, #tpu.memory_space<vmem>>
      %dma_wait3A_268 = arith.constant 0 : i32
      %dma_wait3A_269 = tpu.memref_slice %arg2[%select_n3A_42, %dma_wait3A_268] : memref<2048x1024xf32, #tpu.memory_space<hbm>> -> memref<32x1024xf32, #tpu.memory_space<hbm>>
      %dma_wait3A_270 = arith.constant 0 : i32
      %dma_wait3A_271 = arith.constant 0 : i32
      %dma_wait3A_272 = tpu.memref_slice %arg6[%run_scoped3A_43, %dma_wait3A_270, %dma_wait3A_271] : memref<2x32x1024xf32, #tpu.memory_space<vmem>> -> memref<1x32x1024xf32, #tpu.memory_space<vmem>>
      %dma_wait3A_273 = tpu.memref_squeeze %dma_wait3A_272 : memref<1x32x1024xf32, #tpu.memory_space<vmem>> -> memref<32x1024xf32, #tpu.memory_space<vmem>>
      %dma_wait3A_274 = arith.constant 0 : i32
      %dma_wait3A_275 = tpu.memref_slice %arg2[%select_n3A_42, %dma_wait3A_274] : memref<2048x1024xf32, #tpu.memory_space<hbm>> -> memref<32x1024xf32, #tpu.memory_space<hbm>>
      tpu.wait_dma2 semaphore(%run_scoped3A_251 : memref<!tpu.dma_semaphore, #tpu.memory_space<semaphore_mem>>) src(%dma_wait3A_275 : memref<32x1024xf32, #tpu.memory_space<hbm>>) dst(%dma_wait3A_273 : memref<32x1024xf32, #tpu.memory_space<vmem>>)
      tpu.yield
    }) : () -> ()
    %dma_start3A_44 = arith.constant 1 : i32
    %dma_start3A_45 = arith.constant 1 : i32
    %dma_start3A_46 = arith.constant 0 : i32
    %dma_start3A_47 = arith.constant 0 : i32
    %dma_start3A_48 = tpu.memref_slice %arg6[%dma_start3A_44, %dma_start3A_46, %dma_start3A_47] : memref<2x32x1024xf32, #tpu.memory_space<vmem>> -> memref<1x32x1024xf32, #tpu.memory_space<vmem>>
    %dma_start3A_49 = tpu.memref_squeeze %dma_start3A_48 : memref<1x32x1024xf32, #tpu.memory_space<vmem>> -> memref<32x1024xf32, #tpu.memory_space<vmem>>
    %dma_start3A_50 = arith.constant 0 : i32
    %dma_start3A_51 = tpu.memref_slice %arg5[%dma_start3A_45, %dma_start3A_50] : memref<6x32xi32, #tpu.memory_space<vmem>> -> memref<1x32xi32, #tpu.memory_space<vmem>>
    %dma_start3A_52 = tpu.memref_squeeze %dma_start3A_51 : memref<1x32xi32, #tpu.memory_space<vmem>> -> memref<32xi32, #tpu.memory_space<vmem>>
    %dma_start3A_53 = arith.constant 0 : i32
    %dma_start3A_54 = arith.constant 0 : i32
    %dma_start3A_55 = tpu.memref_slice %arg4[%dma_start3A_53, %dma_start3A_54] : memref<13824x1024xf32, #tpu.memory_space<hbm>> -> memref<13824x1024xf32, #tpu.memory_space<hbm>>
    tpu.enqueue_indirect_dma source(%dma_start3A_49 : memref<32x1024xf32, #tpu.memory_space<vmem>>) target(%dma_start3A_55 : memref<13824x1024xf32, #tpu.memory_space<hbm>>) offsets(%dma_start3A_52 : memref<32xi32, #tpu.memory_space<vmem>>) semaphore(%arg7 : memref<!tpu.dma_semaphore, #tpu.memory_space<semaphore_mem>>)
    %dma_wait3A = arith.constant 0 : i32
    %dma_wait3A_56 = arith.constant 0 : i32
    %dma_wait3A_57 = arith.constant 0 : i32
    %dma_wait3A_58 = arith.constant 0 : i32
    %dma_wait3A_59 = tpu.memref_slice %arg6[%dma_wait3A, %dma_wait3A_57, %dma_wait3A_58] : memref<2x32x1024xf32, #tpu.memory_space<vmem>> -> memref<1x32x1024xf32, #tpu.memory_space<vmem>>
    %dma_wait3A_60 = tpu.memref_squeeze %dma_wait3A_59 : memref<1x32x1024xf32, #tpu.memory_space<vmem>> -> memref<32x1024xf32, #tpu.memory_space<vmem>>
    %dma_wait3A_61 = arith.constant 0 : i32
    %dma_wait3A_62 = tpu.memref_slice %arg5[%dma_wait3A_56, %dma_wait3A_61] : memref<6x32xi32, #tpu.memory_space<vmem>> -> memref<1x32xi32, #tpu.memory_space<vmem>>
    %dma_wait3A_63 = tpu.memref_squeeze %dma_wait3A_62 : memref<1x32xi32, #tpu.memory_space<vmem>> -> memref<32xi32, #tpu.memory_space<vmem>>
    %dma_wait3A_64 = arith.constant 0 : i32
    %dma_wait3A_65 = arith.constant 0 : i32
    %dma_wait3A_66 = tpu.memref_slice %arg4[%dma_wait3A_64, %dma_wait3A_65] : memref<13824x1024xf32, #tpu.memory_space<hbm>> -> memref<13824x1024xf32, #tpu.memory_space<hbm>>
    tpu.wait_indirect_dma semaphore(%arg7 : memref<!tpu.dma_semaphore, #tpu.memory_space<semaphore_mem>>) src(%dma_wait3A_60 : memref<32x1024xf32, #tpu.memory_space<vmem>>) dst(%dma_wait3A_66 : memref<13824x1024xf32, #tpu.memory_space<hbm>>)
    %add3A_67 = arith.constant 64 : i32
    %add3A_68 = arith.addi %mul3A_2, %add3A_67 : i32
    %jit3A_69 = arith.constant 2048 : i32
    %eq3A_70 = arith.constant 0 : i32
    %eq3A_71 = arith.cmpi eq, %jit3A_69, %eq3A_70 : i32
    %jit3A_72 = arith.constant 1 : i32
    %select_n3A_73 = arith.select %eq3A_71, %jit3A_72, %jit3A_69 : i32
    %rem3A_74 = arith.remsi %add3A_68, %select_n3A_73 : i32
    %ne3A_75 = arith.constant 0 : i32
    %ne3A_76 = arith.cmpi ne, %rem3A_74, %ne3A_75 : i32
    %lt3A_77 = arith.constant 0 : i32
    %lt3A_78 = arith.cmpi slt, %rem3A_74, %lt3A_77 : i32
    %lt3A_79 = arith.constant 0 : i32
    %lt3A_80 = arith.cmpi slt, %select_n3A_73, %lt3A_79 : i32
    %ne3A_81 = arith.xori %lt3A_78, %lt3A_80 : i1
    %and3A_82 = arith.andi %ne3A_81, %ne3A_76 : i1
    %add3A_83 = arith.addi %rem3A_74, %select_n3A_73 : i32
    %select_n3A_84 = arith.select %and3A_82, %add3A_83, %rem3A_74 : i32
    %run_scoped3A_85 = arith.constant 0 : i32
    "tpu.region"() ({
      %run_scoped3A_251 = tpu.sem_alloc : memref<!tpu.dma_semaphore, #tpu.memory_space<semaphore_mem>>
      %dma_start3A_252 = arith.constant 0 : i32
      %dma_start3A_253 = arith.constant 0 : i32
      %dma_start3A_254 = tpu.memref_slice %arg6[%run_scoped3A_85, %dma_start3A_252, %dma_start3A_253] : memref<2x32x1024xf32, #tpu.memory_space<vmem>> -> memref<1x32x1024xf32, #tpu.memory_space<vmem>>
      %dma_start3A_255 = tpu.memref_squeeze %dma_start3A_254 : memref<1x32x1024xf32, #tpu.memory_space<vmem>> -> memref<32x1024xf32, #tpu.memory_space<vmem>>
      %dma_start3A_256 = arith.constant 0 : i32
      %dma_start3A_257 = tpu.memref_slice %arg2[%select_n3A_84, %dma_start3A_256] : memref<2048x1024xf32, #tpu.memory_space<hbm>> -> memref<32x1024xf32, #tpu.memory_space<hbm>>
      %dma_start3A_258 = arith.constant 0 : i32
      %dma_start3A_259 = arith.constant 0 : i32
      %dma_start3A_260 = tpu.memref_slice %arg6[%run_scoped3A_85, %dma_start3A_258, %dma_start3A_259] : memref<2x32x1024xf32, #tpu.memory_space<vmem>> -> memref<1x32x1024xf32, #tpu.memory_space<vmem>>
      %dma_start3A_261 = tpu.memref_squeeze %dma_start3A_260 : memref<1x32x1024xf32, #tpu.memory_space<vmem>> -> memref<32x1024xf32, #tpu.memory_space<vmem>>
      %dma_start3A_262 = arith.constant 0 : i32
      %dma_start3A_263 = tpu.memref_slice %arg2[%select_n3A_84, %dma_start3A_262] : memref<2048x1024xf32, #tpu.memory_space<hbm>> -> memref<32x1024xf32, #tpu.memory_space<hbm>>
      tpu.enqueue_dma source(%dma_start3A_263 : memref<32x1024xf32, #tpu.memory_space<hbm>>) target(%dma_start3A_261 : memref<32x1024xf32, #tpu.memory_space<vmem>>) target_semaphore(%run_scoped3A_251 : memref<!tpu.dma_semaphore, #tpu.memory_space<semaphore_mem>>)
      %dma_wait3A_264 = arith.constant 0 : i32
      %dma_wait3A_265 = arith.constant 0 : i32
      %dma_wait3A_266 = tpu.memref_slice %arg6[%run_scoped3A_85, %dma_wait3A_264, %dma_wait3A_265] : memref<2x32x1024xf32, #tpu.memory_space<vmem>> -> memref<1x32x1024xf32, #tpu.memory_space<vmem>>
      %dma_wait3A_267 = tpu.memref_squeeze %dma_wait3A_266 : memref<1x32x1024xf32, #tpu.memory_space<vmem>> -> memref<32x1024xf32, #tpu.memory_space<vmem>>
      %dma_wait3A_268 = arith.constant 0 : i32
      %dma_wait3A_269 = tpu.memref_slice %arg2[%select_n3A_84, %dma_wait3A_268] : memref<2048x1024xf32, #tpu.memory_space<hbm>> -> memref<32x1024xf32, #tpu.memory_space<hbm>>
      %dma_wait3A_270 = arith.constant 0 : i32
      %dma_wait3A_271 = arith.constant 0 : i32
      %dma_wait3A_272 = tpu.memref_slice %arg6[%run_scoped3A_85, %dma_wait3A_270, %dma_wait3A_271] : memref<2x32x1024xf32, #tpu.memory_space<vmem>> -> memref<1x32x1024xf32, #tpu.memory_space<vmem>>
      %dma_wait3A_273 = tpu.memref_squeeze %dma_wait3A_272 : memref<1x32x1024xf32, #tpu.memory_space<vmem>> -> memref<32x1024xf32, #tpu.memory_space<vmem>>
      %dma_wait3A_274 = arith.constant 0 : i32
      %dma_wait3A_275 = tpu.memref_slice %arg2[%select_n3A_84, %dma_wait3A_274] : memref<2048x1024xf32, #tpu.memory_space<hbm>> -> memref<32x1024xf32, #tpu.memory_space<hbm>>
      tpu.wait_dma2 semaphore(%run_scoped3A_251 : memref<!tpu.dma_semaphore, #tpu.memory_space<semaphore_mem>>) src(%dma_wait3A_275 : memref<32x1024xf32, #tpu.memory_space<hbm>>) dst(%dma_wait3A_273 : memref<32x1024xf32, #tpu.memory_space<vmem>>)
      tpu.yield
    }) : () -> ()
    %dma_start3A_86 = arith.constant 0 : i32
    %dma_start3A_87 = arith.constant 2 : i32
    %dma_start3A_88 = arith.constant 0 : i32
    %dma_start3A_89 = arith.constant 0 : i32
    %dma_start3A_90 = tpu.memref_slice %arg6[%dma_start3A_86, %dma_start3A_88, %dma_start3A_89] : memref<2x32x1024xf32, #tpu.memory_space<vmem>> -> memref<1x32x1024xf32, #tpu.memory_space<vmem>>
    %dma_start3A_91 = tpu.memref_squeeze %dma_start3A_90 : memref<1x32x1024xf32, #tpu.memory_space<vmem>> -> memref<32x1024xf32, #tpu.memory_space<vmem>>
    %dma_start3A_92 = arith.constant 0 : i32
    %dma_start3A_93 = tpu.memref_slice %arg5[%dma_start3A_87, %dma_start3A_92] : memref<6x32xi32, #tpu.memory_space<vmem>> -> memref<1x32xi32, #tpu.memory_space<vmem>>
    %dma_start3A_94 = tpu.memref_squeeze %dma_start3A_93 : memref<1x32xi32, #tpu.memory_space<vmem>> -> memref<32xi32, #tpu.memory_space<vmem>>
    %dma_start3A_95 = arith.constant 0 : i32
    %dma_start3A_96 = arith.constant 0 : i32
    %dma_start3A_97 = tpu.memref_slice %arg4[%dma_start3A_95, %dma_start3A_96] : memref<13824x1024xf32, #tpu.memory_space<hbm>> -> memref<13824x1024xf32, #tpu.memory_space<hbm>>
    tpu.enqueue_indirect_dma source(%dma_start3A_91 : memref<32x1024xf32, #tpu.memory_space<vmem>>) target(%dma_start3A_97 : memref<13824x1024xf32, #tpu.memory_space<hbm>>) offsets(%dma_start3A_94 : memref<32xi32, #tpu.memory_space<vmem>>) semaphore(%arg7 : memref<!tpu.dma_semaphore, #tpu.memory_space<semaphore_mem>>)
    %dma_wait3A_98 = arith.constant 1 : i32
    %dma_wait3A_99 = arith.constant 1 : i32
    %dma_wait3A_100 = arith.constant 0 : i32
    %dma_wait3A_101 = arith.constant 0 : i32
    %dma_wait3A_102 = tpu.memref_slice %arg6[%dma_wait3A_98, %dma_wait3A_100, %dma_wait3A_101] : memref<2x32x1024xf32, #tpu.memory_space<vmem>> -> memref<1x32x1024xf32, #tpu.memory_space<vmem>>
    %dma_wait3A_103 = tpu.memref_squeeze %dma_wait3A_102 : memref<1x32x1024xf32, #tpu.memory_space<vmem>> -> memref<32x1024xf32, #tpu.memory_space<vmem>>
    %dma_wait3A_104 = arith.constant 0 : i32
    %dma_wait3A_105 = tpu.memref_slice %arg5[%dma_wait3A_99, %dma_wait3A_104] : memref<6x32xi32, #tpu.memory_space<vmem>> -> memref<1x32xi32, #tpu.memory_space<vmem>>
    %dma_wait3A_106 = tpu.memref_squeeze %dma_wait3A_105 : memref<1x32xi32, #tpu.memory_space<vmem>> -> memref<32xi32, #tpu.memory_space<vmem>>
    %dma_wait3A_107 = arith.constant 0 : i32
    %dma_wait3A_108 = arith.constant 0 : i32
    %dma_wait3A_109 = tpu.memref_slice %arg4[%dma_wait3A_107, %dma_wait3A_108] : memref<13824x1024xf32, #tpu.memory_space<hbm>> -> memref<13824x1024xf32, #tpu.memory_space<hbm>>
    tpu.wait_indirect_dma semaphore(%arg7 : memref<!tpu.dma_semaphore, #tpu.memory_space<semaphore_mem>>) src(%dma_wait3A_103 : memref<32x1024xf32, #tpu.memory_space<vmem>>) dst(%dma_wait3A_109 : memref<13824x1024xf32, #tpu.memory_space<hbm>>)
    %add3A_110 = arith.constant 96 : i32
    %add3A_111 = arith.addi %mul3A_2, %add3A_110 : i32
    %jit3A_112 = arith.constant 2048 : i32
    %eq3A_113 = arith.constant 0 : i32
    %eq3A_114 = arith.cmpi eq, %jit3A_112, %eq3A_113 : i32
    %jit3A_115 = arith.constant 1 : i32
    %select_n3A_116 = arith.select %eq3A_114, %jit3A_115, %jit3A_112 : i32
    %rem3A_117 = arith.remsi %add3A_111, %select_n3A_116 : i32
    %ne3A_118 = arith.constant 0 : i32
    %ne3A_119 = arith.cmpi ne, %rem3A_117, %ne3A_118 : i32
    %lt3A_120 = arith.constant 0 : i32
    %lt3A_121 = arith.cmpi slt, %rem3A_117, %lt3A_120 : i32
    %lt3A_122 = arith.constant 0 : i32
    %lt3A_123 = arith.cmpi slt, %select_n3A_116, %lt3A_122 : i32
    %ne3A_124 = arith.xori %lt3A_121, %lt3A_123 : i1
    %and3A_125 = arith.andi %ne3A_124, %ne3A_119 : i1
    %add3A_126 = arith.addi %rem3A_117, %select_n3A_116 : i32
    %select_n3A_127 = arith.select %and3A_125, %add3A_126, %rem3A_117 : i32
    %run_scoped3A_128 = arith.constant 1 : i32
    "tpu.region"() ({
      %run_scoped3A_251 = tpu.sem_alloc : memref<!tpu.dma_semaphore, #tpu.memory_space<semaphore_mem>>
      %dma_start3A_252 = arith.constant 0 : i32
      %dma_start3A_253 = arith.constant 0 : i32
      %dma_start3A_254 = tpu.memref_slice %arg6[%run_scoped3A_128, %dma_start3A_252, %dma_start3A_253] : memref<2x32x1024xf32, #tpu.memory_space<vmem>> -> memref<1x32x1024xf32, #tpu.memory_space<vmem>>
      %dma_start3A_255 = tpu.memref_squeeze %dma_start3A_254 : memref<1x32x1024xf32, #tpu.memory_space<vmem>> -> memref<32x1024xf32, #tpu.memory_space<vmem>>
      %dma_start3A_256 = arith.constant 0 : i32
      %dma_start3A_257 = tpu.memref_slice %arg2[%select_n3A_127, %dma_start3A_256] : memref<2048x1024xf32, #tpu.memory_space<hbm>> -> memref<32x1024xf32, #tpu.memory_space<hbm>>
      %dma_start3A_258 = arith.constant 0 : i32
      %dma_start3A_259 = arith.constant 0 : i32
      %dma_start3A_260 = tpu.memref_slice %arg6[%run_scoped3A_128, %dma_start3A_258, %dma_start3A_259] : memref<2x32x1024xf32, #tpu.memory_space<vmem>> -> memref<1x32x1024xf32, #tpu.memory_space<vmem>>
      %dma_start3A_261 = tpu.memref_squeeze %dma_start3A_260 : memref<1x32x1024xf32, #tpu.memory_space<vmem>> -> memref<32x1024xf32, #tpu.memory_space<vmem>>
      %dma_start3A_262 = arith.constant 0 : i32
      %dma_start3A_263 = tpu.memref_slice %arg2[%select_n3A_127, %dma_start3A_262] : memref<2048x1024xf32, #tpu.memory_space<hbm>> -> memref<32x1024xf32, #tpu.memory_space<hbm>>
      tpu.enqueue_dma source(%dma_start3A_263 : memref<32x1024xf32, #tpu.memory_space<hbm>>) target(%dma_start3A_261 : memref<32x1024xf32, #tpu.memory_space<vmem>>) target_semaphore(%run_scoped3A_251 : memref<!tpu.dma_semaphore, #tpu.memory_space<semaphore_mem>>)
      %dma_wait3A_264 = arith.constant 0 : i32
      %dma_wait3A_265 = arith.constant 0 : i32
      %dma_wait3A_266 = tpu.memref_slice %arg6[%run_scoped3A_128, %dma_wait3A_264, %dma_wait3A_265] : memref<2x32x1024xf32, #tpu.memory_space<vmem>> -> memref<1x32x1024xf32, #tpu.memory_space<vmem>>
      %dma_wait3A_267 = tpu.memref_squeeze %dma_wait3A_266 : memref<1x32x1024xf32, #tpu.memory_space<vmem>> -> memref<32x1024xf32, #tpu.memory_space<vmem>>
      %dma_wait3A_268 = arith.constant 0 : i32
      %dma_wait3A_269 = tpu.memref_slice %arg2[%select_n3A_127, %dma_wait3A_268] : memref<2048x1024xf32, #tpu.memory_space<hbm>> -> memref<32x1024xf32, #tpu.memory_space<hbm>>
      %dma_wait3A_270 = arith.constant 0 : i32
      %dma_wait3A_271 = arith.constant 0 : i32
      %dma_wait3A_272 = tpu.memref_slice %arg6[%run_scoped3A_128, %dma_wait3A_270, %dma_wait3A_271] : memref<2x32x1024xf32, #tpu.memory_space<vmem>> -> memref<1x32x1024xf32, #tpu.memory_space<vmem>>
      %dma_wait3A_273 = tpu.memref_squeeze %dma_wait3A_272 : memref<1x32x1024xf32, #tpu.memory_space<vmem>> -> memref<32x1024xf32, #tpu.memory_space<vmem>>
      %dma_wait3A_274 = arith.constant 0 : i32
      %dma_wait3A_275 = tpu.memref_slice %arg2[%select_n3A_127, %dma_wait3A_274] : memref<2048x1024xf32, #tpu.memory_space<hbm>> -> memref<32x1024xf32, #tpu.memory_space<hbm>>
      tpu.wait_dma2 semaphore(%run_scoped3A_251 : memref<!tpu.dma_semaphore, #tpu.memory_space<semaphore_mem>>) src(%dma_wait3A_275 : memref<32x1024xf32, #tpu.memory_space<hbm>>) dst(%dma_wait3A_273 : memref<32x1024xf32, #tpu.memory_space<vmem>>)
      tpu.yield
    }) : () -> ()
    %dma_start3A_129 = arith.constant 1 : i32
    %dma_start3A_130 = arith.constant 3 : i32
    %dma_start3A_131 = arith.constant 0 : i32
    %dma_start3A_132 = arith.constant 0 : i32
    %dma_start3A_133 = tpu.memref_slice %arg6[%dma_start3A_129, %dma_start3A_131, %dma_start3A_132] : memref<2x32x1024xf32, #tpu.memory_space<vmem>> -> memref<1x32x1024xf32, #tpu.memory_space<vmem>>
    %dma_start3A_134 = tpu.memref_squeeze %dma_start3A_133 : memref<1x32x1024xf32, #tpu.memory_space<vmem>> -> memref<32x1024xf32, #tpu.memory_space<vmem>>
    %dma_start3A_135 = arith.constant 0 : i32
    %dma_start3A_136 = tpu.memref_slice %arg5[%dma_start3A_130, %dma_start3A_135] : memref<6x32xi32, #tpu.memory_space<vmem>> -> memref<1x32xi32, #tpu.memory_space<vmem>>
    %dma_start3A_137 = tpu.memref_squeeze %dma_start3A_136 : memref<1x32xi32, #tpu.memory_space<vmem>> -> memref<32xi32, #tpu.memory_space<vmem>>
    %dma_start3A_138 = arith.constant 0 : i32
    %dma_start3A_139 = arith.constant 0 : i32
    %dma_start3A_140 = tpu.memref_slice %arg4[%dma_start3A_138, %dma_start3A_139] : memref<13824x1024xf32, #tpu.memory_space<hbm>> -> memref<13824x1024xf32, #tpu.memory_space<hbm>>
    tpu.enqueue_indirect_dma source(%dma_start3A_134 : memref<32x1024xf32, #tpu.memory_space<vmem>>) target(%dma_start3A_140 : memref<13824x1024xf32, #tpu.memory_space<hbm>>) offsets(%dma_start3A_137 : memref<32xi32, #tpu.memory_space<vmem>>) semaphore(%arg7 : memref<!tpu.dma_semaphore, #tpu.memory_space<semaphore_mem>>)
    %dma_wait3A_141 = arith.constant 0 : i32
    %dma_wait3A_142 = arith.constant 2 : i32
    %dma_wait3A_143 = arith.constant 0 : i32
    %dma_wait3A_144 = arith.constant 0 : i32
    %dma_wait3A_145 = tpu.memref_slice %arg6[%dma_wait3A_141, %dma_wait3A_143, %dma_wait3A_144] : memref<2x32x1024xf32, #tpu.memory_space<vmem>> -> memref<1x32x1024xf32, #tpu.memory_space<vmem>>
    %dma_wait3A_146 = tpu.memref_squeeze %dma_wait3A_145 : memref<1x32x1024xf32, #tpu.memory_space<vmem>> -> memref<32x1024xf32, #tpu.memory_space<vmem>>
    %dma_wait3A_147 = arith.constant 0 : i32
    %dma_wait3A_148 = tpu.memref_slice %arg5[%dma_wait3A_142, %dma_wait3A_147] : memref<6x32xi32, #tpu.memory_space<vmem>> -> memref<1x32xi32, #tpu.memory_space<vmem>>
    %dma_wait3A_149 = tpu.memref_squeeze %dma_wait3A_148 : memref<1x32xi32, #tpu.memory_space<vmem>> -> memref<32xi32, #tpu.memory_space<vmem>>
    %dma_wait3A_150 = arith.constant 0 : i32
    %dma_wait3A_151 = arith.constant 0 : i32
    %dma_wait3A_152 = tpu.memref_slice %arg4[%dma_wait3A_150, %dma_wait3A_151] : memref<13824x1024xf32, #tpu.memory_space<hbm>> -> memref<13824x1024xf32, #tpu.memory_space<hbm>>
    tpu.wait_indirect_dma semaphore(%arg7 : memref<!tpu.dma_semaphore, #tpu.memory_space<semaphore_mem>>) src(%dma_wait3A_146 : memref<32x1024xf32, #tpu.memory_space<vmem>>) dst(%dma_wait3A_152 : memref<13824x1024xf32, #tpu.memory_space<hbm>>)
    %add3A_153 = arith.constant 128 : i32
    %add3A_154 = arith.addi %mul3A_2, %add3A_153 : i32
    %jit3A_155 = arith.constant 2048 : i32
    %eq3A_156 = arith.constant 0 : i32
    %eq3A_157 = arith.cmpi eq, %jit3A_155, %eq3A_156 : i32
    %jit3A_158 = arith.constant 1 : i32
    %select_n3A_159 = arith.select %eq3A_157, %jit3A_158, %jit3A_155 : i32
    %rem3A_160 = arith.remsi %add3A_154, %select_n3A_159 : i32
    %ne3A_161 = arith.constant 0 : i32
    %ne3A_162 = arith.cmpi ne, %rem3A_160, %ne3A_161 : i32
    %lt3A_163 = arith.constant 0 : i32
    %lt3A_164 = arith.cmpi slt, %rem3A_160, %lt3A_163 : i32
    %lt3A_165 = arith.constant 0 : i32
    %lt3A_166 = arith.cmpi slt, %select_n3A_159, %lt3A_165 : i32
    %ne3A_167 = arith.xori %lt3A_164, %lt3A_166 : i1
    %and3A_168 = arith.andi %ne3A_167, %ne3A_162 : i1
    %add3A_169 = arith.addi %rem3A_160, %select_n3A_159 : i32
    %select_n3A_170 = arith.select %and3A_168, %add3A_169, %rem3A_160 : i32
    %run_scoped3A_171 = arith.constant 0 : i32
    "tpu.region"() ({
      %run_scoped3A_251 = tpu.sem_alloc : memref<!tpu.dma_semaphore, #tpu.memory_space<semaphore_mem>>
      %dma_start3A_252 = arith.constant 0 : i32
      %dma_start3A_253 = arith.constant 0 : i32
      %dma_start3A_254 = tpu.memref_slice %arg6[%run_scoped3A_171, %dma_start3A_252, %dma_start3A_253] : memref<2x32x1024xf32, #tpu.memory_space<vmem>> -> memref<1x32x1024xf32, #tpu.memory_space<vmem>>
      %dma_start3A_255 = tpu.memref_squeeze %dma_start3A_254 : memref<1x32x1024xf32, #tpu.memory_space<vmem>> -> memref<32x1024xf32, #tpu.memory_space<vmem>>
      %dma_start3A_256 = arith.constant 0 : i32
      %dma_start3A_257 = tpu.memref_slice %arg2[%select_n3A_170, %dma_start3A_256] : memref<2048x1024xf32, #tpu.memory_space<hbm>> -> memref<32x1024xf32, #tpu.memory_space<hbm>>
      %dma_start3A_258 = arith.constant 0 : i32
      %dma_start3A_259 = arith.constant 0 : i32
      %dma_start3A_260 = tpu.memref_slice %arg6[%run_scoped3A_171, %dma_start3A_258, %dma_start3A_259] : memref<2x32x1024xf32, #tpu.memory_space<vmem>> -> memref<1x32x1024xf32, #tpu.memory_space<vmem>>
      %dma_start3A_261 = tpu.memref_squeeze %dma_start3A_260 : memref<1x32x1024xf32, #tpu.memory_space<vmem>> -> memref<32x1024xf32, #tpu.memory_space<vmem>>
      %dma_start3A_262 = arith.constant 0 : i32
      %dma_start3A_263 = tpu.memref_slice %arg2[%select_n3A_170, %dma_start3A_262] : memref<2048x1024xf32, #tpu.memory_space<hbm>> -> memref<32x1024xf32, #tpu.memory_space<hbm>>
      tpu.enqueue_dma source(%dma_start3A_263 : memref<32x1024xf32, #tpu.memory_space<hbm>>) target(%dma_start3A_261 : memref<32x1024xf32, #tpu.memory_space<vmem>>) target_semaphore(%run_scoped3A_251 : memref<!tpu.dma_semaphore, #tpu.memory_space<semaphore_mem>>)
      %dma_wait3A_264 = arith.constant 0 : i32
      %dma_wait3A_265 = arith.constant 0 : i32
      %dma_wait3A_266 = tpu.memref_slice %arg6[%run_scoped3A_171, %dma_wait3A_264, %dma_wait3A_265] : memref<2x32x1024xf32, #tpu.memory_space<vmem>> -> memref<1x32x1024xf32, #tpu.memory_space<vmem>>
      %dma_wait3A_267 = tpu.memref_squeeze %dma_wait3A_266 : memref<1x32x1024xf32, #tpu.memory_space<vmem>> -> memref<32x1024xf32, #tpu.memory_space<vmem>>
      %dma_wait3A_268 = arith.constant 0 : i32
      %dma_wait3A_269 = tpu.memref_slice %arg2[%select_n3A_170, %dma_wait3A_268] : memref<2048x1024xf32, #tpu.memory_space<hbm>> -> memref<32x1024xf32, #tpu.memory_space<hbm>>
      %dma_wait3A_270 = arith.constant 0 : i32
      %dma_wait3A_271 = arith.constant 0 : i32
      %dma_wait3A_272 = tpu.memref_slice %arg6[%run_scoped3A_171, %dma_wait3A_270, %dma_wait3A_271] : memref<2x32x1024xf32, #tpu.memory_space<vmem>> -> memref<1x32x1024xf32, #tpu.memory_space<vmem>>
      %dma_wait3A_273 = tpu.memref_squeeze %dma_wait3A_272 : memref<1x32x1024xf32, #tpu.memory_space<vmem>> -> memref<32x1024xf32, #tpu.memory_space<vmem>>
      %dma_wait3A_274 = arith.constant 0 : i32
      %dma_wait3A_275 = tpu.memref_slice %arg2[%select_n3A_170, %dma_wait3A_274] : memref<2048x1024xf32, #tpu.memory_space<hbm>> -> memref<32x1024xf32, #tpu.memory_space<hbm>>
      tpu.wait_dma2 semaphore(%run_scoped3A_251 : memref<!tpu.dma_semaphore, #tpu.memory_space<semaphore_mem>>) src(%dma_wait3A_275 : memref<32x1024xf32, #tpu.memory_space<hbm>>) dst(%dma_wait3A_273 : memref<32x1024xf32, #tpu.memory_space<vmem>>)
      tpu.yield
    }) : () -> ()
    %dma_start3A_172 = arith.constant 0 : i32
    %dma_start3A_173 = arith.constant 4 : i32
    %dma_start3A_174 = arith.constant 0 : i32
    %dma_start3A_175 = arith.constant 0 : i32
    %dma_start3A_176 = tpu.memref_slice %arg6[%dma_start3A_172, %dma_start3A_174, %dma_start3A_175] : memref<2x32x1024xf32, #tpu.memory_space<vmem>> -> memref<1x32x1024xf32, #tpu.memory_space<vmem>>
    %dma_start3A_177 = tpu.memref_squeeze %dma_start3A_176 : memref<1x32x1024xf32, #tpu.memory_space<vmem>> -> memref<32x1024xf32, #tpu.memory_space<vmem>>
    %dma_start3A_178 = arith.constant 0 : i32
    %dma_start3A_179 = tpu.memref_slice %arg5[%dma_start3A_173, %dma_start3A_178] : memref<6x32xi32, #tpu.memory_space<vmem>> -> memref<1x32xi32, #tpu.memory_space<vmem>>
    %dma_start3A_180 = tpu.memref_squeeze %dma_start3A_179 : memref<1x32xi32, #tpu.memory_space<vmem>> -> memref<32xi32, #tpu.memory_space<vmem>>
    %dma_start3A_181 = arith.constant 0 : i32
    %dma_start3A_182 = arith.constant 0 : i32
    %dma_start3A_183 = tpu.memref_slice %arg4[%dma_start3A_181, %dma_start3A_182] : memref<13824x1024xf32, #tpu.memory_space<hbm>> -> memref<13824x1024xf32, #tpu.memory_space<hbm>>
    tpu.enqueue_indirect_dma source(%dma_start3A_177 : memref<32x1024xf32, #tpu.memory_space<vmem>>) target(%dma_start3A_183 : memref<13824x1024xf32, #tpu.memory_space<hbm>>) offsets(%dma_start3A_180 : memref<32xi32, #tpu.memory_space<vmem>>) semaphore(%arg7 : memref<!tpu.dma_semaphore, #tpu.memory_space<semaphore_mem>>)
    %dma_wait3A_184 = arith.constant 1 : i32
    %dma_wait3A_185 = arith.constant 3 : i32
    %dma_wait3A_186 = arith.constant 0 : i32
    %dma_wait3A_187 = arith.constant 0 : i32
    %dma_wait3A_188 = tpu.memref_slice %arg6[%dma_wait3A_184, %dma_wait3A_186, %dma_wait3A_187] : memref<2x32x1024xf32, #tpu.memory_space<vmem>> -> memref<1x32x1024xf32, #tpu.memory_space<vmem>>
    %dma_wait3A_189 = tpu.memref_squeeze %dma_wait3A_188 : memref<1x32x1024xf32, #tpu.memory_space<vmem>> -> memref<32x1024xf32, #tpu.memory_space<vmem>>
    %dma_wait3A_190 = arith.constant 0 : i32
    %dma_wait3A_191 = tpu.memref_slice %arg5[%dma_wait3A_185, %dma_wait3A_190] : memref<6x32xi32, #tpu.memory_space<vmem>> -> memref<1x32xi32, #tpu.memory_space<vmem>>
    %dma_wait3A_192 = tpu.memref_squeeze %dma_wait3A_191 : memref<1x32xi32, #tpu.memory_space<vmem>> -> memref<32xi32, #tpu.memory_space<vmem>>
    %dma_wait3A_193 = arith.constant 0 : i32
    %dma_wait3A_194 = arith.constant 0 : i32
    %dma_wait3A_195 = tpu.memref_slice %arg4[%dma_wait3A_193, %dma_wait3A_194] : memref<13824x1024xf32, #tpu.memory_space<hbm>> -> memref<13824x1024xf32, #tpu.memory_space<hbm>>
    tpu.wait_indirect_dma semaphore(%arg7 : memref<!tpu.dma_semaphore, #tpu.memory_space<semaphore_mem>>) src(%dma_wait3A_189 : memref<32x1024xf32, #tpu.memory_space<vmem>>) dst(%dma_wait3A_195 : memref<13824x1024xf32, #tpu.memory_space<hbm>>)
    %add3A_196 = arith.constant 160 : i32
    %add3A_197 = arith.addi %mul3A_2, %add3A_196 : i32
    %jit3A_198 = arith.constant 2048 : i32
    %eq3A_199 = arith.constant 0 : i32
    %eq3A_200 = arith.cmpi eq, %jit3A_198, %eq3A_199 : i32
    %jit3A_201 = arith.constant 1 : i32
    %select_n3A_202 = arith.select %eq3A_200, %jit3A_201, %jit3A_198 : i32
    %rem3A_203 = arith.remsi %add3A_197, %select_n3A_202 : i32
    %ne3A_204 = arith.constant 0 : i32
    %ne3A_205 = arith.cmpi ne, %rem3A_203, %ne3A_204 : i32
    %lt3A_206 = arith.constant 0 : i32
    %lt3A_207 = arith.cmpi slt, %rem3A_203, %lt3A_206 : i32
    %lt3A_208 = arith.constant 0 : i32
    %lt3A_209 = arith.cmpi slt, %select_n3A_202, %lt3A_208 : i32
    %ne3A_210 = arith.xori %lt3A_207, %lt3A_209 : i1
    %and3A_211 = arith.andi %ne3A_210, %ne3A_205 : i1
    %add3A_212 = arith.addi %rem3A_203, %select_n3A_202 : i32
    %select_n3A_213 = arith.select %and3A_211, %add3A_212, %rem3A_203 : i32
    %run_scoped3A_214 = arith.constant 1 : i32
    "tpu.region"() ({
      %run_scoped3A_251 = tpu.sem_alloc : memref<!tpu.dma_semaphore, #tpu.memory_space<semaphore_mem>>
      %dma_start3A_252 = arith.constant 0 : i32
      %dma_start3A_253 = arith.constant 0 : i32
      %dma_start3A_254 = tpu.memref_slice %arg6[%run_scoped3A_214, %dma_start3A_252, %dma_start3A_253] : memref<2x32x1024xf32, #tpu.memory_space<vmem>> -> memref<1x32x1024xf32, #tpu.memory_space<vmem>>
      %dma_start3A_255 = tpu.memref_squeeze %dma_start3A_254 : memref<1x32x1024xf32, #tpu.memory_space<vmem>> -> memref<32x1024xf32, #tpu.memory_space<vmem>>
      %dma_start3A_256 = arith.constant 0 : i32
      %dma_start3A_257 = tpu.memref_slice %arg2[%select_n3A_213, %dma_start3A_256] : memref<2048x1024xf32, #tpu.memory_space<hbm>> -> memref<32x1024xf32, #tpu.memory_space<hbm>>
      %dma_start3A_258 = arith.constant 0 : i32
      %dma_start3A_259 = arith.constant 0 : i32
      %dma_start3A_260 = tpu.memref_slice %arg6[%run_scoped3A_214, %dma_start3A_258, %dma_start3A_259] : memref<2x32x1024xf32, #tpu.memory_space<vmem>> -> memref<1x32x1024xf32, #tpu.memory_space<vmem>>
      %dma_start3A_261 = tpu.memref_squeeze %dma_start3A_260 : memref<1x32x1024xf32, #tpu.memory_space<vmem>> -> memref<32x1024xf32, #tpu.memory_space<vmem>>
      %dma_start3A_262 = arith.constant 0 : i32
      %dma_start3A_263 = tpu.memref_slice %arg2[%select_n3A_213, %dma_start3A_262] : memref<2048x1024xf32, #tpu.memory_space<hbm>> -> memref<32x1024xf32, #tpu.memory_space<hbm>>
      tpu.enqueue_dma source(%dma_start3A_263 : memref<32x1024xf32, #tpu.memory_space<hbm>>) target(%dma_start3A_261 : memref<32x1024xf32, #tpu.memory_space<vmem>>) target_semaphore(%run_scoped3A_251 : memref<!tpu.dma_semaphore, #tpu.memory_space<semaphore_mem>>)
      %dma_wait3A_264 = arith.constant 0 : i32
      %dma_wait3A_265 = arith.constant 0 : i32
      %dma_wait3A_266 = tpu.memref_slice %arg6[%run_scoped3A_214, %dma_wait3A_264, %dma_wait3A_265] : memref<2x32x1024xf32, #tpu.memory_space<vmem>> -> memref<1x32x1024xf32, #tpu.memory_space<vmem>>
      %dma_wait3A_267 = tpu.memref_squeeze %dma_wait3A_266 : memref<1x32x1024xf32, #tpu.memory_space<vmem>> -> memref<32x1024xf32, #tpu.memory_space<vmem>>
      %dma_wait3A_268 = arith.constant 0 : i32
      %dma_wait3A_269 = tpu.memref_slice %arg2[%select_n3A_213, %dma_wait3A_268] : memref<2048x1024xf32, #tpu.memory_space<hbm>> -> memref<32x1024xf32, #tpu.memory_space<hbm>>
      %dma_wait3A_270 = arith.constant 0 : i32
      %dma_wait3A_271 = arith.constant 0 : i32
      %dma_wait3A_272 = tpu.memref_slice %arg6[%run_scoped3A_214, %dma_wait3A_270, %dma_wait3A_271] : memref<2x32x1024xf32, #tpu.memory_space<vmem>> -> memref<1x32x1024xf32, #tpu.memory_space<vmem>>
      %dma_wait3A_273 = tpu.memref_squeeze %dma_wait3A_272 : memref<1x32x1024xf32, #tpu.memory_space<vmem>> -> memref<32x1024xf32, #tpu.memory_space<vmem>>
      %dma_wait3A_274 = arith.constant 0 : i32
      %dma_wait3A_275 = tpu.memref_slice %arg2[%select_n3A_213, %dma_wait3A_274] : memref<2048x1024xf32, #tpu.memory_space<hbm>> -> memref<32x1024xf32, #tpu.memory_space<hbm>>
      tpu.wait_dma2 semaphore(%run_scoped3A_251 : memref<!tpu.dma_semaphore, #tpu.memory_space<semaphore_mem>>) src(%dma_wait3A_275 : memref<32x1024xf32, #tpu.memory_space<hbm>>) dst(%dma_wait3A_273 : memref<32x1024xf32, #tpu.memory_space<vmem>>)
      tpu.yield
    }) : () -> ()
    %dma_start3A_215 = arith.constant 1 : i32
    %dma_start3A_216 = arith.constant 5 : i32
    %dma_start3A_217 = arith.constant 0 : i32
    %dma_start3A_218 = arith.constant 0 : i32
    %dma_start3A_219 = tpu.memref_slice %arg6[%dma_start3A_215, %dma_start3A_217, %dma_start3A_218] : memref<2x32x1024xf32, #tpu.memory_space<vmem>> -> memref<1x32x1024xf32, #tpu.memory_space<vmem>>
    %dma_start3A_220 = tpu.memref_squeeze %dma_start3A_219 : memref<1x32x1024xf32, #tpu.memory_space<vmem>> -> memref<32x1024xf32, #tpu.memory_space<vmem>>
    %dma_start3A_221 = arith.constant 0 : i32
    %dma_start3A_222 = tpu.memref_slice %arg5[%dma_start3A_216, %dma_start3A_221] : memref<6x32xi32, #tpu.memory_space<vmem>> -> memref<1x32xi32, #tpu.memory_space<vmem>>
    %dma_start3A_223 = tpu.memref_squeeze %dma_start3A_222 : memref<1x32xi32, #tpu.memory_space<vmem>> -> memref<32xi32, #tpu.memory_space<vmem>>
    %dma_start3A_224 = arith.constant 0 : i32
    %dma_start3A_225 = arith.constant 0 : i32
    %dma_start3A_226 = tpu.memref_slice %arg4[%dma_start3A_224, %dma_start3A_225] : memref<13824x1024xf32, #tpu.memory_space<hbm>> -> memref<13824x1024xf32, #tpu.memory_space<hbm>>
    tpu.enqueue_indirect_dma source(%dma_start3A_220 : memref<32x1024xf32, #tpu.memory_space<vmem>>) target(%dma_start3A_226 : memref<13824x1024xf32, #tpu.memory_space<hbm>>) offsets(%dma_start3A_223 : memref<32xi32, #tpu.memory_space<vmem>>) semaphore(%arg7 : memref<!tpu.dma_semaphore, #tpu.memory_space<semaphore_mem>>)
    %dma_wait3A_227 = arith.constant 0 : i32
    %dma_wait3A_228 = arith.constant 4 : i32
    %dma_wait3A_229 = arith.constant 0 : i32
    %dma_wait3A_230 = arith.constant 0 : i32
    %dma_wait3A_231 = tpu.memref_slice %arg6[%dma_wait3A_227, %dma_wait3A_229, %dma_wait3A_230] : memref<2x32x1024xf32, #tpu.memory_space<vmem>> -> memref<1x32x1024xf32, #tpu.memory_space<vmem>>
    %dma_wait3A_232 = tpu.memref_squeeze %dma_wait3A_231 : memref<1x32x1024xf32, #tpu.memory_space<vmem>> -> memref<32x1024xf32, #tpu.memory_space<vmem>>
    %dma_wait3A_233 = arith.constant 0 : i32
    %dma_wait3A_234 = tpu.memref_slice %arg5[%dma_wait3A_228, %dma_wait3A_233] : memref<6x32xi32, #tpu.memory_space<vmem>> -> memref<1x32xi32, #tpu.memory_space<vmem>>
    %dma_wait3A_235 = tpu.memref_squeeze %dma_wait3A_234 : memref<1x32xi32, #tpu.memory_space<vmem>> -> memref<32xi32, #tpu.memory_space<vmem>>
    %dma_wait3A_236 = arith.constant 0 : i32
    %dma_wait3A_237 = arith.constant 0 : i32
    %dma_wait3A_238 = tpu.memref_slice %arg4[%dma_wait3A_236, %dma_wait3A_237] : memref<13824x1024xf32, #tpu.memory_space<hbm>> -> memref<13824x1024xf32, #tpu.memory_space<hbm>>
    tpu.wait_indirect_dma semaphore(%arg7 : memref<!tpu.dma_semaphore, #tpu.memory_space<semaphore_mem>>) src(%dma_wait3A_232 : memref<32x1024xf32, #tpu.memory_space<vmem>>) dst(%dma_wait3A_238 : memref<13824x1024xf32, #tpu.memory_space<hbm>>)
    %dma_wait3A_239 = arith.constant 1 : i32
    %dma_wait3A_240 = arith.constant 5 : i32
    %dma_wait3A_241 = arith.constant 0 : i32
    %dma_wait3A_242 = arith.constant 0 : i32
    %dma_wait3A_243 = tpu.memref_slice %arg6[%dma_wait3A_239, %dma_wait3A_241, %dma_wait3A_242] : memref<2x32x1024xf32, #tpu.memory_space<vmem>> -> memref<1x32x1024xf32, #tpu.memory_space<vmem>>
    %dma_wait3A_244 = tpu.memref_squeeze %dma_wait3A_243 : memref<1x32x1024xf32, #tpu.memory_space<vmem>> -> memref<32x1024xf32, #tpu.memory_space<vmem>>
    %dma_wait3A_245 = arith.constant 0 : i32
    %dma_wait3A_246 = tpu.memref_slice %arg5[%dma_wait3A_240, %dma_wait3A_245] : memref<6x32xi32, #tpu.memory_space<vmem>> -> memref<1x32xi32, #tpu.memory_space<vmem>>
    %dma_wait3A_247 = tpu.memref_squeeze %dma_wait3A_246 : memref<1x32xi32, #tpu.memory_space<vmem>> -> memref<32xi32, #tpu.memory_space<vmem>>
    %dma_wait3A_248 = arith.constant 0 : i32
    %dma_wait3A_249 = arith.constant 0 : i32
    %dma_wait3A_250 = tpu.memref_slice %arg4[%dma_wait3A_248, %dma_wait3A_249] : memref<13824x1024xf32, #tpu.memory_space<hbm>> -> memref<13824x1024xf32, #tpu.memory_space<hbm>>
    tpu.wait_indirect_dma semaphore(%arg7 : memref<!tpu.dma_semaphore, #tpu.memory_space<semaphore_mem>>) src(%dma_wait3A_244 : memref<32x1024xf32, #tpu.memory_space<vmem>>) dst(%dma_wait3A_250 : memref<13824x1024xf32, #tpu.memory_space<hbm>>)
    return
  }
}

module attributes {stable_mosaic.version = 14 : i64} {
  func.func @_router_body(%arg0: i32, %arg1: memref<256x1024xf32, #tpu.memory_space<vmem>>, %arg2: memref<1024x15xf32, #tpu.memory_space<vmem>>, %arg3: memref<256x1024xf32, #tpu.memory_space<vmem>>, %arg4: memref<256x16xi32, #tpu.memory_space<vmem>>, %arg5: memref<256x16xf32, #tpu.memory_space<vmem>>) attributes {dimension_semantics = [#tpu.dimension_semantics<arbitrary>], iteration_bounds = array<i64: 8>, scalar_prefetch = 0 : i64, scratch_operands = 0 : i64, tpu.core_type = #tpu.core_type<tc>, window_params = [{transform_indices = @transform_0, window_bounds = array<i64: 256, 1024>}, {pipeline_mode = #tpu.pipeline_mode<synchronous>, transform_indices = @transform_1, window_bounds = array<i64: 1024, 15>}, {transform_indices = @transform_2, window_bounds = array<i64: 256, 1024>}, {transform_indices = @transform_3, window_bounds = array<i64: 256, 16>}, {transform_indices = @transform_4, window_bounds = array<i64: 256, 16>}]} {
    %get3A = arith.constant 0 : index
    %get3A_0 = arith.constant 0 : index
    %get3A_1 = vector.load %arg1[%get3A, %get3A_0] : memref<256x1024xf32, #tpu.memory_space<vmem>>, vector<256x1024xf32>
    %mul3A = arith.mulf %get3A_1, %get3A_1 : vector<256x1024xf32>
    %reduce_sum3A = arith.constant dense<0.000000e+00> : vector<256xf32>
    %reduce_sum3A_2 = vector.multi_reduction <add>, %mul3A, %reduce_sum3A [1] : vector<256x1024xf32> to vector<256xf32>
    %broadcast_in_dim3A = vector.shape_cast %reduce_sum3A_2 : vector<256xf32> to vector<256x1xf32>
    %div3A = arith.constant 1.024000e+03 : f32
    %div3A_3 = vector.broadcast %div3A : f32 to vector<256x1xf32>
    %div3A_4 = arith.divf %broadcast_in_dim3A, %div3A_3 : vector<256x1xf32>
    %add3A = arith.constant 1.1920929E-7 : f32
    %add3A_5 = vector.broadcast %add3A : f32 to vector<256x1xf32>
    %add3A_6 = arith.addf %div3A_4, %add3A_5 : vector<256x1xf32>
    %rsqrt3A = math.rsqrt %add3A_6 : vector<256x1xf32>
    %mul3A_7 = vector.broadcast %rsqrt3A : vector<256x1xf32> to vector<256x1024xf32>
    %mul3A_8 = arith.mulf %get3A_1, %mul3A_7 : vector<256x1024xf32>
    %swap3A = arith.constant 0 : index
    %swap3A_9 = arith.constant 0 : index
    %swap3A_10 = vector.load %arg3[%swap3A, %swap3A_9] : memref<256x1024xf32, #tpu.memory_space<vmem>>, vector<256x1024xf32>
    tpu.vector_store %arg3[%swap3A, %swap3A_9], %mul3A_8 {strides = array<i32>} : memref<256x1024xf32, #tpu.memory_space<vmem>>, vector<256x1024xf32>,
    %get3A_11 = arith.constant 0 : index
    %get3A_12 = arith.constant 0 : index
    %get3A_13 = vector.load %arg2[%get3A_11, %get3A_12] : memref<1024x15xf32, #tpu.memory_space<vmem>>, vector<1024x15xf32>
    %dot_general3A = arith.constant dense<0.000000e+00> : vector<256x15xf32>
    %dot_general3A_14 = tpu.matmul %get3A_1, %get3A_13, %dot_general3A {dimension_numbers = #tpu.dot_dimension_numbers<[1], [0], [0], [1], [0, 0, 1, 1], [], []>, transpose_lhs_hint = false} : vector<256x1024xf32>, vector<1024x15xf32>, vector<256x15xf32> -> vector<256x15xf32>
    %reduce_max3A = arith.constant dense<0xFF800000> : vector<256xf32>
    %reduce_max3A_15 = vector.multi_reduction <maximumf>, %dot_general3A_14, %reduce_max3A [1] : vector<256x15xf32> to vector<256xf32>
    %broadcast_in_dim3A_16 = vector.shape_cast %reduce_max3A_15 : vector<256xf32> to vector<256x1xf32>
    %sub3A = vector.broadcast %broadcast_in_dim3A_16 : vector<256x1xf32> to vector<256x15xf32>
    %sub3A_17 = arith.subf %dot_general3A_14, %sub3A : vector<256x15xf32>
    %exp3A = math.exp %sub3A_17 : vector<256x15xf32>
    %reduce_sum3A_18 = arith.constant dense<0.000000e+00> : vector<256xf32>
    %reduce_sum3A_19 = vector.multi_reduction <add>, %exp3A, %reduce_sum3A_18 [1] : vector<256x15xf32> to vector<256xf32>
    %broadcast_in_dim3A_20 = vector.shape_cast %reduce_sum3A_19 : vector<256xf32> to vector<256x1xf32>
    %div3A_21 = vector.broadcast %broadcast_in_dim3A_20 : vector<256x1xf32> to vector<256x15xf32>
    %div3A_22 = arith.divf %exp3A, %div3A_21 : vector<256x15xf32>
    %iota3A = tpu.iota {dimensions = array<i32: 1>} : vector<256x15xi32>
    %reduce_max3A_23 = arith.constant dense<0xFF800000> : vector<256xf32>
    %reduce_max3A_24 = vector.multi_reduction <maximumf>, %div3A_22, %reduce_max3A_23 [1] : vector<256x15xf32> to vector<256xf32>
    %broadcast_in_dim3A_25 = vector.shape_cast %reduce_max3A_24 : vector<256xf32> to vector<256x1xf32>
    %argmax3A = tpu.reduce_index %div3A_22 {axis = 1 : i32, kind = #tpu.reduction_kind<arg_max>} : vector<256x15xf32> -> vector<256xi32>
    %broadcast_in_dim3A_26 = vector.shape_cast %argmax3A : vector<256xi32> to vector<256x1xi32>
    %eq3A = vector.broadcast %broadcast_in_dim3A_26 : vector<256x1xi32> to vector<256x15xi32>
    %eq3A_27 = arith.cmpi eq, %iota3A, %eq3A : vector<256x15xi32>
    %jit3A = arith.constant -1.000000e+00 : f32
    %broadcast_in_dim3A_28 = vector.broadcast %jit3A : f32 to vector<256x15xf32>
    %select_n3A = arith.select %eq3A_27, %broadcast_in_dim3A_28, %div3A_22 : vector<256x15xi1>, vector<256x15xf32>
    %reduce_max3A_29 = arith.constant dense<0xFF800000> : vector<256xf32>
    %reduce_max3A_30 = vector.multi_reduction <maximumf>, %select_n3A, %reduce_max3A_29 [1] : vector<256x15xf32> to vector<256xf32>
    %broadcast_in_dim3A_31 = vector.shape_cast %reduce_max3A_30 : vector<256xf32> to vector<256x1xf32>
    %argmax3A_32 = tpu.reduce_index %select_n3A {axis = 1 : i32, kind = #tpu.reduction_kind<arg_max>} : vector<256x15xf32> -> vector<256xi32>
    %broadcast_in_dim3A_33 = vector.shape_cast %argmax3A_32 : vector<256xi32> to vector<256x1xi32>
    %eq3A_34 = vector.broadcast %broadcast_in_dim3A_33 : vector<256x1xi32> to vector<256x15xi32>
    %eq3A_35 = arith.cmpi eq, %iota3A, %eq3A_34 : vector<256x15xi32>
    %jit3A_36 = arith.constant -1.000000e+00 : f32
    %broadcast_in_dim3A_37 = vector.broadcast %jit3A_36 : f32 to vector<256x15xf32>
    %select_n3A_38 = arith.select %eq3A_35, %broadcast_in_dim3A_37, %select_n3A : vector<256x15xi1>, vector<256x15xf32>
    %reduce_max3A_39 = arith.constant dense<0xFF800000> : vector<256xf32>
    %reduce_max3A_40 = vector.multi_reduction <maximumf>, %select_n3A_38, %reduce_max3A_39 [1] : vector<256x15xf32> to vector<256xf32>
    %broadcast_in_dim3A_41 = vector.shape_cast %reduce_max3A_40 : vector<256xf32> to vector<256x1xf32>
    %argmax3A_42 = tpu.reduce_index %select_n3A_38 {axis = 1 : i32, kind = #tpu.reduction_kind<arg_max>} : vector<256x15xf32> -> vector<256xi32>
    %broadcast_in_dim3A_43 = vector.shape_cast %argmax3A_42 : vector<256xi32> to vector<256x1xi32>
    %add3A_44 = arith.addf %broadcast_in_dim3A_25, %broadcast_in_dim3A_31 : vector<256x1xf32>
    %add3A_45 = arith.addf %add3A_44, %broadcast_in_dim3A_41 : vector<256x1xf32>
    %add3A_46 = arith.constant 9.99999971E-10 : f32
    %add3A_47 = vector.broadcast %add3A_46 : f32 to vector<256x1xf32>
    %add3A_48 = arith.addf %add3A_45, %add3A_47 : vector<256x1xf32>
    %concatenate3A = tpu.concatenate %broadcast_in_dim3A_25, %broadcast_in_dim3A_31, %broadcast_in_dim3A_41 in 1 : vector<256x1xf32>, vector<256x1xf32>, vector<256x1xf32> -> vector<256x3xf32>
    %div3A_49 = vector.broadcast %add3A_48 : vector<256x1xf32> to vector<256x3xf32>
    %div3A_50 = arith.divf %concatenate3A, %div3A_49 : vector<256x3xf32>
    %concatenate3A_51 = tpu.concatenate %broadcast_in_dim3A_26, %broadcast_in_dim3A_33, %broadcast_in_dim3A_43 in 1 : vector<256x1xi32>, vector<256x1xi32>, vector<256x1xi32> -> vector<256x3xi32>
    %broadcast_in_dim3A_52 = arith.constant 0 : i32
    %broadcast_in_dim3A_53 = vector.broadcast %broadcast_in_dim3A_52 : i32 to vector<256x13xi32>
    %concatenate3A_54 = tpu.concatenate %concatenate3A_51, %broadcast_in_dim3A_53 in 1 : vector<256x3xi32>, vector<256x13xi32> -> vector<256x16xi32>
    %swap3A_55 = arith.constant 0 : index
    %swap3A_56 = arith.constant 0 : index
    %swap3A_57 = vector.load %arg4[%swap3A_55, %swap3A_56] : memref<256x16xi32, #tpu.memory_space<vmem>>, vector<256x16xi32>
    tpu.vector_store %arg4[%swap3A_55, %swap3A_56], %concatenate3A_54 {strides = array<i32>} : memref<256x16xi32, #tpu.memory_space<vmem>>, vector<256x16xi32>,
    %broadcast_in_dim3A_58 = arith.constant 0.000000e+00 : f32
    %broadcast_in_dim3A_59 = vector.broadcast %broadcast_in_dim3A_58 : f32 to vector<256x13xf32>
    %concatenate3A_60 = tpu.concatenate %div3A_50, %broadcast_in_dim3A_59 in 1 : vector<256x3xf32>, vector<256x13xf32> -> vector<256x16xf32>
    %swap3A_61 = arith.constant 0 : index
    %swap3A_62 = arith.constant 0 : index
    %swap3A_63 = vector.load %arg5[%swap3A_61, %swap3A_62] : memref<256x16xf32, #tpu.memory_space<vmem>>, vector<256x16xf32>
    tpu.vector_store %arg5[%swap3A_61, %swap3A_62], %concatenate3A_60 {strides = array<i32>} : memref<256x16xf32, #tpu.memory_space<vmem>>, vector<256x16xf32>,
    return
  }
  func.func @transform_0(%arg0: i32) -> (i32, i32) {
    %c0_i32 = arith.constant 0 : i32
    %c0_i32_0 = arith.constant 0 : i32
    return %arg0, %c0_i32 : i32, i32
  }
  func.func @transform_1(%arg0: i32) -> (i32, i32) {
    %c0_i32 = arith.constant 0 : i32
    %c0_i32_0 = arith.constant 0 : i32
    %c0_i32_1 = arith.constant 0 : i32
    return %c0_i32, %c0_i32_0 : i32, i32
  }
  func.func @transform_2(%arg0: i32) -> (i32, i32) {
    %c0_i32 = arith.constant 0 : i32
    %c0_i32_0 = arith.constant 0 : i32
    return %arg0, %c0_i32 : i32, i32
  }
  func.func @transform_3(%arg0: i32) -> (i32, i32) {
    %c0_i32 = arith.constant 0 : i32
    %c0_i32_0 = arith.constant 0 : i32
    return %arg0, %c0_i32 : i32, i32
  }
  func.func @transform_4(%arg0: i32) -> (i32, i32) {
    %c0_i32 = arith.constant 0 : i32
    %c0_i32_0 = arith.constant 0 : i32
    return %arg0, %c0_i32 : i32, i32
  }
}

module attributes {stable_mosaic.version = 14 : i64} {
  func.func @_ffn_body(%arg0: i32, %arg1: memref<27xi32, #tpu.memory_space<smem>>, %arg2: memref<1xi32, #tpu.memory_space<smem>>, %arg3: memref<512x1024xf32, #tpu.memory_space<vmem>>, %arg4: memref<1x1024x1024xbf16, #tpu.memory_space<vmem>>, %arg5: memref<1x1024x1024xbf16, #tpu.memory_space<vmem>>, %arg6: memref<512x1024xf32, #tpu.memory_space<vmem>>) attributes {dimension_semantics = [#tpu.dimension_semantics<arbitrary>], iteration_bounds = array<i64: 27>, scalar_prefetch = 2 : i64, scratch_operands = 0 : i64, tpu.core_type = #tpu.core_type<tc>, window_params = [{transform_indices = @transform_0, window_bounds = array<i64: 512, 1024>}, {transform_indices = @transform_1, window_bounds = array<i64: 1, 1024, 1024>}, {transform_indices = @transform_2, window_bounds = array<i64: 1, 1024, 1024>}, {transform_indices = @transform_3, window_bounds = array<i64: 512, 1024>}]} {
    %get3A = arith.constant 0 : index
    %get3A_0 = memref.load %arg2[%get3A] : memref<1xi32, #tpu.memory_space<smem>>
    %lt3A = arith.cmpi slt, %arg0, %get3A_0 : i32
    %convert_element_type3A = arith.extui %lt3A : i1 to i32
    %cond3A = arith.constant 0 : i32
    %cond3A_1 = arith.cmpi ne, %convert_element_type3A, %cond3A : i32
    scf.if %cond3A_1 {
      %get3A_2 = arith.constant 0 : index
      %get3A_3 = arith.constant 0 : index
      %get3A_4 = vector.load %arg3[%get3A_2, %get3A_3] : memref<512x1024xf32, #tpu.memory_space<vmem>>, vector<512x1024xf32>
      %convert_element_type3A_5 = arith.truncf %get3A_4 : vector<512x1024xf32> to vector<512x1024xbf16>
      %get3A_6 = arith.constant 0 : index
      %get3A_7 = arith.constant 0 : index
      %get3A_8 = arith.constant 0 : index
      %get3A_9 = vector.load %arg4[%get3A_6, %get3A_7, %get3A_8] : memref<1x1024x1024xbf16, #tpu.memory_space<vmem>>, vector<1x1024x1024xbf16>
      %get3A_10 = vector.shape_cast %get3A_9 : vector<1x1024x1024xbf16> to vector<1024x1024xbf16>
      %dot_general3A = arith.constant dense<0.000000e+00> : vector<512x1024xf32>
      %dot_general3A_11 = tpu.matmul %convert_element_type3A_5, %get3A_10, %dot_general3A {dimension_numbers = #tpu.dot_dimension_numbers<[1], [1], [0], [0], [0, 0, 1, 0], [], []>, transpose_lhs_hint = false} : vector<512x1024xbf16>, vector<1024x1024xbf16>, vector<512x1024xf32> -> vector<512x1024xf32>
      %logistic3A = arith.negf %dot_general3A_11 : vector<512x1024xf32>
      %logistic3A_12 = math.exp %logistic3A : vector<512x1024xf32>
      %logistic3A_13 = arith.constant 1.000000e+00 : f32
      %logistic3A_14 = vector.broadcast %logistic3A_13 : f32 to vector<512x1024xf32>
      %logistic3A_15 = arith.addf %logistic3A_14, %logistic3A_12 : vector<512x1024xf32>
      %logistic3A_16 = arith.divf %logistic3A_14, %logistic3A_15 : vector<512x1024xf32>
      %mul3A = arith.mulf %dot_general3A_11, %logistic3A_16 : vector<512x1024xf32>
      %convert_element_type3A_17 = arith.truncf %mul3A : vector<512x1024xf32> to vector<512x1024xbf16>
      %get3A_18 = arith.constant 0 : index
      %get3A_19 = arith.constant 0 : index
      %get3A_20 = arith.constant 0 : index
      %get3A_21 = vector.load %arg5[%get3A_18, %get3A_19, %get3A_20] : memref<1x1024x1024xbf16, #tpu.memory_space<vmem>>, vector<1x1024x1024xbf16>
      %get3A_22 = vector.shape_cast %get3A_21 : vector<1x1024x1024xbf16> to vector<1024x1024xbf16>
      %dot_general3A_23 = arith.constant dense<0.000000e+00> : vector<512x1024xf32>
      %dot_general3A_24 = tpu.matmul %convert_element_type3A_17, %get3A_22, %dot_general3A_23 {dimension_numbers = #tpu.dot_dimension_numbers<[1], [1], [0], [0], [0, 0, 1, 0], [], []>, transpose_lhs_hint = false} : vector<512x1024xbf16>, vector<1024x1024xbf16>, vector<512x1024xf32> -> vector<512x1024xf32>
      %swap3A = arith.constant 0 : index
      %swap3A_25 = arith.constant 0 : index
      %swap3A_26 = vector.load %arg6[%swap3A, %swap3A_25] : memref<512x1024xf32, #tpu.memory_space<vmem>>, vector<512x1024xf32>
      tpu.vector_store %arg6[%swap3A, %swap3A_25], %dot_general3A_24 {strides = array<i32>} : memref<512x1024xf32, #tpu.memory_space<vmem>>, vector<512x1024xf32>,
    } else {
    }
    return
  }
  func.func @transform_0(%arg0: i32, %arg1: memref<27xi32, #tpu.memory_space<smem>>, %arg2: memref<1xi32, #tpu.memory_space<smem>>) -> (i32, i32) {
    %get3A = arith.constant 0 : index
    %get3A_0 = memref.load %arg2[%get3A] : memref<1xi32, #tpu.memory_space<smem>>
    %sub3A = arith.constant 1 : i32
    %sub3A_1 = arith.subi %get3A_0, %sub3A : i32
    %min3A = arith.minsi %arg0, %sub3A_1 : i32
    %c0_i32 = arith.constant 0 : i32
    %c0_i32_2 = arith.constant 0 : i32
    return %min3A, %c0_i32 : i32, i32
  }
  func.func @transform_1(%arg0: i32, %arg1: memref<27xi32, #tpu.memory_space<smem>>, %arg2: memref<1xi32, #tpu.memory_space<smem>>) -> (i32, i32, i32) {
    %get3A = arith.index_cast %arg0 : i32 to index
    %get3A_0 = memref.load %arg1[%get3A] : memref<27xi32, #tpu.memory_space<smem>>
    %c0_i32 = arith.constant 0 : i32
    %c0_i32_1 = arith.constant 0 : i32
    %c0_i32_2 = arith.constant 0 : i32
    return %get3A_0, %c0_i32, %c0_i32_1 : i32, i32, i32
  }
  func.func @transform_2(%arg0: i32, %arg1: memref<27xi32, #tpu.memory_space<smem>>, %arg2: memref<1xi32, #tpu.memory_space<smem>>) -> (i32, i32, i32) {
    %get3A = arith.index_cast %arg0 : i32 to index
    %get3A_0 = memref.load %arg1[%get3A] : memref<27xi32, #tpu.memory_space<smem>>
    %c0_i32 = arith.constant 0 : i32
    %c0_i32_1 = arith.constant 0 : i32
    %c0_i32_2 = arith.constant 0 : i32
    return %get3A_0, %c0_i32, %c0_i32_1 : i32, i32, i32
  }
  func.func @transform_3(%arg0: i32, %arg1: memref<27xi32, #tpu.memory_space<smem>>, %arg2: memref<1xi32, #tpu.memory_space<smem>>) -> (i32, i32) {
    %get3A = arith.constant 0 : index
    %get3A_0 = memref.load %arg2[%get3A] : memref<1xi32, #tpu.memory_space<smem>>
    %sub3A = arith.constant 1 : i32
    %sub3A_1 = arith.subi %get3A_0, %sub3A : i32
    %min3A = arith.minsi %arg0, %sub3A_1 : i32
    %c0_i32 = arith.constant 0 : i32
    %c0_i32_2 = arith.constant 0 : i32
    return %min3A, %c0_i32 : i32, i32
  }
}

module attributes {stable_mosaic.version = 14 : i64} {
  func.func @_ffn_shared_body(%arg0: i32, %arg1: memref<512x1024xf32, #tpu.memory_space<vmem>>, %arg2: memref<1x1024x1024xbf16, #tpu.memory_space<vmem>>, %arg3: memref<1x1024x1024xbf16, #tpu.memory_space<vmem>>, %arg4: memref<512x1024xf32, #tpu.memory_space<vmem>>) attributes {dimension_semantics = [#tpu.dimension_semantics<arbitrary>], iteration_bounds = array<i64: 4>, scalar_prefetch = 0 : i64, scratch_operands = 0 : i64, tpu.core_type = #tpu.core_type<tc>, window_params = [{transform_indices = @transform_0, window_bounds = array<i64: 512, 1024>}, {pipeline_mode = #tpu.pipeline_mode<synchronous>, transform_indices = @transform_1, window_bounds = array<i64: 1, 1024, 1024>}, {pipeline_mode = #tpu.pipeline_mode<synchronous>, transform_indices = @transform_2, window_bounds = array<i64: 1, 1024, 1024>}, {transform_indices = @transform_3, window_bounds = array<i64: 512, 1024>}]} {
    %get3A = arith.constant 0 : index
    %get3A_0 = arith.constant 0 : index
    %get3A_1 = vector.load %arg1[%get3A, %get3A_0] : memref<512x1024xf32, #tpu.memory_space<vmem>>, vector<512x1024xf32>
    %convert_element_type3A = arith.truncf %get3A_1 : vector<512x1024xf32> to vector<512x1024xbf16>
    %get3A_2 = arith.constant 0 : index
    %get3A_3 = arith.constant 0 : index
    %get3A_4 = arith.constant 0 : index
    %get3A_5 = vector.load %arg2[%get3A_2, %get3A_3, %get3A_4] : memref<1x1024x1024xbf16, #tpu.memory_space<vmem>>, vector<1x1024x1024xbf16>
    %get3A_6 = vector.shape_cast %get3A_5 : vector<1x1024x1024xbf16> to vector<1024x1024xbf16>
    %dot_general3A = arith.constant dense<0.000000e+00> : vector<512x1024xf32>
    %dot_general3A_7 = tpu.matmul %convert_element_type3A, %get3A_6, %dot_general3A {dimension_numbers = #tpu.dot_dimension_numbers<[1], [1], [0], [0], [0, 0, 1, 0], [], []>, transpose_lhs_hint = false} : vector<512x1024xbf16>, vector<1024x1024xbf16>, vector<512x1024xf32> -> vector<512x1024xf32>
    %logistic3A = arith.negf %dot_general3A_7 : vector<512x1024xf32>
    %logistic3A_8 = math.exp %logistic3A : vector<512x1024xf32>
    %logistic3A_9 = arith.constant 1.000000e+00 : f32
    %logistic3A_10 = vector.broadcast %logistic3A_9 : f32 to vector<512x1024xf32>
    %logistic3A_11 = arith.addf %logistic3A_10, %logistic3A_8 : vector<512x1024xf32>
    %logistic3A_12 = arith.divf %logistic3A_10, %logistic3A_11 : vector<512x1024xf32>
    %mul3A = arith.mulf %dot_general3A_7, %logistic3A_12 : vector<512x1024xf32>
    %convert_element_type3A_13 = arith.truncf %mul3A : vector<512x1024xf32> to vector<512x1024xbf16>
    %get3A_14 = arith.constant 0 : index
    %get3A_15 = arith.constant 0 : index
    %get3A_16 = arith.constant 0 : index
    %get3A_17 = vector.load %arg3[%get3A_14, %get3A_15, %get3A_16] : memref<1x1024x1024xbf16, #tpu.memory_space<vmem>>, vector<1x1024x1024xbf16>
    %get3A_18 = vector.shape_cast %get3A_17 : vector<1x1024x1024xbf16> to vector<1024x1024xbf16>
    %dot_general3A_19 = arith.constant dense<0.000000e+00> : vector<512x1024xf32>
    %dot_general3A_20 = tpu.matmul %convert_element_type3A_13, %get3A_18, %dot_general3A_19 {dimension_numbers = #tpu.dot_dimension_numbers<[1], [1], [0], [0], [0, 0, 1, 0], [], []>, transpose_lhs_hint = false} : vector<512x1024xbf16>, vector<1024x1024xbf16>, vector<512x1024xf32> -> vector<512x1024xf32>
    %swap3A = arith.constant 0 : index
    %swap3A_21 = arith.constant 0 : index
    %swap3A_22 = vector.load %arg4[%swap3A, %swap3A_21] : memref<512x1024xf32, #tpu.memory_space<vmem>>, vector<512x1024xf32>
    tpu.vector_store %arg4[%swap3A, %swap3A_21], %dot_general3A_20 {strides = array<i32>} : memref<512x1024xf32, #tpu.memory_space<vmem>>, vector<512x1024xf32>,
    return
  }
  func.func @transform_0(%arg0: i32) -> (i32, i32) {
    %c0_i32 = arith.constant 0 : i32
    %c0_i32_0 = arith.constant 0 : i32
    return %arg0, %c0_i32 : i32, i32
  }
  func.func @transform_1(%arg0: i32) -> (i32, i32, i32) {
    %c0_i32 = arith.constant 0 : i32
    %c0_i32_0 = arith.constant 0 : i32
    %c0_i32_1 = arith.constant 0 : i32
    %c0_i32_2 = arith.constant 0 : i32
    return %c0_i32, %c0_i32_0, %c0_i32_1 : i32, i32, i32
  }
  func.func @transform_2(%arg0: i32) -> (i32, i32, i32) {
    %c0_i32 = arith.constant 0 : i32
    %c0_i32_0 = arith.constant 0 : i32
    %c0_i32_1 = arith.constant 0 : i32
    %c0_i32_2 = arith.constant 0 : i32
    return %c0_i32, %c0_i32_0, %c0_i32_1 : i32, i32, i32
  }
  func.func @transform_3(%arg0: i32) -> (i32, i32) {
    %c0_i32 = arith.constant 0 : i32
    %c0_i32_0 = arith.constant 0 : i32
    return %arg0, %c0_i32 : i32, i32
  }
}

module attributes {stable_mosaic.version = 14 : i64} {
  func.func @_combine_body(%arg0: i32, %arg1: memref<3x512x1024xf32, #tpu.memory_space<vmem>>, %arg2: memref<3x512xf32, #tpu.memory_space<vmem>>, %arg3: memref<512x1024xf32, #tpu.memory_space<vmem>>, %arg4: memref<512x1024xf32, #tpu.memory_space<vmem>>) attributes {dimension_semantics = [#tpu.dimension_semantics<arbitrary>], iteration_bounds = array<i64: 4>, scalar_prefetch = 0 : i64, scratch_operands = 0 : i64, tpu.core_type = #tpu.core_type<tc>, window_params = [{transform_indices = @transform_0, window_bounds = array<i64: 3, 512, 1024>}, {transform_indices = @transform_1, window_bounds = array<i64: 3, 512>}, {transform_indices = @transform_2, window_bounds = array<i64: 512, 1024>}, {transform_indices = @transform_3, window_bounds = array<i64: 512, 1024>}]} {
    %get3A = arith.constant 0 : index
    %get3A_0 = arith.constant 0 : index
    %get3A_1 = vector.load %arg3[%get3A, %get3A_0] : memref<512x1024xf32, #tpu.memory_space<vmem>>, vector<512x1024xf32>
    %get3A_2 = arith.constant 0 : index
    %get3A_3 = arith.constant 0 : index
    %get3A_4 = arith.constant 0 : index
    %get3A_5 = vector.load %arg1[%get3A_2, %get3A_3, %get3A_4] : memref<3x512x1024xf32, #tpu.memory_space<vmem>>, vector<1x512x1024xf32>
    %get3A_6 = vector.shape_cast %get3A_5 : vector<1x512x1024xf32> to vector<512x1024xf32>
    %get3A_7 = arith.constant 0 : index
    %get3A_8 = arith.constant 0 : index
    %get3A_9 = vector.load %arg2[%get3A_7, %get3A_8] : memref<3x512xf32, #tpu.memory_space<vmem>>, vector<1x512xf32>
    %get3A_10 = vector.shape_cast %get3A_9 : vector<1x512xf32> to vector<512xf32>
    %broadcast_in_dim3A = vector.shape_cast %get3A_10 : vector<512xf32> to vector<512x1xf32>
    %mul3A = vector.broadcast %broadcast_in_dim3A : vector<512x1xf32> to vector<512x1024xf32>
    %mul3A_11 = arith.mulf %get3A_6, %mul3A : vector<512x1024xf32>
    %add3A = arith.addf %get3A_1, %mul3A_11 : vector<512x1024xf32>
    %get3A_12 = arith.constant 1 : index
    %get3A_13 = arith.constant 0 : index
    %get3A_14 = arith.constant 0 : index
    %get3A_15 = vector.load %arg1[%get3A_12, %get3A_13, %get3A_14] : memref<3x512x1024xf32, #tpu.memory_space<vmem>>, vector<1x512x1024xf32>
    %get3A_16 = vector.shape_cast %get3A_15 : vector<1x512x1024xf32> to vector<512x1024xf32>
    %get3A_17 = arith.constant 1 : index
    %get3A_18 = arith.constant 0 : index
    %get3A_19 = vector.load %arg2[%get3A_17, %get3A_18] : memref<3x512xf32, #tpu.memory_space<vmem>>, vector<1x512xf32>
    %get3A_20 = vector.shape_cast %get3A_19 : vector<1x512xf32> to vector<512xf32>
    %broadcast_in_dim3A_21 = vector.shape_cast %get3A_20 : vector<512xf32> to vector<512x1xf32>
    %mul3A_22 = vector.broadcast %broadcast_in_dim3A_21 : vector<512x1xf32> to vector<512x1024xf32>
    %mul3A_23 = arith.mulf %get3A_16, %mul3A_22 : vector<512x1024xf32>
    %add3A_24 = arith.addf %add3A, %mul3A_23 : vector<512x1024xf32>
    %get3A_25 = arith.constant 2 : index
    %get3A_26 = arith.constant 0 : index
    %get3A_27 = arith.constant 0 : index
    %get3A_28 = vector.load %arg1[%get3A_25, %get3A_26, %get3A_27] : memref<3x512x1024xf32, #tpu.memory_space<vmem>>, vector<1x512x1024xf32>
    %get3A_29 = vector.shape_cast %get3A_28 : vector<1x512x1024xf32> to vector<512x1024xf32>
    %get3A_30 = arith.constant 2 : index
    %get3A_31 = arith.constant 0 : index
    %get3A_32 = vector.load %arg2[%get3A_30, %get3A_31] : memref<3x512xf32, #tpu.memory_space<vmem>>, vector<1x512xf32>
    %get3A_33 = vector.shape_cast %get3A_32 : vector<1x512xf32> to vector<512xf32>
    %broadcast_in_dim3A_34 = vector.shape_cast %get3A_33 : vector<512xf32> to vector<512x1xf32>
    %mul3A_35 = vector.broadcast %broadcast_in_dim3A_34 : vector<512x1xf32> to vector<512x1024xf32>
    %mul3A_36 = arith.mulf %get3A_29, %mul3A_35 : vector<512x1024xf32>
    %add3A_37 = arith.addf %add3A_24, %mul3A_36 : vector<512x1024xf32>
    %swap3A = arith.constant 0 : index
    %swap3A_38 = arith.constant 0 : index
    %swap3A_39 = vector.load %arg4[%swap3A, %swap3A_38] : memref<512x1024xf32, #tpu.memory_space<vmem>>, vector<512x1024xf32>
    tpu.vector_store %arg4[%swap3A, %swap3A_38], %add3A_37 {strides = array<i32>} : memref<512x1024xf32, #tpu.memory_space<vmem>>, vector<512x1024xf32>,
    return
  }
  func.func @transform_0(%arg0: i32) -> (i32, i32, i32) {
    %c0_i32 = arith.constant 0 : i32
    %c0_i32_0 = arith.constant 0 : i32
    %c0_i32_1 = arith.constant 0 : i32
    return %c0_i32, %arg0, %c0_i32_0 : i32, i32, i32
  }
  func.func @transform_1(%arg0: i32) -> (i32, i32) {
    %c0_i32 = arith.constant 0 : i32
    %c0_i32_0 = arith.constant 0 : i32
    return %c0_i32, %arg0 : i32, i32
  }
  func.func @transform_2(%arg0: i32) -> (i32, i32) {
    %c0_i32 = arith.constant 0 : i32
    %c0_i32_0 = arith.constant 0 : i32
    return %arg0, %c0_i32 : i32, i32
  }
  func.func @transform_3(%arg0: i32) -> (i32, i32) {
    %c0_i32 = arith.constant 0 : i32
    %c0_i32_0 = arith.constant 0 : i32
    return %arg0, %c0_i32 : i32, i32
  }
}

</mosaic_0001>

<sc_bundles>
// kernel: kernel.11.cloned.1.call-start
scs
__scs_entry_jumppad:
0x0: {  	(pc) =	sbr.rel $0x88, $3  }
0x1: {  	(tag) =	ssettag $0x0;
	lr =	simm.s32 $0x1  }
0x2: {  	[smem:$0x3F99] =	sst lr;
	_ =	strace $0xD0000000  }
0x3: {  	_ = 	snop  }
0x4: {  	_ = 	snop  }
0x5: {  	_ = 	snop  }
0x6: {  	_ = 	snop  }
0x7: {  	_ = 	snop  }
__scs_overlays_trampoline_lowered:
0x8: {  	[smem:$0x3FA8] =	sst s0  }
0x9: {  	[smem:$0x3FA9] =	sst s1  }
0xa: {  	[smem:$0x3FAA] =	sst s2  }
0xb: {  	[smem:$0x3FAB] =	sst s3  }
0xc: {  	[smem:$0x3FAC] =	sst s4  }
0xd: {  	[smem:$0x3FAD] =	sst s5  }
0xe: {  	[smem:$0x3FAE] =	sst s6  }
0xf: {  	[smem:$0x3FAF] =	sst s7  }
0x10: {  	[smem:$0x3FB0] =	sst s8  }
0x11: {  	[smem:$0x3FB1] =	sst s9;
	s0 =	simm.s32 @!p0 $0x0  }
0x12: {  	s1 =	sld [smem:$0x3F97];
	s0 =	simm.s32 @p0 $0x1  }
0x13: {  	[smem:$0x3FB2] =	sst s0;
	s0 =	simm.s32 @!p1 $0x0  }
0x14: {  	s2 =	sld [smem:$0x3F96];
	s0 =	simm.s32 @p1 $0x1  }
0x15: {  	[smem:$0x3FB3] =	sst s0;
	s0 =	simm.s32 @!p2 $0x0  }
0x16: {  	s3 =	sld [smem:$0x3FDB];
	s0 =	simm.s32 @p2 $0x1  }
0x17: {  	s4 =	simm.s32 $0x1BF5;
	[smem:$0x3FB5] =	sst s0  }
0x18: {  	s0 =	sld [smem:$0x3F98];
	_ =	swait.ge [sflag:s4], $0x0  }
0x19: {  	s7 =	sld [smem:$0x3F99]  }
0x1a: {  	s8 =	sadd.s32 $0xFFFFE003, lr  }
0x1b: {  	s9 =	sadd.s32 $0xFFFFFEF7, lr;
	s5 =	simm.s32 $0xFFFFFFFF;
	p2 =	slt.u32 s8, $0xFFFFF086  }
0x1c: {  	p1 =	slt.u32 s9, $0xF7A;
	s5 =	simm.s32 @!p2 $0x0  }
0x1d: {  	s5 =	simm.s32 @p1 $0x1;
	p0 =	seq.s32 s7, s2  }
0x1e: {  	s7 =	smul.u32 @!p0 $0xF7A, s2;
	p2 =	seq.s32 @!p0 s5, $0x0  }
0x1f: {  	s9 =	smul.u32 $0xF7A, s1;
	s8 =	simm.s32 @!p0 $0x1BF5;
	p2 =	por !p2, p0  }
0x20: {  	[sflag:s8] =	ssyncset.s32 @!p0 $0xFFFFF086;
	s6 =	sadd.s32 @!p0 s3, s7;
	s7 =	simm.s32 @!p0 $0x108  }
0x21: {  	s3 =	sadd.s32 s3, s9;
	s6 =	sadd.s32 @!p0 $0x88, s6;
	s7 =	simm.s32 @p2 $0x1082  }
0x22: {  	[simem:s7], [sflag:s8] =	dma.local @!p0 [hbm:s6], $0xF7A  }
0x23: {  	s9 =	sor.u32 $0xD0000000, s2;
	s6 =	simm.s32 $0x108;
	_ =	swait.ge @!p0 [sflag:s8], $0x0  }
0x24: {  	s3 =	sadd.s32 $0x88, s3;
	s6 =	simm.s32 @!p1 $0x1082;
	[sflag:s4] =	ssyncset.s32 $0xFFFFF086  }
0x25: {  	[simem:s6], [sflag:s4] =	dma.local [hbm:s3], $0xF7A  }
0x26: {  	[smem:$0x3F99] =	sst s1;
	(tag) =	ssettag s2;
	_ =	strace s9  }
0x27: {  	s1 =	sld [smem:$0x3FA9]  }
0x28: {  	s2 =	sld [smem:$0x3FAA]  }
0x29: {  	s4 =	sld [smem:$0x3FAC]  }
0x2a: {  	p0 =	seq.s32 s5, $0x0;
	s5 =	sld [smem:$0x3FAD]  }
0x2b: {  	s6 =	sld [smem:$0x3FAE]  }
0x2c: {  	s7 =	sld [smem:$0x3FAF]  }
0x2d: {  	s3 =	simm.s32 $0x108;
	s8 =	sld [smem:$0x3FB0]  }
0x2e: {  	s3 =	simm.s32 @!p0 $0x1082;
	s9 =	sld [smem:$0x3FB1]  }
0x2f: {  	lr =	sadd.s32 s0, s3;
	s0 =	sld [smem:$0x3FA8]  }
0x30: {  	s3 =	sld [smem:$0x3FAB]  }
0x31: {  	[smem:$0x3FB4] =	sst s10  }
0x32: {  	s10 =	sld [smem:$0x3FB2];
	_ =	sdelay $0x3  }
0x33: {  	p0 =	seq.s32 s10, $0x1;
	s10 =	sld [smem:$0x3FB4];
	_ =	sdelay $0x3  }
0x34: {  	[smem:$0x3FB4] =	sst s10  }
0x35: {  	s10 =	sld [smem:$0x3FB3];
	_ =	sdelay $0x3  }
0x36: {  	p1 =	seq.s32 s10, $0x1;
	s10 =	sld [smem:$0x3FB4];
	_ =	sdelay $0x3  }
0x37: {  	[smem:$0x3FB4] =	sst s10  }
0x38: {  	s10 =	sld [smem:$0x3FB5]  }
0x39: {  	_ = 	snop;
	(pc) =	sbr.ind lr, $3  }
0x3a: {  	_ = 	snop  }
0x3b: {  	_ = 	snop  }
0x3c: {  	p2 =	seq.s32 s10, $0x1;
	s10 =	sld [smem:$0x3FB4]  }
0x3d: {  	_ =	shalt  }
0x3e: {  	_ =	shalt  }
0x3f: {  	_ =	shalt  }
0x40: {  	_ =	shalt  }
0x41: {  	_ =	shalt  }
0x42: {  	_ =	shalt  }
0x43: {  	_ =	shalt  }
0x44: {  	_ =	shalt  }
0x45: {  	_ =	shalt  }
0x46: {  	_ =	shalt  }
0x47: {  	_ =	shalt  }
0x48: {  	_ =	shalt  }
0x49: {  	_ =	shalt  }
0x4a: {  	_ =	shalt  }
0x4b: {  	_ =	shalt  }
0x4c: {  	_ =	shalt  }
0x4d: {  	_ =	shalt  }
0x4e: {  	_ =	shalt  }
0x4f: {  	_ =	shalt  }
0x50: {  	_ =	shalt  }
0x51: {  	_ =	shalt  }
0x52: {  	_ =	shalt  }
0x53: {  	_ =	shalt  }
0x54: {  	_ =	shalt  }
0x55: {  	_ =	shalt  }
0x56: {  	_ =	shalt  }
0x57: {  	_ =	shalt  }
0x58: {  	_ =	shalt  }
0x59: {  	_ =	shalt  }
0x5a: {  	_ =	shalt  }
0x5b: {  	_ =	shalt  }
0x5c: {  	_ =	shalt  }
0x5d: {  	_ =	shalt  }
0x5e: {  	_ =	shalt  }
0x5f: {  	_ =	shalt  }
0x60: {  	_ =	shalt  }
0x61: {  	_ =	shalt  }
0x62: {  	_ =	shalt  }
0x63: {  	_ =	shalt  }
0x64: {  	_ =	shalt  }
0x65: {  	_ =	shalt  }
0x66: {  	_ =	shalt  }
0x67: {  	_ =	shalt  }
0x68: {  	_ =	shalt  }
0x69: {  	_ =	shalt  }
0x6a: {  	_ =	shalt  }
0x6b: {  	_ =	shalt  }
0x6c: {  	_ =	shalt  }
0x6d: {  	_ =	shalt  }
0x6e: {  	_ =	shalt  }
0x6f: {  	_ =	shalt  }
0x70: {  	_ =	shalt  }
0x71: {  	_ =	shalt  }
0x72: {  	_ =	shalt  }
0x73: {  	_ =	shalt  }
0x74: {  	_ =	shalt  }
0x75: {  	_ =	shalt  }
0x76: {  	_ =	shalt  }
0x77: {  	_ =	shalt  }
0x78: {  	_ =	shalt  }
0x79: {  	_ =	shalt  }
0x7a: {  	_ =	shalt  }
0x7b: {  	_ =	shalt  }
0x7c: {  	_ =	shalt  }
0x7d: {  	_ =	shalt  }
0x7e: {  	_ =	shalt  }
0x7f: {  	_ =	shalt  }
0x80: {  	_ =	shalt  }
0x81: {  	_ =	shalt  }
0x82: {  	_ =	shalt  }
0x83: {  	_ =	shalt  }
0x84: {  	_ =	shalt  }
0x85: {  	_ =	shalt  }
0x86: {  	_ =	shalt  }
0x87: {  	_ =	shalt  }
.Lfunc_end0:
.L_simem_size_0:
called_computation.1_lowered:
.L_overlay_start_0:
0x88: {  	s2 =	sld [smem:$0x3FD9]  }
0x89: {  	s3 =	sld [smem:$0x3FFE];
	_ =	sdelay $0x1  }
0x8a: {  	s1 =	srdreg.scid  }
0x8b: {  	s0 =	sand.u32 $0x1, s1  }
0x8c: {  	s16 =	sshll.u32 s0, $0xA;
	s2 =	sadd.s32 s3, s2  }
0x8d: {  	s2 =	sadd.s32 s2, s16  }
0x8e: {  	[smem:$0x3FC0] =	sst s2  }
0x8f: {  	_ = 	snop  }
0x90: {  	(tm) =	ssettm $0x1  }
0x91: {  	s17 =	sld [smem:$0x3FFB];
	_ =	sdelay $0x3  }
0x92: {  	_ =	strace s17  }
0x93: {  	s2 =	sld [smem:$0x3FFC];
	_ =	sdelay $0x3  }
0x94: {  	_ =	strace s2  }
0x95: {  	s2 =	sld [smem:$0x3FFD];
	_ =	sdelay $0x3  }
0x96: {  	_ =	strace s2  }
0x97: {  	_ =	strace $0x8FFFFFFF  }
0x98: {  	s18 =	sld [smem:$0x3FDB];
	_ =	sdelay $0x1  }
0x99: {  	s19 =	simm.s32 $_scs_section_size  }
0x9a: {  	s4 =	simm.s32 $_size__tile_overlayer_lowered;
	s5 =	simm.s32 $_tile_overlayer_lowered  }
0x9b: {  	s22 =	simm.s32 $0x1BFF;
	s21 =	sshll.u32 s5, $0x1;
	s2 =	sadd.s32 s19, s18  }
0x9c: {  	s6 =	simm.s32 $0x0;
	s20 =	sshll.u32 s4, $0x1;
	s4 =	sadd.s32 s21, s2  }
0x9d: {  	[timem:s6], [sflag:s22] =	dma.local [hbm:s4], s20  }
0x9e: {  	_ =	swait.ge [sflag:s22], s20  }
0x9f: {  	s3 =	ssub.s32 $0x0, s20;
	[sflag:s22] =	ssyncset.done $0x0  }
0xa0: {  	[sflag:s22] =	ssyncadd.s32 s3;
	_ =	sdelay $0x1  }
0xa1: {  	s23 =	simm.s32 $0x1B8B  }
0xa2: {  	_ =	swait.ge [sflag:s23], $0x1  }
0xa3: {  	[sflag:s23] =	ssyncset.done $0x0  }
0xa4: {  	s25 =	simm.s32 $0x1B8E;
	s24 =	sld [smem:$0x3FFE];
	[sflag:s23] =	ssyncadd.s32 $0xFFFFFFFF  }
0xa5: {  	s26 =	simm.s32 $execute0_lowered;
	[smem:$0x3FD2] =	sst s25  }
0xa6: {  	s4 =	sshll.u32 s26, $0x1;
	_ =	strace $0x80000049;
	[dreg:$0x1] =	wrdreg $0xFFFFFFFF  }
0xa7: {  	s28 =	simm.s32 $_size_execute0_lowered;
	s2 =	sadd.s32 s2, s4;
	[dreg:$0x0] =	wrdreg $0x0  }
0xa8: {  	s4 =	sshll.u32 s28, $0x1;
	[dreg:$0x2] =	wrdreg s2  }
0xa9: {  	[dreg:$0x3] =	wrdreg s4  }
0xaa: {  	[dreg:$0x4] =	wrdreg $0xC0  }
0xab: {  	_ =	task [dreg:s6], $0x5FFFF  }
0xac: {  	[dreg:$0x1] =	wrdreg $0xFFFFFFFF  }
0xad: {  	[dreg:$0x0] =	wrdreg $0x60  }
0xae: {  	[dreg:$0x2] =	wrdreg s24  }
0xaf: {  	[dreg:$0x3] =	wrdreg $0x9  }
0xb0: {  	_ =	task.clear_ibuf [dreg:s6], $0x4FFFF;
	_ =	strace $0x90000049  }
0xb1: {  	s29 =	simm.s32 $0x9;
	_ =	strace $0x8000004B  }
0xb2: {  	_ =	swait.ge [sflag:s29], $0x1  }
0xb3: {  	[sflag:s29] =	ssyncadd.s32 $0xFFFFFFFF  }
0xb4: {  	_ =	strace $0x9000004B  }
0xb5: {  	_ =	sfence  }
0xb6: {  	s30 =	sld [smem:$0x0];
	_ =	sdelay $0x2  }
0xb7: {  	s31 =	sshll.u32 s1, $0xD;
	s1 =	sshrl.u32 s1, $0x2  }
0xb8: {  	s3 =	sand.u32 $0x4000, s31;
	s1 =	sadd.s32 s1, s30  }
0xb9: {  	s0 =	sor.u32 s3, s0;
	s1 =	sshll.u32 s1, $0x11  }
0xba: {  	s0 =	sor.u32 s1, s0  }
0xbb: {  	s0 =	sadd.s32 $0x8F2B, s0  }
0xbc: {  	[sflag:s0] =	ssyncadd.remote.s32 $0x1  }
0xbd: {  	_ =	sfence.sel $0xFFFF  }
0xbe: {  	[dreg:$0x0] =	wrdreg $0xFFFFFFFF;
	(pc) =	sbr.abs _section_cstart, $3  }
0xbf: {  	[dreg:$0x1] =	wrdreg $0xFFFFFFFF  }
0xc0: {  	_ =	task.clear_ibuf [dreg:s6], $0x2FFFF;
	_ =	strace $0x9FFFFFFF  }
0xc1: {  	(tm) =	ssettm $0x7FFFFFFF  }
tec
execute0_lowered:
.L_overlay_start_1:
0x0: {  	(tag) =	ssettag $0x1  }
0x1: {  	s0 =	rddreg [dreg:$0x0]  }
0x2: {  	s2 =	simm.s32 $0x0;
	s1 =	srdreg.scid;
	s3 =	stileid.u32  }
0x3: {  	s9 =	simm.s32 $0x2;
	s19 =	simm.s32 $0x1;
	s21 =	simm.s32 $0xC00  }
0x4: {  	s22 =	simm.s32 $0x1400;
	s23 =	simm.s32 $0x1C00;
	s28 =	simm.s32 $0x3400  }
0x5: {  	s29 =	simm.s32 $0x3C00;
	s30 =	simm.s32 $0x4400;
	s31 =	simm.s32 $0x4C00  }
0x6: {  	s10 =	simm.s32 $0x5400;
	s11 =	simm.s32 $0x6C00;
	s12 =	simm.s32 $0x7400  }
0x7: {  	s13 =	simm.s32 $0x7C00;
	s14 =	simm.s32 $0x8C00;
	s15 =	simm.s32 $0x9400  }
0x8: {  	s16 =	simm.s32 $0x9C00;
	s17 =	simm.s32 $0xA400;
	s18 =	simm.s32 $0xAC00  }
0x9: {  	[smem:$0x7FF] =	sst s2;
	s1 =	sand.u32 $0x1, s1;
	s3 =	sshll.u32 s3, $0x1  }
0xa: {  	s7 =	sadd.s32 $0x9000, s0;
	_ =	strace $0x8000004A;
	s4 =	sor.u32 s1, s3  }
0xb: {  	s1 =	ssub.s32 $0x2, s1;
	s5 =	smul.u32 $0x6000, s4;
	s6 =	sshll.u32 s4, $0x7  }
0xc: {  	s4 =	smul.u32 $0x30000, s4;
	s8 =	sshrl.u32 s1, $0x1;
	s6 =	sadd.s32 s6, s0  }
0xd: {  	s3 =	sadd.s32 $0x1B9200, s0;
	s1 =	ssub.s32 s1, s8;
	s6 =	sadd.s32 $0x8000, s6  }
0xe: {  	s5 =	sadd.s32 s7, s5;
	s4 =	sshrl.u32 s4, $0x3;
	[dreg:$0x2] =	wrdreg s6  }
0xf: {  	[dreg:$0x8] =	wrdreg s5;
	s5 =	sadd.s32 $0x1000, s5;
	s4 =	sadd.s32 s7, s4  }
0x10: {  	s8 =	smax.u32 s1, $0x1;
	[dreg:$0x3] =	wrdreg s5;
	s24 =	sadd.s32 $0x2000, s4  }
0x11: {  	s6 =	sadd.s32 $0x1B9400, s0;
	s7 =	sadd.s32 $0x3000, s4;
	[dreg:$0x4] =	wrdreg s24  }
0x12: {  	s5 =	sadd.s32 $0x1B9300, s0;
	s25 =	sadd.s32 $0x4000, s4;
	[dreg:$0x5] =	wrdreg s7  }
0x13: {  	v2 =	vlaneseq.u32;
	s26 =	sadd.s32 $0x5000, s4;
	s4 =	simm.s32 $0x6400;
	[dreg:$0x6] =	wrdreg s25  }
0x14: {  	vm0 =	vmmov $0xffff;
	v1 =	vshrl.u32 v2, $0x3;
	s7 =	sadd.s32 $0x1B9500, s0;
	[dreg:$0x7] =	wrdreg s26;
	s26 =	simm.s32 $0x400  }
0x15: {  	v0 =	vand.u32 $0x7, v2;
	v2 =	vor.u32 $0x8, v2;
	v1 =	vmul.u32 $0x8, v1;
	s24 =	simm.s32 $0x2400;
	s25 =	simm.s32 $0x2C00;
	s0 =	simm.s32 $0x8400  }
.LBB2_1:
0x16: {  	s20 =	rddreg [dreg:$0x2]  }
0x17: {  	[tilespmem:s2], [sflag:$0x2] =	stream.linear.gather [hbm4b:s20+s2], $0x300, $0x38;
	[tilespmem:$0x10400] =	vst v63  }
0x18: {  	_ =	swait.ge [sflag:s9], $0x300  }
0x19: {  	[sflag:s9] =	ssyncset.done $0x0  }
0x1a: {  	[sflag:s9] =	ssyncadd.s32 $0xFFFFFD00  }
0x1b: {  	v3 =	vld [tilespmem:$0x0];
	_ =	sdelay $0x4  }
0x1c: {  	v4 =	vshll.u32 v3, $0x3  }
0x1d: {  	v3 =	vand.u32 $0x7, v3;
	v4 =	vand.u32 $0xFFFFFFC0, v4  }
0x1e: {  	v3 =	vor.u32 v3, v4  }
0x1f: {  	v4 =	vperm.xlane v3, v0;
	_ =	sdelay $0x1  }
0x20: {  	v4 =	vadd.s32 v1, v4;
	_ =	sdelay $0x4  }
0x21: {  	[tilespmem:s26], [sflag:$0x1] =	stream.indirect_vreg.gather [hbm4b:s3+s2], $0x80, v4, vm0, $0xb8;
	[tilespmem:$0x10400] =	vst v63  }
0x22: {  	v3 =	vperm.xlane v3, v2  }
0x23: {  	[tilespmem:s21], [sflag:$0x1] =	stream.indirect_vreg.gather [hbm4b:s5+s2], $0x80, v4, vm0, $0xb8;
	[tilespmem:$0x10400] =	vst v63  }
0x24: {  	v3 =	vadd.s32 v1, v3  }
0x25: {  	[tilespmem:s22], [sflag:$0x1] =	stream.indirect_vreg.gather [hbm4b:s6+s2], $0x80, v4, vm0, $0xb8;
	[tilespmem:$0x10400] =	vst v63  }
0x26: {  	_ = 	snop  }
0x27: {  	[tilespmem:s23], [sflag:$0x1] =	stream.indirect_vreg.gather [hbm4b:s7+s2], $0x80, v4, vm0, $0xb8;
	[tilespmem:$0x10400] =	vst v63  }
0x28: {  	_ = 	snop  }
0x29: {  	[tilespmem:s24], [sflag:$0x1] =	stream.indirect_vreg.gather [hbm4b:s3+s2], $0x80, v3, vm0, $0xb8;
	[tilespmem:$0x10400] =	vst v63  }
0x2a: {  	_ = 	snop  }
0x2b: {  	[tilespmem:s25], [sflag:$0x1] =	stream.indirect_vreg.gather [hbm4b:s5+s2], $0x80, v3, vm0, $0xb8;
	[tilespmem:$0x10400] =	vst v63  }
0x2c: {  	_ = 	snop  }
0x2d: {  	[tilespmem:s28], [sflag:$0x1] =	stream.indirect_vreg.gather [hbm4b:s6+s2], $0x80, v3, vm0, $0xb8;
	[tilespmem:$0x10400] =	vst v63  }
0x2e: {  	_ = 	snop  }
0x2f: {  	[tilespmem:s29], [sflag:$0x1] =	stream.indirect_vreg.gather [hbm4b:s7+s2], $0x80, v3, vm0, $0xb8;
	[tilespmem:$0x10400] =	vst v63  }
0x30: {  	v3 =	vld [tilespmem:$0x10];
	_ =	sdelay $0x4  }
0x31: {  	v53 =	vshll.u32 v3, $0x3  }
0x32: {  	v3 =	vand.u32 $0x7, v3;
	v4 =	vand.u32 $0xFFFFFFC0, v53  }
0x33: {  	v3 =	vor.u32 v3, v4  }
0x34: {  	v4 =	vperm.xlane v3, v0;
	_ =	sdelay $0x1  }
0x35: {  	v4 =	vadd.s32 v1, v4;
	_ =	sdelay $0x4  }
0x36: {  	[tilespmem:s30], [sflag:$0x1] =	stream.indirect_vreg.gather [hbm4b:s3+s2], $0x80, v4, vm0, $0xb8;
	[tilespmem:$0x10400] =	vst v63  }
0x37: {  	v3 =	vperm.xlane v3, v2  }
0x38: {  	[tilespmem:s31], [sflag:$0x1] =	stream.indirect_vreg.gather [hbm4b:s5+s2], $0x80, v4, vm0, $0xb8;
	[tilespmem:$0x10400] =	vst v63  }
0x39: {  	v3 =	vadd.s32 v1, v3  }
0x3a: {  	[tilespmem:s10], [sflag:$0x1] =	stream.indirect_vreg.gather [hbm4b:s6+s2], $0x80, v4, vm0, $0xb8;
	[tilespmem:$0x10400] =	vst v63  }
0x3b: {  	s1 =	simm.s32 $0x5C00  }
0x3c: {  	[tilespmem:s1], [sflag:$0x1] =	stream.indirect_vreg.gather [hbm4b:s7+s2], $0x80, v4, vm0, $0xb8;
	[tilespmem:$0x10400] =	vst v63  }
0x3d: {  	_ = 	snop  }
0x3e: {  	[tilespmem:s4], [sflag:$0x1] =	stream.indirect_vreg.gather [hbm4b:s3+s2], $0x80, v3, vm0, $0xb8;
	[tilespmem:$0x10400] =	vst v63  }
0x3f: {  	_ = 	snop  }
0x40: {  	[tilespmem:s11], [sflag:$0x1] =	stream.indirect_vreg.gather [hbm4b:s5+s2], $0x80, v3, vm0, $0xb8;
	[tilespmem:$0x10400] =	vst v63  }
0x41: {  	_ = 	snop  }
0x42: {  	[tilespmem:s12], [sflag:$0x1] =	stream.indirect_vreg.gather [hbm4b:s6+s2], $0x80, v3, vm0, $0xb8;
	[tilespmem:$0x10400] =	vst v63  }
0x43: {  	_ = 	snop  }
0x44: {  	[tilespmem:s13], [sflag:$0x1] =	stream.indirect_vreg.gather [hbm4b:s7+s2], $0x80, v3, vm0, $0xb8;
	[tilespmem:$0x10400] =	vst v63  }
0x45: {  	v3 =	vld [tilespmem:$0x80];
	_ =	sdelay $0x4  }
0x46: {  	v54 =	vshll.u32 v3, $0x3  }
0x47: {  	v3 =	vand.u32 $0x7, v3;
	v4 =	vand.u32 $0xFFFFFFC0, v54  }
0x48: {  	v3 =	vor.u32 v3, v4  }
0x49: {  	v4 =	vperm.xlane v3, v0;
	_ =	sdelay $0x1  }
0x4a: {  	v4 =	vadd.s32 v1, v4;
	_ =	sdelay $0x4  }
0x4b: {  	[tilespmem:s0], [sflag:$0x1] =	stream.indirect_vreg.gather [hbm4b:s3+s2], $0x80, v4, vm0, $0xb8;
	[tilespmem:$0x10400] =	vst v63  }
0x4c: {  	v3 =	vperm.xlane v3, v2  }
0x4d: {  	[tilespmem:s14], [sflag:$0x1] =	stream.indirect_vreg.gather [hbm4b:s5+s2], $0x80, v4, vm0, $0xb8;
	[tilespmem:$0x10400] =	vst v63  }
0x4e: {  	v3 =	vadd.s32 v1, v3  }
0x4f: {  	[tilespmem:s15], [sflag:$0x1] =	stream.indirect_vreg.gather [hbm4b:s6+s2], $0x80, v4, vm0, $0xb8;
	[tilespmem:$0x10400] =	vst v63  }
0x50: {  	_ = 	snop  }
0x51: {  	[tilespmem:s16], [sflag:$0x1] =	stream.indirect_vreg.gather [hbm4b:s7+s2], $0x80, v4, vm0, $0xb8;
	[tilespmem:$0x10400] =	vst v63  }
0x52: {  	_ = 	snop  }
0x53: {  	[tilespmem:s17], [sflag:$0x1] =	stream.indirect_vreg.gather [hbm4b:s3+s2], $0x80, v3, vm0, $0xb8;
	[tilespmem:$0x10400] =	vst v63  }
0x54: {  	_ = 	snop  }
0x55: {  	[tilespmem:s18], [sflag:$0x1] =	stream.indirect_vreg.gather [hbm4b:s5+s2], $0x80, v3, vm0, $0xb8;
	[tilespmem:$0x10400] =	vst v63  }
0x56: {  	s20 =	simm.s32 $0xB400  }
0x57: {  	[tilespmem:s20], [sflag:$0x1] =	stream.indirect_vreg.gather [hbm4b:s6+s2], $0x80, v3, vm0, $0xb8;
	[tilespmem:$0x10400] =	vst v63  }
0x58: {  	s20 =	simm.s32 $0xBC00  }
0x59: {  	[tilespmem:s20], [sflag:$0x1] =	stream.indirect_vreg.gather [hbm4b:s7+s2], $0x80, v3, vm0, $0xb8;
	[tilespmem:$0x10400] =	vst v63  }
0x5a: {  	v3 =	vld [tilespmem:$0x90];
	_ =	sdelay $0x4  }
0x5b: {  	v55 =	vshll.u32 v3, $0x3  }
0x5c: {  	v3 =	vand.u32 $0x7, v3;
	v4 =	vand.u32 $0xFFFFFFC0, v55  }
0x5d: {  	v3 =	vor.u32 v3, v4  }
0x5e: {  	v4 =	vperm.xlane v3, v0;
	_ =	sdelay $0x1  }
0x5f: {  	v4 =	vadd.s32 v1, v4;
	_ =	sdelay $0x3  }
0x60: {  	s20 =	simm.s32 $0xC400  }
0x61: {  	[tilespmem:s20], [sflag:$0x1] =	stream.indirect_vreg.gather [hbm4b:s3+s2], $0x80, v4, vm0, $0xb8;
	[tilespmem:$0x10400] =	vst v63  }
0x62: {  	v3 =	vperm.xlane v3, v2;
	s20 =	simm.s32 $0xCC00  }
0x63: {  	[tilespmem:s20], [sflag:$0x1] =	stream.indirect_vreg.gather [hbm4b:s5+s2], $0x80, v4, vm0, $0xb8;
	[tilespmem:$0x10400] =	vst v63  }
0x64: {  	v3 =	vadd.s32 v1, v3;
	s20 =	simm.s32 $0xD400  }
0x65: {  	[tilespmem:s20], [sflag:$0x1] =	stream.indirect_vreg.gather [hbm4b:s6+s2], $0x80, v4, vm0, $0xb8;
	[tilespmem:$0x10400] =	vst v63  }
0x66: {  	s20 =	simm.s32 $0xDC00  }
0x67: {  	[tilespmem:s20], [sflag:$0x1] =	stream.indirect_vreg.gather [hbm4b:s7+s2], $0x80, v4, vm0, $0xb8;
	[tilespmem:$0x10400] =	vst v63  }
0x68: {  	s20 =	simm.s32 $0xE400  }
0x69: {  	[tilespmem:s20], [sflag:$0x1] =	stream.indirect_vreg.gather [hbm4b:s3+s2], $0x80, v3, vm0, $0xb8;
	[tilespmem:$0x10400] =	vst v63  }
0x6a: {  	s20 =	simm.s32 $0xEC00  }
0x6b: {  	[tilespmem:s20], [sflag:$0x1] =	stream.indirect_vreg.gather [hbm4b:s5+s2], $0x80, v3, vm0, $0xb8;
	[tilespmem:$0x10400] =	vst v63  }
0x6c: {  	s20 =	simm.s32 $0xF400  }
0x6d: {  	[tilespmem:s20], [sflag:$0x1] =	stream.indirect_vreg.gather [hbm4b:s6+s2], $0x80, v3, vm0, $0xb8;
	[tilespmem:$0x10400] =	vst v63  }
0x6e: {  	s20 =	simm.s32 $0xFC00  }
0x6f: {  	[tilespmem:s20], [sflag:$0x1] =	stream.indirect_vreg.gather [hbm4b:s7+s2], $0x80, v3, vm0, $0xb8;
	[tilespmem:$0x10400] =	vst v63  }
0x70: {  	_ =	swait.ge [sflag:s19], $0x8000  }
0x71: {  	[sflag:s19] =	ssyncset.done $0x0  }
0x72: {  	s20 =	rddreg [dreg:$0x8];
	[sflag:s19] =	ssyncadd.s32 $0xFFFF8000  }
0x73: {  	[hbm4b:s20+s2] =	stream.linear.scatter [tilespmem:s26], [sflag:$0x2], $0x8000, $0x38;
	[tilespmem:$0x10400] =	vst v63  }
0x74: {  	_ =	swait.ge [sflag:s9], $0x8000  }
0x75: {  	[sflag:s9] =	ssyncset.done $0x0  }
0x76: {  	[sflag:s9] =	ssyncadd.s32 $0xFFFF8000  }
0x77: {  	v3 =	vld [tilespmem:$0x100];
	_ =	sdelay $0x4  }
0x78: {  	v56 =	vshll.u32 v3, $0x3  }
0x79: {  	v3 =	vand.u32 $0x7, v3;
	v4 =	vand.u32 $0xFFFFFFC0, v56  }
0x7a: {  	v3 =	vor.u32 v3, v4  }
0x7b: {  	v4 =	vperm.xlane v3, v0;
	_ =	sdelay $0x1  }
0x7c: {  	v4 =	vadd.s32 v1, v4;
	_ =	sdelay $0x4  }
0x7d: {  	[tilespmem:s26], [sflag:$0x1] =	stream.indirect_vreg.gather [hbm4b:s3+s2], $0x80, v4, vm0, $0xb8;
	[tilespmem:$0x10400] =	vst v63  }
0x7e: {  	v3 =	vperm.xlane v3, v2  }
0x7f: {  	[tilespmem:s21], [sflag:$0x1] =	stream.indirect_vreg.gather [hbm4b:s5+s2], $0x80, v4, vm0, $0xb8;
	[tilespmem:$0x10400] =	vst v63  }
0x80: {  	v3 =	vadd.s32 v1, v3  }
0x81: {  	[tilespmem:s22], [sflag:$0x1] =	stream.indirect_vreg.gather [hbm4b:s6+s2], $0x80, v4, vm0, $0xb8;
	[tilespmem:$0x10400] =	vst v63  }
0x82: {  	_ = 	snop  }
0x83: {  	[tilespmem:s23], [sflag:$0x1] =	stream.indirect_vreg.gather [hbm4b:s7+s2], $0x80, v4, vm0, $0xb8;
	[tilespmem:$0x10400] =	vst v63  }
0x84: {  	_ = 	snop  }
0x85: {  	[tilespmem:s24], [sflag:$0x1] =	stream.indirect_vreg.gather [hbm4b:s3+s2], $0x80, v3, vm0, $0xb8;
	[tilespmem:$0x10400] =	vst v63  }
0x86: {  	_ = 	snop  }
0x87: {  	[tilespmem:s25], [sflag:$0x1] =	stream.indirect_vreg.gather [hbm4b:s5+s2], $0x80, v3, vm0, $0xb8;
	[tilespmem:$0x10400] =	vst v63  }
0x88: {  	_ = 	snop  }
0x89: {  	[tilespmem:s28], [sflag:$0x1] =	stream.indirect_vreg.gather [hbm4b:s6+s2], $0x80, v3, vm0, $0xb8;
	[tilespmem:$0x10400] =	vst v63  }
0x8a: {  	_ = 	snop  }
0x8b: {  	[tilespmem:s29], [sflag:$0x1] =	stream.indirect_vreg.gather [hbm4b:s7+s2], $0x80, v3, vm0, $0xb8;
	[tilespmem:$0x10400] =	vst v63  }
0x8c: {  	v3 =	vld [tilespmem:$0x110];
	_ =	sdelay $0x4  }
0x8d: {  	v57 =	vshll.u32 v3, $0x3  }
0x8e: {  	v3 =	vand.u32 $0x7, v3;
	v4 =	vand.u32 $0xFFFFFFC0, v57  }
0x8f: {  	v3 =	vor.u32 v3, v4  }
0x90: {  	v4 =	vperm.xlane v3, v0;
	_ =	sdelay $0x1  }
0x91: {  	v4 =	vadd.s32 v1, v4;
	_ =	sdelay $0x4  }
0x92: {  	[tilespmem:s30], [sflag:$0x1] =	stream.indirect_vreg.gather [hbm4b:s3+s2], $0x80, v4, vm0, $0xb8;
	[tilespmem:$0x10400] =	vst v63  }
0x93: {  	v3 =	vperm.xlane v3, v2  }
0x94: {  	[tilespmem:s31], [sflag:$0x1] =	stream.indirect_vreg.gather [hbm4b:s5+s2], $0x80, v4, vm0, $0xb8;
	[tilespmem:$0x10400] =	vst v63  }
0x95: {  	v3 =	vadd.s32 v1, v3  }
0x96: {  	[tilespmem:s10], [sflag:$0x1] =	stream.indirect_vreg.gather [hbm4b:s6+s2], $0x80, v4, vm0, $0xb8;
	[tilespmem:$0x10400] =	vst v63  }
0x97: {  	_ = 	snop  }
0x98: {  	[tilespmem:s1], [sflag:$0x1] =	stream.indirect_vreg.gather [hbm4b:s7+s2], $0x80, v4, vm0, $0xb8;
	[tilespmem:$0x10400] =	vst v63  }
0x99: {  	_ = 	snop  }
0x9a: {  	[tilespmem:s4], [sflag:$0x1] =	stream.indirect_vreg.gather [hbm4b:s3+s2], $0x80, v3, vm0, $0xb8;
	[tilespmem:$0x10400] =	vst v63  }
0x9b: {  	_ = 	snop  }
0x9c: {  	[tilespmem:s11], [sflag:$0x1] =	stream.indirect_vreg.gather [hbm4b:s5+s2], $0x80, v3, vm0, $0xb8;
	[tilespmem:$0x10400] =	vst v63  }
0x9d: {  	_ = 	snop  }
0x9e: {  	[tilespmem:s12], [sflag:$0x1] =	stream.indirect_vreg.gather [hbm4b:s6+s2], $0x80, v3, vm0, $0xb8;
	[tilespmem:$0x10400] =	vst v63  }
0x9f: {  	_ = 	snop  }
0xa0: {  	[tilespmem:s13], [sflag:$0x1] =	stream.indirect_vreg.gather [hbm4b:s7+s2], $0x80, v3, vm0, $0xb8;
	[tilespmem:$0x10400] =	vst v63  }
0xa1: {  	_ =	swait.ge [sflag:s19], $0x8000  }
0xa2: {  	[sflag:s19] =	ssyncset.done $0x0  }
0xa3: {  	s20 =	rddreg [dreg:$0x3];
	[sflag:s19] =	ssyncadd.s32 $0xFFFF8000  }
0xa4: {  	[hbm4b:s20+s2] =	stream.linear.scatter [tilespmem:s0], [sflag:$0x2], $0x8000, $0x38;
	[tilespmem:$0x10400] =	vst v63  }
0xa5: {  	_ =	swait.ge [sflag:s9], $0x8000  }
0xa6: {  	[sflag:s9] =	ssyncset.done $0x0  }
0xa7: {  	[sflag:s9] =	ssyncadd.s32 $0xFFFF8000  }
0xa8: {  	v3 =	vld [tilespmem:$0x180];
	_ =	sdelay $0x4  }
0xa9: {  	v58 =	vshll.u32 v3, $0x3  }
0xaa: {  	v3 =	vand.u32 $0x7, v3;
	v4 =	vand.u32 $0xFFFFFFC0, v58  }
0xab: {  	v3 =	vor.u32 v3, v4  }
0xac: {  	v4 =	vperm.xlane v3, v0;
	_ =	sdelay $0x1  }
0xad: {  	v4 =	vadd.s32 v1, v4;
	_ =	sdelay $0x4  }
0xae: {  	[tilespmem:s0], [sflag:$0x1] =	stream.indirect_vreg.gather [hbm4b:s3+s2], $0x80, v4, vm0, $0xb8;
	[tilespmem:$0x10400] =	vst v63  }
0xaf: {  	v3 =	vperm.xlane v3, v2  }
0xb0: {  	[tilespmem:s14], [sflag:$0x1] =	stream.indirect_vreg.gather [hbm4b:s5+s2], $0x80, v4, vm0, $0xb8;
	[tilespmem:$0x10400] =	vst v63  }
0xb1: {  	v3 =	vadd.s32 v1, v3  }
0xb2: {  	[tilespmem:s15], [sflag:$0x1] =	stream.indirect_vreg.gather [hbm4b:s6+s2], $0x80, v4, vm0, $0xb8;
	[tilespmem:$0x10400] =	vst v63  }
0xb3: {  	_ = 	snop  }
0xb4: {  	[tilespmem:s16], [sflag:$0x1] =	stream.indirect_vreg.gather [hbm4b:s7+s2], $0x80, v4, vm0, $0xb8;
	[tilespmem:$0x10400] =	vst v63  }
0xb5: {  	_ = 	snop  }
0xb6: {  	[tilespmem:s17], [sflag:$0x1] =	stream.indirect_vreg.gather [hbm4b:s3+s2], $0x80, v3, vm0, $0xb8;
	[tilespmem:$0x10400] =	vst v63  }
0xb7: {  	_ = 	snop  }
0xb8: {  	[tilespmem:s18], [sflag:$0x1] =	stream.indirect_vreg.gather [hbm4b:s5+s2], $0x80, v3, vm0, $0xb8;
	[tilespmem:$0x10400] =	vst v63  }
0xb9: {  	s20 =	simm.s32 $0xB400  }
0xba: {  	[tilespmem:s20], [sflag:$0x1] =	stream.indirect_vreg.gather [hbm4b:s6+s2], $0x80, v3, vm0, $0xb8;
	[tilespmem:$0x10400] =	vst v63  }
0xbb: {  	s20 =	simm.s32 $0xBC00  }
0xbc: {  	[tilespmem:s20], [sflag:$0x1] =	stream.indirect_vreg.gather [hbm4b:s7+s2], $0x80, v3, vm0, $0xb8;
	[tilespmem:$0x10400] =	vst v63  }
0xbd: {  	v3 =	vld [tilespmem:$0x190];
	_ =	sdelay $0x4  }
0xbe: {  	v59 =	vshll.u32 v3, $0x3  }
0xbf: {  	v3 =	vand.u32 $0x7, v3;
	v4 =	vand.u32 $0xFFFFFFC0, v59  }
0xc0: {  	v3 =	vor.u32 v3, v4  }
0xc1: {  	v4 =	vperm.xlane v3, v0;
	_ =	sdelay $0x1  }
0xc2: {  	v4 =	vadd.s32 v1, v4;
	_ =	sdelay $0x3  }
0xc3: {  	s20 =	simm.s32 $0xC400  }
0xc4: {  	[tilespmem:s20], [sflag:$0x1] =	stream.indirect_vreg.gather [hbm4b:s3+s2], $0x80, v4, vm0, $0xb8;
	[tilespmem:$0x10400] =	vst v63  }
0xc5: {  	v3 =	vperm.xlane v3, v2;
	s20 =	simm.s32 $0xCC00  }
0xc6: {  	[tilespmem:s20], [sflag:$0x1] =	stream.indirect_vreg.gather [hbm4b:s5+s2], $0x80, v4, vm0, $0xb8;
	[tilespmem:$0x10400] =	vst v63  }
0xc7: {  	v3 =	vadd.s32 v1, v3;
	s20 =	simm.s32 $0xD400  }
0xc8: {  	[tilespmem:s20], [sflag:$0x1] =	stream.indirect_vreg.gather [hbm4b:s6+s2], $0x80, v4, vm0, $0xb8;
	[tilespmem:$0x10400] =	vst v63  }
0xc9: {  	s20 =	simm.s32 $0xDC00  }
0xca: {  	[tilespmem:s20], [sflag:$0x1] =	stream.indirect_vreg.gather [hbm4b:s7+s2], $0x80, v4, vm0, $0xb8;
	[tilespmem:$0x10400] =	vst v63  }
0xcb: {  	s20 =	simm.s32 $0xE400  }
0xcc: {  	[tilespmem:s20], [sflag:$0x1] =	stream.indirect_vreg.gather [hbm4b:s3+s2], $0x80, v3, vm0, $0xb8;
	[tilespmem:$0x10400] =	vst v63  }
0xcd: {  	s20 =	simm.s32 $0xEC00  }
0xce: {  	[tilespmem:s20], [sflag:$0x1] =	stream.indirect_vreg.gather [hbm4b:s5+s2], $0x80, v3, vm0, $0xb8;
	[tilespmem:$0x10400] =	vst v63  }
0xcf: {  	s20 =	simm.s32 $0xF400  }
0xd0: {  	[tilespmem:s20], [sflag:$0x1] =	stream.indirect_vreg.gather [hbm4b:s6+s2], $0x80, v3, vm0, $0xb8;
	[tilespmem:$0x10400] =	vst v63  }
0xd1: {  	s20 =	simm.s32 $0xFC00  }
0xd2: {  	[tilespmem:s20], [sflag:$0x1] =	stream.indirect_vreg.gather [hbm4b:s7+s2], $0x80, v3, vm0, $0xb8;
	[tilespmem:$0x10400] =	vst v63  }
0xd3: {  	_ =	swait.ge [sflag:s19], $0x8000  }
0xd4: {  	[sflag:s19] =	ssyncset.done $0x0  }
0xd5: {  	s20 =	rddreg [dreg:$0x4];
	[sflag:s19] =	ssyncadd.s32 $0xFFFF8000  }
0xd6: {  	[hbm4b:s20+s2] =	stream.linear.scatter [tilespmem:s26], [sflag:$0x2], $0x8000, $0x38;
	[tilespmem:$0x10400] =	vst v63  }
0xd7: {  	_ =	swait.ge [sflag:s9], $0x8000  }
0xd8: {  	[sflag:s9] =	ssyncset.done $0x0  }
0xd9: {  	[sflag:s9] =	ssyncadd.s32 $0xFFFF8000  }
0xda: {  	v3 =	vld [tilespmem:$0x200];
	_ =	sdelay $0x4  }
0xdb: {  	v60 =	vshll.u32 v3, $0x3  }
0xdc: {  	v3 =	vand.u32 $0x7, v3;
	v4 =	vand.u32 $0xFFFFFFC0, v60  }
0xdd: {  	v3 =	vor.u32 v3, v4  }
0xde: {  	v4 =	vperm.xlane v3, v0;
	_ =	sdelay $0x1  }
0xdf: {  	v4 =	vadd.s32 v1, v4;
	_ =	sdelay $0x4  }
0xe0: {  	[tilespmem:s26], [sflag:$0x1] =	stream.indirect_vreg.gather [hbm4b:s3+s2], $0x80, v4, vm0, $0xb8;
	[tilespmem:$0x10400] =	vst v63  }
0xe1: {  	v3 =	vperm.xlane v3, v2  }
0xe2: {  	[tilespmem:s21], [sflag:$0x1] =	stream.indirect_vreg.gather [hbm4b:s5+s2], $0x80, v4, vm0, $0xb8;
	[tilespmem:$0x10400] =	vst v63  }
0xe3: {  	v3 =	vadd.s32 v1, v3  }
0xe4: {  	[tilespmem:s22], [sflag:$0x1] =	stream.indirect_vreg.gather [hbm4b:s6+s2], $0x80, v4, vm0, $0xb8;
	[tilespmem:$0x10400] =	vst v63  }
0xe5: {  	_ = 	snop  }
0xe6: {  	[tilespmem:s23], [sflag:$0x1] =	stream.indirect_vreg.gather [hbm4b:s7+s2], $0x80, v4, vm0, $0xb8;
	[tilespmem:$0x10400] =	vst v63  }
0xe7: {  	_ = 	snop  }
0xe8: {  	[tilespmem:s24], [sflag:$0x1] =	stream.indirect_vreg.gather [hbm4b:s3+s2], $0x80, v3, vm0, $0xb8;
	[tilespmem:$0x10400] =	vst v63  }
0xe9: {  	_ = 	snop  }
0xea: {  	[tilespmem:s25], [sflag:$0x1] =	stream.indirect_vreg.gather [hbm4b:s5+s2], $0x80, v3, vm0, $0xb8;
	[tilespmem:$0x10400] =	vst v63  }
0xeb: {  	_ = 	snop  }
0xec: {  	[tilespmem:s28], [sflag:$0x1] =	stream.indirect_vreg.gather [hbm4b:s6+s2], $0x80, v3, vm0, $0xb8;
	[tilespmem:$0x10400] =	vst v63  }
0xed: {  	_ = 	snop  }
0xee: {  	[tilespmem:s29], [sflag:$0x1] =	stream.indirect_vreg.gather [hbm4b:s7+s2], $0x80, v3, vm0, $0xb8;
	[tilespmem:$0x10400] =	vst v63  }
0xef: {  	v3 =	vld [tilespmem:$0x210];
	_ =	sdelay $0x4  }
0xf0: {  	v61 =	vshll.u32 v3, $0x3  }
0xf1: {  	v3 =	vand.u32 $0x7, v3;
	v4 =	vand.u32 $0xFFFFFFC0, v61  }
0xf2: {  	v3 =	vor.u32 v3, v4  }
0xf3: {  	v4 =	vperm.xlane v3, v0;
	_ =	sdelay $0x1  }
0xf4: {  	v4 =	vadd.s32 v1, v4;
	_ =	sdelay $0x4  }
0xf5: {  	[tilespmem:s30], [sflag:$0x1] =	stream.indirect_vreg.gather [hbm4b:s3+s2], $0x80, v4, vm0, $0xb8;
	[tilespmem:$0x10400] =	vst v63  }
0xf6: {  	v3 =	vperm.xlane v3, v2  }
0xf7: {  	[tilespmem:s31], [sflag:$0x1] =	stream.indirect_vreg.gather [hbm4b:s5+s2], $0x80, v4, vm0, $0xb8;
	[tilespmem:$0x10400] =	vst v63  }
0xf8: {  	v3 =	vadd.s32 v1, v3  }
0xf9: {  	[tilespmem:s10], [sflag:$0x1] =	stream.indirect_vreg.gather [hbm4b:s6+s2], $0x80, v4, vm0, $0xb8;
	[tilespmem:$0x10400] =	vst v63  }
0xfa: {  	_ = 	snop  }
0xfb: {  	[tilespmem:s1], [sflag:$0x1] =	stream.indirect_vreg.gather [hbm4b:s7+s2], $0x80, v4, vm0, $0xb8;
	[tilespmem:$0x10400] =	vst v63  }
0xfc: {  	_ = 	snop  }
0xfd: {  	[tilespmem:s4], [sflag:$0x1] =	stream.indirect_vreg.gather [hbm4b:s3+s2], $0x80, v3, vm0, $0xb8;
	[tilespmem:$0x10400] =	vst v63  }
0xfe: {  	_ = 	snop  }
0xff: {  	[tilespmem:s11], [sflag:$0x1] =	stream.indirect_vreg.gather [hbm4b:s5+s2], $0x80, v3, vm0, $0xb8;
	[tilespmem:$0x10400] =	vst v63  }
0x100: {  	_ = 	snop  }
0x101: {  	[tilespmem:s12], [sflag:$0x1] =	stream.indirect_vreg.gather [hbm4b:s6+s2], $0x80, v3, vm0, $0xb8;
	[tilespmem:$0x10400] =	vst v63  }
0x102: {  	_ = 	snop  }
0x103: {  	[tilespmem:s13], [sflag:$0x1] =	stream.indirect_vreg.gather [hbm4b:s7+s2], $0x80, v3, vm0, $0xb8;
	[tilespmem:$0x10400] =	vst v63  }
0x104: {  	_ =	swait.ge [sflag:s19], $0x8000  }
0x105: {  	[sflag:s19] =	ssyncset.done $0x0  }
0x106: {  	s1 =	rddreg [dreg:$0x5];
	[sflag:s19] =	ssyncadd.s32 $0xFFFF8000  }
0x107: {  	[hbm4b:s1+s2] =	stream.linear.scatter [tilespmem:s0], [sflag:$0x2], $0x8000, $0x38;
	[tilespmem:$0x10400] =	vst v63  }
0x108: {  	_ =	swait.ge [sflag:s9], $0x8000  }
0x109: {  	[sflag:s9] =	ssyncset.done $0x0  }
0x10a: {  	[sflag:s9] =	ssyncadd.s32 $0xFFFF8000  }
0x10b: {  	v3 =	vld [tilespmem:$0x280];
	_ =	sdelay $0x4  }
0x10c: {  	v62 =	vshll.u32 v3, $0x3  }
0x10d: {  	v3 =	vand.u32 $0x7, v3;
	v4 =	vand.u32 $0xFFFFFFC0, v62  }
0x10e: {  	v3 =	vor.u32 v3, v4  }
0x10f: {  	v4 =	vperm.xlane v3, v0;
	_ =	sdelay $0x1  }
0x110: {  	v4 =	vadd.s32 v1, v4;
	_ =	sdelay $0x4  }
0x111: {  	[tilespmem:s0], [sflag:$0x1] =	stream.indirect_vreg.gather [hbm4b:s3+s2], $0x80, v4, vm0, $0xb8;
	[tilespmem:$0x10400] =	vst v63  }
0x112: {  	v3 =	vperm.xlane v3, v2  }
0x113: {  	[tilespmem:s14], [sflag:$0x1] =	stream.indirect_vreg.gather [hbm4b:s5+s2], $0x80, v4, vm0, $0xb8;
	[tilespmem:$0x10400] =	vst v63  }
0x114: {  	v3 =	vadd.s32 v1, v3  }
0x115: {  	[tilespmem:s15], [sflag:$0x1] =	stream.indirect_vreg.gather [hbm4b:s6+s2], $0x80, v4, vm0, $0xb8;
	[tilespmem:$0x10400] =	vst v63  }
0x116: {  	_ = 	snop  }
0x117: {  	[tilespmem:s16], [sflag:$0x1] =	stream.indirect_vreg.gather [hbm4b:s7+s2], $0x80, v4, vm0, $0xb8;
	[tilespmem:$0x10400] =	vst v63  }
0x118: {  	_ = 	snop  }
0x119: {  	[tilespmem:s17], [sflag:$0x1] =	stream.indirect_vreg.gather [hbm4b:s3+s2], $0x80, v3, vm0, $0xb8;
	[tilespmem:$0x10400] =	vst v63  }
0x11a: {  	_ = 	snop  }
0x11b: {  	[tilespmem:s18], [sflag:$0x1] =	stream.indirect_vreg.gather [hbm4b:s5+s2], $0x80, v3, vm0, $0xb8;
	[tilespmem:$0x10400] =	vst v63  }
0x11c: {  	s20 =	simm.s32 $0xB400  }
0x11d: {  	[tilespmem:s20], [sflag:$0x1] =	stream.indirect_vreg.gather [hbm4b:s6+s2], $0x80, v3, vm0, $0xb8;
	[tilespmem:$0x10400] =	vst v63  }
0x11e: {  	s20 =	simm.s32 $0xBC00  }
0x11f: {  	[tilespmem:s20], [sflag:$0x1] =	stream.indirect_vreg.gather [hbm4b:s7+s2], $0x80, v3, vm0, $0xb8;
	[tilespmem:$0x10400] =	vst v63  }
0x120: {  	v3 =	vld [tilespmem:$0x290];
	_ =	sdelay $0x4  }
0x121: {  	v63 =	vshll.u32 v3, $0x3  }
0x122: {  	v3 =	vand.u32 $0x7, v3;
	v4 =	vand.u32 $0xFFFFFFC0, v63  }
0x123: {  	v3 =	vor.u32 v3, v4  }
0x124: {  	v4 =	vperm.xlane v3, v0;
	_ =	sdelay $0x1  }
0x125: {  	v4 =	vadd.s32 v1, v4;
	_ =	sdelay $0x3  }
0x126: {  	s20 =	simm.s32 $0xC400  }
0x127: {  	[tilespmem:s20], [sflag:$0x1] =	stream.indirect_vreg.gather [hbm4b:s3+s2], $0x80, v4, vm0, $0xb8;
	[tilespmem:$0x10400] =	vst v63  }
0x128: {  	v3 =	vperm.xlane v3, v2;
	s20 =	simm.s32 $0xCC00  }
0x129: {  	[tilespmem:s20], [sflag:$0x1] =	stream.indirect_vreg.gather [hbm4b:s5+s2], $0x80, v4, vm0, $0xb8;
	[tilespmem:$0x10400] =	vst v63  }
0x12a: {  	v3 =	vadd.s32 v1, v3;
	s20 =	simm.s32 $0xD400  }
0x12b: {  	[tilespmem:s20], [sflag:$0x1] =	stream.indirect_vreg.gather [hbm4b:s6+s2], $0x80, v4, vm0, $0xb8;
	[tilespmem:$0x10400] =	vst v63  }
0x12c: {  	s20 =	simm.s32 $0xDC00  }
0x12d: {  	[tilespmem:s20], [sflag:$0x1] =	stream.indirect_vreg.gather [hbm4b:s7+s2], $0x80, v4, vm0, $0xb8;
	[tilespmem:$0x10400] =	vst v63  }
0x12e: {  	s20 =	simm.s32 $0xE400  }
0x12f: {  	[tilespmem:s20], [sflag:$0x1] =	stream.indirect_vreg.gather [hbm4b:s3+s2], $0x80, v3, vm0, $0xb8;
	[tilespmem:$0x10400] =	vst v63  }
0x130: {  	s20 =	simm.s32 $0xEC00  }
0x131: {  	[tilespmem:s20], [sflag:$0x1] =	stream.indirect_vreg.gather [hbm4b:s5+s2], $0x80, v3, vm0, $0xb8;
	[tilespmem:$0x10400] =	vst v63  }
0x132: {  	s20 =	simm.s32 $0xF400  }
0x133: {  	[tilespmem:s20], [sflag:$0x1] =	stream.indirect_vreg.gather [hbm4b:s6+s2], $0x80, v3, vm0, $0xb8;
	[tilespmem:$0x10400] =	vst v63  }
0x134: {  	s20 =	simm.s32 $0xFC00  }
0x135: {  	[tilespmem:s20], [sflag:$0x1] =	stream.indirect_vreg.gather [hbm4b:s7+s2], $0x80, v3, vm0, $0xb8;
	[tilespmem:$0x10400] =	vst v63  }
0x136: {  	_ =	swait.ge [sflag:s19], $0x8000  }
0x137: {  	[sflag:s19] =	ssyncset.done $0x0  }
0x138: {  	s1 =	rddreg [dreg:$0x6];
	[sflag:s19] =	ssyncadd.s32 $0xFFFF8000  }
0x139: {  	[hbm4b:s1+s2] =	stream.linear.scatter [tilespmem:s26], [sflag:$0x2], $0x8000, $0x38;
	[tilespmem:$0x10400] =	vst v63  }
0x13a: {  	_ =	swait.ge [sflag:s9], $0x8000  }
0x13b: {  	[sflag:s9] =	ssyncset.done $0x0  }
0x13c: {  	[sflag:s9] =	ssyncadd.s32 $0xFFFF8000  }
0x13d: {  	_ =	swait.ge [sflag:s19], $0x8000  }
0x13e: {  	p0 =	sne.s32 s8, $0x1;
	[sflag:s19] =	ssyncset.done $0x0  }
.Ltmp0:
0x13f: {  	s1 =	rddreg [dreg:$0x7];
	[sflag:s19] =	ssyncadd.s32 $0xFFFF8000;
	(pc) =	sbr.rel @p0 .LBB2_1-.Ltmp0, $4  }
0x140: {  	[hbm4b:s1+s2] =	stream.linear.scatter [tilespmem:s0], [sflag:$0x2], $0x8000, $0x38;
	[tilespmem:$0x10400] =	vst v63  }
0x141: {  	_ =	swait.ge [sflag:s9], $0x8000  }
0x142: {  	[sflag:s9] =	ssyncset.done $0x0  }
0x143: {  	s8 =	sadd.s32 $0xFFFFFFFF, s8;
	[sflag:s9] =	ssyncadd.s32 $0xFFFF8000  }
0x144: {  	_ =	sfence.sel $0x180000  }
0x145: {  	[bflag:$0x0] =	sbarrier.arrive $0xFFFF  }
0x146: {  	_ =	strace $0x9000004A  }
0x147: {  	s0 =	stileid.u32;
	[bflag:$0x2] =	sbarrier.arrive $0xFFFF  }
0x148: {  	p0 =	sne.s32 s0, $0x0;
	s0 =	rddreg [dreg:$0x1]  }
0x149: {  	s0 =	sadd.s32 @!p0 $0x100000, s0  }
0x14a: {  	[sflag:s0] =	ssyncadd.tile.s32 @!p0 $0x1;
	_ =	shalt  }
.Lfunc_end2:
_tile_overlayer_lowered:
.L_overlay_start_2:
0x14b: {  	(tag) =	ssettag $0x2  }
0x14c: {  	s0 =	rddreg [dreg:$0x0];
	s2 =	stileid.u32  }
0x14d: {  	s1 =	rddreg [dreg:$0x1];
	p0 =	sne.s32 s2, $0x0  }
0x14e: {  	s3 =	rddreg [dreg:$0x2];
	[bflag:$0x3] =	sbarrier.arrive $0xFFFF;
	s2 =	simm.s32 @!p0 $0x1C02  }
0x14f: {  	[timem:s3], [sflag:s2] =	dma.local @!p0 [hbm:s0], s1  }
0x150: {  	s0 =	simm.s32 @!p0 $0x2  }
0x151: {  	_ =	swait.ge @!p0 [sflag:s0], s1  }
0x152: {  	s1 =	ssub.s32 @!p0 $0x0, s1;
	[sflag:s0] =	ssyncset.done @!p0 $0x0  }
0x153: {  	[sflag:s0] =	ssyncadd.s32 @!p0 s1  }
0x154: {  	[bflag:$0x3] =	sbarrier.arrive $0xFFFF  }
0x155: {  	_ =	shalt  }

// kernel: kernel.8.cloned.1.call-start
scs
__scs_entry_jumppad:
0x0: {  	(pc) =	sbr.rel $0x88, $3  }
0x1: {  	(tag) =	ssettag $0x0;
	lr =	simm.s32 $0x1  }
0x2: {  	[smem:$0x3F99] =	sst lr;
	_ =	strace $0xD0000000  }
0x3: {  	_ = 	snop  }
0x4: {  	_ = 	snop  }
0x5: {  	_ = 	snop  }
0x6: {  	_ = 	snop  }
0x7: {  	_ = 	snop  }
__scs_overlays_trampoline_lowered:
0x8: {  	[smem:$0x3FA8] =	sst s0  }
0x9: {  	[smem:$0x3FA9] =	sst s1  }
0xa: {  	[smem:$0x3FAA] =	sst s2  }
0xb: {  	[smem:$0x3FAB] =	sst s3  }
0xc: {  	[smem:$0x3FAC] =	sst s4  }
0xd: {  	[smem:$0x3FAD] =	sst s5  }
0xe: {  	[smem:$0x3FAE] =	sst s6  }
0xf: {  	[smem:$0x3FAF] =	sst s7  }
0x10: {  	[smem:$0x3FB0] =	sst s8  }
0x11: {  	[smem:$0x3FB1] =	sst s9;
	s0 =	simm.s32 @!p0 $0x0  }
0x12: {  	s1 =	sld [smem:$0x3F97];
	s0 =	simm.s32 @p0 $0x1  }
0x13: {  	[smem:$0x3FB2] =	sst s0;
	s0 =	simm.s32 @!p1 $0x0  }
0x14: {  	s2 =	sld [smem:$0x3F96];
	s0 =	simm.s32 @p1 $0x1  }
0x15: {  	[smem:$0x3FB3] =	sst s0;
	s0 =	simm.s32 @!p2 $0x0  }
0x16: {  	s3 =	sld [smem:$0x3FDB];
	s0 =	simm.s32 @p2 $0x1  }
0x17: {  	s4 =	simm.s32 $0x1BF5;
	[smem:$0x3FB5] =	sst s0  }
0x18: {  	s0 =	sld [smem:$0x3F98];
	_ =	swait.ge [sflag:s4], $0x0  }
0x19: {  	s7 =	sld [smem:$0x3F99]  }
0x1a: {  	s8 =	sadd.s32 $0xFFFFE003, lr  }
0x1b: {  	s9 =	sadd.s32 $0xFFFFFEF7, lr;
	s5 =	simm.s32 $0xFFFFFFFF;
	p2 =	slt.u32 s8, $0xFFFFF086  }
0x1c: {  	p1 =	slt.u32 s9, $0xF7A;
	s5 =	simm.s32 @!p2 $0x0  }
0x1d: {  	s5 =	simm.s32 @p1 $0x1;
	p0 =	seq.s32 s7, s2  }
0x1e: {  	s7 =	smul.u32 @!p0 $0xF7A, s2;
	p2 =	seq.s32 @!p0 s5, $0x0  }
0x1f: {  	s9 =	smul.u32 $0xF7A, s1;
	s8 =	simm.s32 @!p0 $0x1BF5;
	p2 =	por !p2, p0  }
0x20: {  	[sflag:s8] =	ssyncset.s32 @!p0 $0xFFFFF086;
	s6 =	sadd.s32 @!p0 s3, s7;
	s7 =	simm.s32 @!p0 $0x108  }
0x21: {  	s3 =	sadd.s32 s3, s9;
	s6 =	sadd.s32 @!p0 $0x88, s6;
	s7 =	simm.s32 @p2 $0x1082  }
0x22: {  	[simem:s7], [sflag:s8] =	dma.local @!p0 [hbm:s6], $0xF7A  }
0x23: {  	s9 =	sor.u32 $0xD0000000, s2;
	s6 =	simm.s32 $0x108;
	_ =	swait.ge @!p0 [sflag:s8], $0x0  }
0x24: {  	s3 =	sadd.s32 $0x88, s3;
	s6 =	simm.s32 @!p1 $0x1082;
	[sflag:s4] =	ssyncset.s32 $0xFFFFF086  }
0x25: {  	[simem:s6], [sflag:s4] =	dma.local [hbm:s3], $0xF7A  }
0x26: {  	[smem:$0x3F99] =	sst s1;
	(tag) =	ssettag s2;
	_ =	strace s9  }
0x27: {  	s1 =	sld [smem:$0x3FA9]  }
0x28: {  	s2 =	sld [smem:$0x3FAA]  }
0x29: {  	s4 =	sld [smem:$0x3FAC]  }
0x2a: {  	p0 =	seq.s32 s5, $0x0;
	s5 =	sld [smem:$0x3FAD]  }
0x2b: {  	s6 =	sld [smem:$0x3FAE]  }
0x2c: {  	s7 =	sld [smem:$0x3FAF]  }
0x2d: {  	s3 =	simm.s32 $0x108;
	s8 =	sld [smem:$0x3FB0]  }
0x2e: {  	s3 =	simm.s32 @!p0 $0x1082;
	s9 =	sld [smem:$0x3FB1]  }
0x2f: {  	lr =	sadd.s32 s0, s3;
	s0 =	sld [smem:$0x3FA8]  }
0x30: {  	s3 =	sld [smem:$0x3FAB]  }
0x31: {  	[smem:$0x3FB4] =	sst s10  }
0x32: {  	s10 =	sld [smem:$0x3FB2];
	_ =	sdelay $0x3  }
0x33: {  	p0 =	seq.s32 s10, $0x1;
	s10 =	sld [smem:$0x3FB4];
	_ =	sdelay $0x3  }
0x34: {  	[smem:$0x3FB4] =	sst s10  }
0x35: {  	s10 =	sld [smem:$0x3FB3];
	_ =	sdelay $0x3  }
0x36: {  	p1 =	seq.s32 s10, $0x1;
	s10 =	sld [smem:$0x3FB4];
	_ =	sdelay $0x3  }
0x37: {  	[smem:$0x3FB4] =	sst s10  }
0x38: {  	s10 =	sld [smem:$0x3FB5]  }
0x39: {  	_ = 	snop;
	(pc) =	sbr.ind lr, $3  }
0x3a: {  	_ = 	snop  }
0x3b: {  	_ = 	snop  }
0x3c: {  	p2 =	seq.s32 s10, $0x1;
	s10 =	sld [smem:$0x3FB4]  }
0x3d: {  	_ =	shalt  }
0x3e: {  	_ =	shalt  }
0x3f: {  	_ =	shalt  }
0x40: {  	_ =	shalt  }
0x41: {  	_ =	shalt  }
0x42: {  	_ =	shalt  }
0x43: {  	_ =	shalt  }
0x44: {  	_ =	shalt  }
0x45: {  	_ =	shalt  }
0x46: {  	_ =	shalt  }
0x47: {  	_ =	shalt  }
0x48: {  	_ =	shalt  }
0x49: {  	_ =	shalt  }
0x4a: {  	_ =	shalt  }
0x4b: {  	_ =	shalt  }
0x4c: {  	_ =	shalt  }
0x4d: {  	_ =	shalt  }
0x4e: {  	_ =	shalt  }
0x4f: {  	_ =	shalt  }
0x50: {  	_ =	shalt  }
0x51: {  	_ =	shalt  }
0x52: {  	_ =	shalt  }
0x53: {  	_ =	shalt  }
0x54: {  	_ =	shalt  }
0x55: {  	_ =	shalt  }
0x56: {  	_ =	shalt  }
0x57: {  	_ =	shalt  }
0x58: {  	_ =	shalt  }
0x59: {  	_ =	shalt  }
0x5a: {  	_ =	shalt  }
0x5b: {  	_ =	shalt  }
0x5c: {  	_ =	shalt  }
0x5d: {  	_ =	shalt  }
0x5e: {  	_ =	shalt  }
0x5f: {  	_ =	shalt  }
0x60: {  	_ =	shalt  }
0x61: {  	_ =	shalt  }
0x62: {  	_ =	shalt  }
0x63: {  	_ =	shalt  }
0x64: {  	_ =	shalt  }
0x65: {  	_ =	shalt  }
0x66: {  	_ =	shalt  }
0x67: {  	_ =	shalt  }
0x68: {  	_ =	shalt  }
0x69: {  	_ =	shalt  }
0x6a: {  	_ =	shalt  }
0x6b: {  	_ =	shalt  }
0x6c: {  	_ =	shalt  }
0x6d: {  	_ =	shalt  }
0x6e: {  	_ =	shalt  }
0x6f: {  	_ =	shalt  }
0x70: {  	_ =	shalt  }
0x71: {  	_ =	shalt  }
0x72: {  	_ =	shalt  }
0x73: {  	_ =	shalt  }
0x74: {  	_ =	shalt  }
0x75: {  	_ =	shalt  }
0x76: {  	_ =	shalt  }
0x77: {  	_ =	shalt  }
0x78: {  	_ =	shalt  }
0x79: {  	_ =	shalt  }
0x7a: {  	_ =	shalt  }
0x7b: {  	_ =	shalt  }
0x7c: {  	_ =	shalt  }
0x7d: {  	_ =	shalt  }
0x7e: {  	_ =	shalt  }
0x7f: {  	_ =	shalt  }
0x80: {  	_ =	shalt  }
0x81: {  	_ =	shalt  }
0x82: {  	_ =	shalt  }
0x83: {  	_ =	shalt  }
0x84: {  	_ =	shalt  }
0x85: {  	_ =	shalt  }
0x86: {  	_ =	shalt  }
0x87: {  	_ =	shalt  }
.Lfunc_end0:
.L_simem_size_0:
called_computation_lowered:
.L_overlay_start_0:
0x88: {  	s2 =	sld [smem:$0x3FD9]  }
0x89: {  	s3 =	sld [smem:$0x3FFE];
	_ =	sdelay $0x1  }
0x8a: {  	s1 =	srdreg.scid  }
0x8b: {  	s0 =	sand.u32 $0x1, s1  }
0x8c: {  	s17 =	sshll.u32 s0, $0xA;
	s2 =	sadd.s32 s3, s2  }
0x8d: {  	s2 =	sadd.s32 s2, s17  }
0x8e: {  	[smem:$0x3FC0] =	sst s2  }
0x8f: {  	_ = 	snop  }
0x90: {  	s2 =	sld [smem:$0x3FD0];
	(tm) =	ssettm $0x1  }
0x91: {  	s18 =	sld [smem:$0x3FFB];
	_ =	sdelay $0x3  }
0x92: {  	_ =	strace s18  }
0x93: {  	s3 =	sld [smem:$0x3FFC];
	_ =	sdelay $0x3  }
0x94: {  	_ =	strace s3  }
0x95: {  	s3 =	sld [smem:$0x3FFD];
	_ =	sdelay $0x3  }
0x96: {  	_ =	strace s3  }
0x97: {  	_ =	strace $0x8FFFFFFF  }
0x98: {  	s19 =	sld [smem:$0x3FDB];
	_ =	sdelay $0x1  }
0x99: {  	s4 =	simm.s32 $_scs_section_size  }
0x9a: {  	s5 =	simm.s32 $_size__tile_overlayer_lowered;
	s6 =	simm.s32 $_tile_overlayer_lowered  }
0x9b: {  	s22 =	simm.s32 $0x1BFF;
	s21 =	sshll.u32 s6, $0x1;
	s3 =	sadd.s32 s4, s19  }
0x9c: {  	s7 =	simm.s32 $0x0;
	s20 =	sshll.u32 s5, $0x1;
	s5 =	sadd.s32 s21, s3  }
0x9d: {  	[timem:s7], [sflag:s22] =	dma.local [hbm:s5], s20  }
0x9e: {  	_ =	swait.ge [sflag:s22], s20  }
0x9f: {  	s4 =	ssub.s32 $0x0, s20;
	[sflag:s22] =	ssyncset.done $0x0  }
0xa0: {  	[sflag:s22] =	ssyncadd.s32 s4;
	_ =	sdelay $0x1  }
0xa1: {  	s23 =	simm.s32 $0x1B8B  }
0xa2: {  	_ =	swait.ge [sflag:s23], $0x1  }
0xa3: {  	[sflag:s23] =	ssyncset.done $0x0  }
0xa4: {  	s25 =	simm.s32 $0x1B8E;
	s24 =	sld [smem:$0x3FFE];
	[sflag:s23] =	ssyncadd.s32 $0xFFFFFFFF  }
0xa5: {  	s26 =	simm.s32 $execute0_lowered;
	[smem:$0x3FD2] =	sst s25  }
0xa6: {  	s5 =	sshll.u32 s26, $0x1;
	_ =	strace $0x80000046;
	[dreg:$0x1] =	wrdreg $0xFFFFFFFF  }
0xa7: {  	s28 =	simm.s32 $_size_execute0_lowered;
	s3 =	sadd.s32 s3, s5;
	[dreg:$0x0] =	wrdreg $0x0  }
0xa8: {  	s5 =	sshll.u32 s28, $0x1;
	[dreg:$0x2] =	wrdreg s3  }
0xa9: {  	[dreg:$0x3] =	wrdreg s5  }
0xaa: {  	[dreg:$0x4] =	wrdreg $0xC0  }
0xab: {  	_ =	task [dreg:s7], $0x5FFFF  }
0xac: {  	[dreg:$0x1] =	wrdreg $0xFFFFFFFF  }
0xad: {  	[dreg:$0x0] =	wrdreg $0x60  }
0xae: {  	[dreg:$0x2] =	wrdreg s2  }
0xaf: {  	[dreg:$0x3] =	wrdreg s24  }
0xb0: {  	[dreg:$0x4] =	wrdreg $0x9  }
0xb1: {  	_ =	task.clear_ibuf [dreg:s7], $0x5FFFF;
	_ =	strace $0x90000046  }
0xb2: {  	s29 =	simm.s32 $0x9;
	_ =	strace $0x80000048  }
0xb3: {  	_ =	swait.ge [sflag:s29], $0x1  }
0xb4: {  	[sflag:s29] =	ssyncadd.s32 $0xFFFFFFFF  }
0xb5: {  	_ =	strace $0x90000048  }
0xb6: {  	_ =	sfence  }
0xb7: {  	s30 =	sld [smem:$0x0];
	_ =	sdelay $0x2  }
0xb8: {  	s31 =	sshll.u32 s1, $0xD;
	s1 =	sshrl.u32 s1, $0x2  }
0xb9: {  	s3 =	sand.u32 $0x4000, s31;
	s1 =	sadd.s32 s1, s30  }
0xba: {  	s0 =	sor.u32 s3, s0;
	s1 =	sshll.u32 s1, $0x11  }
0xbb: {  	s0 =	sor.u32 s1, s0  }
0xbc: {  	s0 =	sadd.s32 $0x8F2B, s0  }
0xbd: {  	[sflag:s0] =	ssyncadd.remote.s32 $0x1  }
0xbe: {  	_ =	sfence.sel $0xFFFF  }
0xbf: {  	[dreg:$0x0] =	wrdreg $0xFFFFFFFF;
	(pc) =	sbr.abs _section_cstart, $3  }
0xc0: {  	[dreg:$0x1] =	wrdreg $0xFFFFFFFF  }
0xc1: {  	_ =	task.clear_ibuf [dreg:s7], $0x2FFFF;
	_ =	strace $0x9FFFFFFF  }
0xc2: {  	(tm) =	ssettm $0x7FFFFFFF  }
0xc3: {  	_ =	shalt  }
tec
execute0_lowered:
.L_overlay_start_1:
0x0: {  	(tag) =	ssettag $0x1  }
0x1: {  	s0 =	rddreg [dreg:$0x0]  }
0x2: {  	s1 =	rddreg [dreg:$0x1];
	s2 =	simm.s32 $0x0  }
0x3: {  	s3 =	srdreg.scid;
	s4 =	stileid.u32;
	s19 =	simm.s32 $0x1  }
0x4: {  	s21 =	simm.s32 $0xC00;
	s28 =	simm.s32 $0x3400;
	s29 =	simm.s32 $0x3C00  }
0x5: {  	s30 =	simm.s32 $0x4400;
	s31 =	simm.s32 $0x4C00;
	s10 =	simm.s32 $0x5400  }
0x6: {  	s11 =	simm.s32 $0x6C00;
	s12 =	simm.s32 $0x7400;
	s13 =	simm.s32 $0x7C00  }
0x7: {  	s14 =	simm.s32 $0x8C00;
	s15 =	simm.s32 $0x9400;
	s16 =	simm.s32 $0x9C00  }
0x8: {  	s17 =	simm.s32 $0xA400;
	s18 =	simm.s32 $0xAC00;
	[smem:$0x7FF] =	sst s2  }
0x9: {  	s3 =	sand.u32 $0x1, s3;
	s4 =	sshll.u32 s4, $0x1;
	_ =	strace $0x80000047  }
0xa: {  	s4 =	sor.u32 s3, s4;
	s6 =	ssub.s32 $0x2, s3;
	s3 =	sadd.s32 $0x9000, s1  }
0xb: {  	s5 =	sshll.u32 s4, $0x7;
	s7 =	smul.u32 $0x6000, s4;
	s8 =	sshrl.u32 s6, $0x1  }
0xc: {  	s4 =	smul.u32 $0x30000, s4;
	s5 =	sadd.s32 s5, s1;
	s8 =	ssub.s32 s6, s8  }
0xd: {  	s6 =	sadd.s32 $0x9200, s1;
	s5 =	sadd.s32 $0x8000, s5;
	s22 =	sand.u32 $0x3E000, s7  }
0xe: {  	s4 =	sshrl.u32 s4, $0x3;
	s8 =	smax.u32 s8, $0x1;
	[dreg:$0x3] =	wrdreg s5  }
0xf: {  	s9 =	sadd.s32 s0, s22;
	s5 =	sadd.s32 $0x9100, s1;
	s23 =	sadd.s32 $0x2000, s4  }
0x10: {  	s24 =	sadd.s32 $0x3000, s4;
	s26 =	sadd.s32 $0x4000, s4;
	s4 =	sadd.s32 $0x5000, s4  }
0x11: {  	s22 =	simm.s32 $0x1400;
	[dreg:$0x9] =	wrdreg s9;
	s9 =	sadd.s32 $0x1000, s9  }
0x12: {  	s7 =	sand.u32 $0x3E000, s23;
	s25 =	sand.u32 $0x3F000, s24;
	s4 =	sand.u32 $0x3F000, s4  }
0x13: {  	s23 =	simm.s32 $0x1C00;
	s24 =	simm.s32 $0x2400;
	[dreg:$0x4] =	wrdreg s9  }
0x14: {  	s7 =	sadd.s32 s0, s7;
	s9 =	sand.u32 $0x3E000, s26;
	s26 =	simm.s32 $0x400  }
0x15: {  	[dreg:$0x5] =	wrdreg s7;
	s7 =	sadd.s32 s0, s25;
	s9 =	sadd.s32 s0, s9  }
0x16: {  	v2 =	vlaneseq.u32;
	s0 =	sadd.s32 s0, s4;
	s25 =	simm.s32 $0x2C00;
	[dreg:$0x6] =	wrdreg s7  }
0x17: {  	vm0 =	vmmov $0xffff;
	v1 =	vshrl.u32 v2, $0x3;
	s4 =	simm.s32 $0x6400;
	s7 =	sadd.s32 $0x9300, s1;
	[dreg:$0x7] =	wrdreg s9  }
0x18: {  	v0 =	vand.u32 $0x7, v2;
	v2 =	vor.u32 $0x8, v2;
	v1 =	vmul.u32 $0x8, v1;
	[dreg:$0x8] =	wrdreg s0;
	s9 =	simm.s32 $0x2;
	s1 =	simm.s32 $0x5C00  }
.LBB2_1:
0x19: {  	s20 =	rddreg [dreg:$0x3]  }
0x1a: {  	[tilespmem:s2], [sflag:$0x2] =	stream.linear.gather [hbm4b:s20+s2], $0x300, $0x38;
	[tilespmem:$0x10400] =	vst v63  }
0x1b: {  	_ =	swait.ge [sflag:s9], $0x300  }
0x1c: {  	[sflag:s9] =	ssyncset.done $0x0  }
0x1d: {  	s0 =	rddreg [dreg:$0x9];
	[sflag:s9] =	ssyncadd.s32 $0xFFFFFD00  }
0x1e: {  	[tilespmem:s26], [sflag:$0x2] =	stream.linear.gather [hbm4b:s0+s2], $0x8000, $0x38;
	[tilespmem:$0x10400] =	vst v63  }
0x1f: {  	_ =	swait.ge [sflag:s9], $0x8000  }
0x20: {  	[sflag:s9] =	ssyncset.done $0x0  }
0x21: {  	[sflag:s9] =	ssyncadd.s32 $0xFFFF8000  }
0x22: {  	v3 =	vld [tilespmem:$0x0];
	_ =	sdelay $0x4  }
0x23: {  	v4 =	vshll.u32 v3, $0x3  }
0x24: {  	v3 =	vand.u32 $0x7, v3;
	v4 =	vand.u32 $0xFFFFFFC0, v4  }
0x25: {  	v3 =	vor.u32 v3, v4  }
0x26: {  	v4 =	vperm.xlane v3, v0;
	_ =	sdelay $0x1  }
0x27: {  	v4 =	vadd.s32 v1, v4;
	_ =	sdelay $0x4  }
0x28: {  	[hbm4b:s3+s2] =	stream.indirect_vreg.scatter [tilespmem:s26], [sflag:$0x1], $0x80, v4, vm0, $0xb8;
	[tilespmem:$0x10400] =	vst v63  }
0x29: {  	v3 =	vperm.xlane v3, v2  }
0x2a: {  	[hbm4b:s5+s2] =	stream.indirect_vreg.scatter [tilespmem:s21], [sflag:$0x1], $0x80, v4, vm0, $0xb8;
	[tilespmem:$0x10400] =	vst v63  }
0x2b: {  	v3 =	vadd.s32 v1, v3  }
0x2c: {  	[hbm4b:s6+s2] =	stream.indirect_vreg.scatter [tilespmem:s22], [sflag:$0x1], $0x80, v4, vm0, $0xb8;
	[tilespmem:$0x10400] =	vst v63  }
0x2d: {  	_ = 	snop  }
0x2e: {  	[hbm4b:s7+s2] =	stream.indirect_vreg.scatter [tilespmem:s23], [sflag:$0x1], $0x80, v4, vm0, $0xb8;
	[tilespmem:$0x10400] =	vst v63  }
0x2f: {  	_ = 	snop  }
0x30: {  	[hbm4b:s3+s2] =	stream.indirect_vreg.scatter [tilespmem:s24], [sflag:$0x1], $0x80, v3, vm0, $0xb8;
	[tilespmem:$0x10400] =	vst v63  }
0x31: {  	_ = 	snop  }
0x32: {  	[hbm4b:s5+s2] =	stream.indirect_vreg.scatter [tilespmem:s25], [sflag:$0x1], $0x80, v3, vm0, $0xb8;
	[tilespmem:$0x10400] =	vst v63  }
0x33: {  	_ = 	snop  }
0x34: {  	[hbm4b:s6+s2] =	stream.indirect_vreg.scatter [tilespmem:s28], [sflag:$0x1], $0x80, v3, vm0, $0xb8;
	[tilespmem:$0x10400] =	vst v63  }
0x35: {  	_ = 	snop  }
0x36: {  	[hbm4b:s7+s2] =	stream.indirect_vreg.scatter [tilespmem:s29], [sflag:$0x1], $0x80, v3, vm0, $0xb8;
	[tilespmem:$0x10400] =	vst v63  }
0x37: {  	v3 =	vld [tilespmem:$0x10];
	_ =	sdelay $0x4  }
0x38: {  	v53 =	vshll.u32 v3, $0x3  }
0x39: {  	v3 =	vand.u32 $0x7, v3;
	v4 =	vand.u32 $0xFFFFFFC0, v53  }
0x3a: {  	v3 =	vor.u32 v3, v4  }
0x3b: {  	v4 =	vperm.xlane v3, v0;
	_ =	sdelay $0x1  }
0x3c: {  	v4 =	vadd.s32 v1, v4;
	_ =	sdelay $0x4  }
0x3d: {  	[hbm4b:s3+s2] =	stream.indirect_vreg.scatter [tilespmem:s30], [sflag:$0x1], $0x80, v4, vm0, $0xb8;
	[tilespmem:$0x10400] =	vst v63  }
0x3e: {  	v3 =	vperm.xlane v3, v2  }
0x3f: {  	[hbm4b:s5+s2] =	stream.indirect_vreg.scatter [tilespmem:s31], [sflag:$0x1], $0x80, v4, vm0, $0xb8;
	[tilespmem:$0x10400] =	vst v63  }
0x40: {  	v3 =	vadd.s32 v1, v3  }
0x41: {  	[hbm4b:s6+s2] =	stream.indirect_vreg.scatter [tilespmem:s10], [sflag:$0x1], $0x80, v4, vm0, $0xb8;
	[tilespmem:$0x10400] =	vst v63  }
0x42: {  	_ = 	snop  }
0x43: {  	[hbm4b:s7+s2] =	stream.indirect_vreg.scatter [tilespmem:s1], [sflag:$0x1], $0x80, v4, vm0, $0xb8;
	[tilespmem:$0x10400] =	vst v63  }
0x44: {  	_ = 	snop  }
0x45: {  	[hbm4b:s3+s2] =	stream.indirect_vreg.scatter [tilespmem:s4], [sflag:$0x1], $0x80, v3, vm0, $0xb8;
	[tilespmem:$0x10400] =	vst v63  }
0x46: {  	_ = 	snop  }
0x47: {  	[hbm4b:s5+s2] =	stream.indirect_vreg.scatter [tilespmem:s11], [sflag:$0x1], $0x80, v3, vm0, $0xb8;
	[tilespmem:$0x10400] =	vst v63  }
0x48: {  	_ = 	snop  }
0x49: {  	[hbm4b:s6+s2] =	stream.indirect_vreg.scatter [tilespmem:s12], [sflag:$0x1], $0x80, v3, vm0, $0xb8;
	[tilespmem:$0x10400] =	vst v63  }
0x4a: {  	_ = 	snop  }
0x4b: {  	[hbm4b:s7+s2] =	stream.indirect_vreg.scatter [tilespmem:s13], [sflag:$0x1], $0x80, v3, vm0, $0xb8;
	[tilespmem:$0x10400] =	vst v63  }
0x4c: {  	s0 =	simm.s32 $0x8400;
	s20 =	rddreg [dreg:$0x4]  }
0x4d: {  	[tilespmem:s0], [sflag:$0x2] =	stream.linear.gather [hbm4b:s20+s2], $0x8000, $0x38;
	[tilespmem:$0x10400] =	vst v63  }
0x4e: {  	_ =	swait.ge [sflag:s9], $0x8000  }
0x4f: {  	[sflag:s9] =	ssyncset.done $0x0  }
0x50: {  	[sflag:s9] =	ssyncadd.s32 $0xFFFF8000  }
0x51: {  	v3 =	vld [tilespmem:$0x80];
	_ =	sdelay $0x4  }
0x52: {  	v54 =	vshll.u32 v3, $0x3  }
0x53: {  	v3 =	vand.u32 $0x7, v3;
	v4 =	vand.u32 $0xFFFFFFC0, v54  }
0x54: {  	v3 =	vor.u32 v3, v4  }
0x55: {  	v4 =	vperm.xlane v3, v0;
	_ =	sdelay $0x1  }
0x56: {  	v4 =	vadd.s32 v1, v4;
	_ =	sdelay $0x4  }
0x57: {  	[hbm4b:s3+s2] =	stream.indirect_vreg.scatter [tilespmem:s0], [sflag:$0x1], $0x80, v4, vm0, $0xb8;
	[tilespmem:$0x10400] =	vst v63  }
0x58: {  	v3 =	vperm.xlane v3, v2  }
0x59: {  	[hbm4b:s5+s2] =	stream.indirect_vreg.scatter [tilespmem:s14], [sflag:$0x1], $0x80, v4, vm0, $0xb8;
	[tilespmem:$0x10400] =	vst v63  }
0x5a: {  	v3 =	vadd.s32 v1, v3  }
0x5b: {  	[hbm4b:s6+s2] =	stream.indirect_vreg.scatter [tilespmem:s15], [sflag:$0x1], $0x80, v4, vm0, $0xb8;
	[tilespmem:$0x10400] =	vst v63  }
0x5c: {  	_ = 	snop  }
0x5d: {  	[hbm4b:s7+s2] =	stream.indirect_vreg.scatter [tilespmem:s16], [sflag:$0x1], $0x80, v4, vm0, $0xb8;
	[tilespmem:$0x10400] =	vst v63  }
0x5e: {  	_ = 	snop  }
0x5f: {  	[hbm4b:s3+s2] =	stream.indirect_vreg.scatter [tilespmem:s17], [sflag:$0x1], $0x80, v3, vm0, $0xb8;
	[tilespmem:$0x10400] =	vst v63  }
0x60: {  	_ = 	snop  }
0x61: {  	[hbm4b:s5+s2] =	stream.indirect_vreg.scatter [tilespmem:s18], [sflag:$0x1], $0x80, v3, vm0, $0xb8;
	[tilespmem:$0x10400] =	vst v63  }
0x62: {  	s20 =	simm.s32 $0xB400  }
0x63: {  	[hbm4b:s6+s2] =	stream.indirect_vreg.scatter [tilespmem:s20], [sflag:$0x1], $0x80, v3, vm0, $0xb8;
	[tilespmem:$0x10400] =	vst v63  }
0x64: {  	s20 =	simm.s32 $0xBC00  }
0x65: {  	[hbm4b:s7+s2] =	stream.indirect_vreg.scatter [tilespmem:s20], [sflag:$0x1], $0x80, v3, vm0, $0xb8;
	[tilespmem:$0x10400] =	vst v63  }
0x66: {  	v3 =	vld [tilespmem:$0x90];
	_ =	sdelay $0x4  }
0x67: {  	v55 =	vshll.u32 v3, $0x3  }
0x68: {  	v3 =	vand.u32 $0x7, v3;
	v4 =	vand.u32 $0xFFFFFFC0, v55  }
0x69: {  	v3 =	vor.u32 v3, v4  }
0x6a: {  	v4 =	vperm.xlane v3, v0;
	_ =	sdelay $0x1  }
0x6b: {  	v4 =	vadd.s32 v1, v4;
	_ =	sdelay $0x3  }
0x6c: {  	s20 =	simm.s32 $0xC400  }
0x6d: {  	[hbm4b:s3+s2] =	stream.indirect_vreg.scatter [tilespmem:s20], [sflag:$0x1], $0x80, v4, vm0, $0xb8;
	[tilespmem:$0x10400] =	vst v63  }
0x6e: {  	v3 =	vperm.xlane v3, v2;
	s20 =	simm.s32 $0xCC00  }
0x6f: {  	[hbm4b:s5+s2] =	stream.indirect_vreg.scatter [tilespmem:s20], [sflag:$0x1], $0x80, v4, vm0, $0xb8;
	[tilespmem:$0x10400] =	vst v63  }
0x70: {  	v3 =	vadd.s32 v1, v3;
	s20 =	simm.s32 $0xD400  }
0x71: {  	[hbm4b:s6+s2] =	stream.indirect_vreg.scatter [tilespmem:s20], [sflag:$0x1], $0x80, v4, vm0, $0xb8;
	[tilespmem:$0x10400] =	vst v63  }
0x72: {  	s20 =	simm.s32 $0xDC00  }
0x73: {  	[hbm4b:s7+s2] =	stream.indirect_vreg.scatter [tilespmem:s20], [sflag:$0x1], $0x80, v4, vm0, $0xb8;
	[tilespmem:$0x10400] =	vst v63  }
0x74: {  	s20 =	simm.s32 $0xE400  }
0x75: {  	[hbm4b:s3+s2] =	stream.indirect_vreg.scatter [tilespmem:s20], [sflag:$0x1], $0x80, v3, vm0, $0xb8;
	[tilespmem:$0x10400] =	vst v63  }
0x76: {  	s20 =	simm.s32 $0xEC00  }
0x77: {  	[hbm4b:s5+s2] =	stream.indirect_vreg.scatter [tilespmem:s20], [sflag:$0x1], $0x80, v3, vm0, $0xb8;
	[tilespmem:$0x10400] =	vst v63  }
0x78: {  	s20 =	simm.s32 $0xF400  }
0x79: {  	[hbm4b:s6+s2] =	stream.indirect_vreg.scatter [tilespmem:s20], [sflag:$0x1], $0x80, v3, vm0, $0xb8;
	[tilespmem:$0x10400] =	vst v63  }
0x7a: {  	s20 =	simm.s32 $0xFC00  }
0x7b: {  	[hbm4b:s7+s2] =	stream.indirect_vreg.scatter [tilespmem:s20], [sflag:$0x1], $0x80, v3, vm0, $0xb8;
	[tilespmem:$0x10400] =	vst v63  }
0x7c: {  	_ =	swait.ge [sflag:s19], $0x8000  }
0x7d: {  	[sflag:s19] =	ssyncset.done $0x0  }
0x7e: {  	s20 =	rddreg [dreg:$0x5];
	[sflag:s19] =	ssyncadd.s32 $0xFFFF8000  }
0x7f: {  	[tilespmem:s26], [sflag:$0x2] =	stream.linear.gather [hbm4b:s20+s2], $0x8000, $0x38;
	[tilespmem:$0x10400] =	vst v63  }
0x80: {  	_ =	swait.ge [sflag:s9], $0x8000  }
0x81: {  	[sflag:s9] =	ssyncset.done $0x0  }
0x82: {  	[sflag:s9] =	ssyncadd.s32 $0xFFFF8000  }
0x83: {  	v3 =	vld [tilespmem:$0x100];
	_ =	sdelay $0x4  }
0x84: {  	v56 =	vshll.u32 v3, $0x3  }
0x85: {  	v3 =	vand.u32 $0x7, v3;
	v4 =	vand.u32 $0xFFFFFFC0, v56  }
0x86: {  	v3 =	vor.u32 v3, v4  }
0x87: {  	v4 =	vperm.xlane v3, v0;
	_ =	sdelay $0x1  }
0x88: {  	v4 =	vadd.s32 v1, v4;
	_ =	sdelay $0x4  }
0x89: {  	[hbm4b:s3+s2] =	stream.indirect_vreg.scatter [tilespmem:s26], [sflag:$0x1], $0x80, v4, vm0, $0xb8;
	[tilespmem:$0x10400] =	vst v63  }
0x8a: {  	v3 =	vperm.xlane v3, v2  }
0x8b: {  	[hbm4b:s5+s2] =	stream.indirect_vreg.scatter [tilespmem:s21], [sflag:$0x1], $0x80, v4, vm0, $0xb8;
	[tilespmem:$0x10400] =	vst v63  }
0x8c: {  	v3 =	vadd.s32 v1, v3  }
0x8d: {  	[hbm4b:s6+s2] =	stream.indirect_vreg.scatter [tilespmem:s22], [sflag:$0x1], $0x80, v4, vm0, $0xb8;
	[tilespmem:$0x10400] =	vst v63  }
0x8e: {  	_ = 	snop  }
0x8f: {  	[hbm4b:s7+s2] =	stream.indirect_vreg.scatter [tilespmem:s23], [sflag:$0x1], $0x80, v4, vm0, $0xb8;
	[tilespmem:$0x10400] =	vst v63  }
0x90: {  	_ = 	snop  }
0x91: {  	[hbm4b:s3+s2] =	stream.indirect_vreg.scatter [tilespmem:s24], [sflag:$0x1], $0x80, v3, vm0, $0xb8;
	[tilespmem:$0x10400] =	vst v63  }
0x92: {  	_ = 	snop  }
0x93: {  	[hbm4b:s5+s2] =	stream.indirect_vreg.scatter [tilespmem:s25], [sflag:$0x1], $0x80, v3, vm0, $0xb8;
	[tilespmem:$0x10400] =	vst v63  }
0x94: {  	_ = 	snop  }
0x95: {  	[hbm4b:s6+s2] =	stream.indirect_vreg.scatter [tilespmem:s28], [sflag:$0x1], $0x80, v3, vm0, $0xb8;
	[tilespmem:$0x10400] =	vst v63  }
0x96: {  	_ = 	snop  }
0x97: {  	[hbm4b:s7+s2] =	stream.indirect_vreg.scatter [tilespmem:s29], [sflag:$0x1], $0x80, v3, vm0, $0xb8;
	[tilespmem:$0x10400] =	vst v63  }
0x98: {  	v3 =	vld [tilespmem:$0x110];
	_ =	sdelay $0x4  }
0x99: {  	v57 =	vshll.u32 v3, $0x3  }
0x9a: {  	v3 =	vand.u32 $0x7, v3;
	v4 =	vand.u32 $0xFFFFFFC0, v57  }
0x9b: {  	v3 =	vor.u32 v3, v4  }
0x9c: {  	v4 =	vperm.xlane v3, v0;
	_ =	sdelay $0x1  }
0x9d: {  	v4 =	vadd.s32 v1, v4;
	_ =	sdelay $0x4  }
0x9e: {  	[hbm4b:s3+s2] =	stream.indirect_vreg.scatter [tilespmem:s30], [sflag:$0x1], $0x80, v4, vm0, $0xb8;
	[tilespmem:$0x10400] =	vst v63  }
0x9f: {  	v3 =	vperm.xlane v3, v2  }
0xa0: {  	[hbm4b:s5+s2] =	stream.indirect_vreg.scatter [tilespmem:s31], [sflag:$0x1], $0x80, v4, vm0, $0xb8;
	[tilespmem:$0x10400] =	vst v63  }
0xa1: {  	v3 =	vadd.s32 v1, v3  }
0xa2: {  	[hbm4b:s6+s2] =	stream.indirect_vreg.scatter [tilespmem:s10], [sflag:$0x1], $0x80, v4, vm0, $0xb8;
	[tilespmem:$0x10400] =	vst v63  }
0xa3: {  	_ = 	snop  }
0xa4: {  	[hbm4b:s7+s2] =	stream.indirect_vreg.scatter [tilespmem:s1], [sflag:$0x1], $0x80, v4, vm0, $0xb8;
	[tilespmem:$0x10400] =	vst v63  }
0xa5: {  	_ = 	snop  }
0xa6: {  	[hbm4b:s3+s2] =	stream.indirect_vreg.scatter [tilespmem:s4], [sflag:$0x1], $0x80, v3, vm0, $0xb8;
	[tilespmem:$0x10400] =	vst v63  }
0xa7: {  	_ = 	snop  }
0xa8: {  	[hbm4b:s5+s2] =	stream.indirect_vreg.scatter [tilespmem:s11], [sflag:$0x1], $0x80, v3, vm0, $0xb8;
	[tilespmem:$0x10400] =	vst v63  }
0xa9: {  	_ = 	snop  }
0xaa: {  	[hbm4b:s6+s2] =	stream.indirect_vreg.scatter [tilespmem:s12], [sflag:$0x1], $0x80, v3, vm0, $0xb8;
	[tilespmem:$0x10400] =	vst v63  }
0xab: {  	_ = 	snop  }
0xac: {  	[hbm4b:s7+s2] =	stream.indirect_vreg.scatter [tilespmem:s13], [sflag:$0x1], $0x80, v3, vm0, $0xb8;
	[tilespmem:$0x10400] =	vst v63  }
0xad: {  	_ =	swait.ge [sflag:s19], $0x8000  }
0xae: {  	[sflag:s19] =	ssyncset.done $0x0  }
0xaf: {  	s20 =	rddreg [dreg:$0x6];
	[sflag:s19] =	ssyncadd.s32 $0xFFFF8000  }
0xb0: {  	[tilespmem:s0], [sflag:$0x2] =	stream.linear.gather [hbm4b:s20+s2], $0x8000, $0x38;
	[tilespmem:$0x10400] =	vst v63  }
0xb1: {  	_ =	swait.ge [sflag:s9], $0x8000  }
0xb2: {  	[sflag:s9] =	ssyncset.done $0x0  }
0xb3: {  	[sflag:s9] =	ssyncadd.s32 $0xFFFF8000  }
0xb4: {  	v3 =	vld [tilespmem:$0x180];
	_ =	sdelay $0x4  }
0xb5: {  	v58 =	vshll.u32 v3, $0x3  }
0xb6: {  	v3 =	vand.u32 $0x7, v3;
	v4 =	vand.u32 $0xFFFFFFC0, v58  }
0xb7: {  	v3 =	vor.u32 v3, v4  }
0xb8: {  	v4 =	vperm.xlane v3, v0;
	_ =	sdelay $0x1  }
0xb9: {  	v4 =	vadd.s32 v1, v4;
	_ =	sdelay $0x4  }
0xba: {  	[hbm4b:s3+s2] =	stream.indirect_vreg.scatter [tilespmem:s0], [sflag:$0x1], $0x80, v4, vm0, $0xb8;
	[tilespmem:$0x10400] =	vst v63  }
0xbb: {  	v3 =	vperm.xlane v3, v2  }
0xbc: {  	[hbm4b:s5+s2] =	stream.indirect_vreg.scatter [tilespmem:s14], [sflag:$0x1], $0x80, v4, vm0, $0xb8;
	[tilespmem:$0x10400] =	vst v63  }
0xbd: {  	v3 =	vadd.s32 v1, v3  }
0xbe: {  	[hbm4b:s6+s2] =	stream.indirect_vreg.scatter [tilespmem:s15], [sflag:$0x1], $0x80, v4, vm0, $0xb8;
	[tilespmem:$0x10400] =	vst v63  }
0xbf: {  	_ = 	snop  }
0xc0: {  	[hbm4b:s7+s2] =	stream.indirect_vreg.scatter [tilespmem:s16], [sflag:$0x1], $0x80, v4, vm0, $0xb8;
	[tilespmem:$0x10400] =	vst v63  }
0xc1: {  	_ = 	snop  }
0xc2: {  	[hbm4b:s3+s2] =	stream.indirect_vreg.scatter [tilespmem:s17], [sflag:$0x1], $0x80, v3, vm0, $0xb8;
	[tilespmem:$0x10400] =	vst v63  }
0xc3: {  	_ = 	snop  }
0xc4: {  	[hbm4b:s5+s2] =	stream.indirect_vreg.scatter [tilespmem:s18], [sflag:$0x1], $0x80, v3, vm0, $0xb8;
	[tilespmem:$0x10400] =	vst v63  }
0xc5: {  	s20 =	simm.s32 $0xB400  }
0xc6: {  	[hbm4b:s6+s2] =	stream.indirect_vreg.scatter [tilespmem:s20], [sflag:$0x1], $0x80, v3, vm0, $0xb8;
	[tilespmem:$0x10400] =	vst v63  }
0xc7: {  	s20 =	simm.s32 $0xBC00  }
0xc8: {  	[hbm4b:s7+s2] =	stream.indirect_vreg.scatter [tilespmem:s20], [sflag:$0x1], $0x80, v3, vm0, $0xb8;
	[tilespmem:$0x10400] =	vst v63  }
0xc9: {  	v3 =	vld [tilespmem:$0x190];
	_ =	sdelay $0x4  }
0xca: {  	v59 =	vshll.u32 v3, $0x3  }
0xcb: {  	v3 =	vand.u32 $0x7, v3;
	v4 =	vand.u32 $0xFFFFFFC0, v59  }
0xcc: {  	v3 =	vor.u32 v3, v4  }
0xcd: {  	v4 =	vperm.xlane v3, v0;
	_ =	sdelay $0x1  }
0xce: {  	v4 =	vadd.s32 v1, v4;
	_ =	sdelay $0x3  }
0xcf: {  	s20 =	simm.s32 $0xC400  }
0xd0: {  	[hbm4b:s3+s2] =	stream.indirect_vreg.scatter [tilespmem:s20], [sflag:$0x1], $0x80, v4, vm0, $0xb8;
	[tilespmem:$0x10400] =	vst v63  }
0xd1: {  	v3 =	vperm.xlane v3, v2;
	s20 =	simm.s32 $0xCC00  }
0xd2: {  	[hbm4b:s5+s2] =	stream.indirect_vreg.scatter [tilespmem:s20], [sflag:$0x1], $0x80, v4, vm0, $0xb8;
	[tilespmem:$0x10400] =	vst v63  }
0xd3: {  	v3 =	vadd.s32 v1, v3;
	s20 =	simm.s32 $0xD400  }
0xd4: {  	[hbm4b:s6+s2] =	stream.indirect_vreg.scatter [tilespmem:s20], [sflag:$0x1], $0x80, v4, vm0, $0xb8;
	[tilespmem:$0x10400] =	vst v63  }
0xd5: {  	s20 =	simm.s32 $0xDC00  }
0xd6: {  	[hbm4b:s7+s2] =	stream.indirect_vreg.scatter [tilespmem:s20], [sflag:$0x1], $0x80, v4, vm0, $0xb8;
	[tilespmem:$0x10400] =	vst v63  }
0xd7: {  	s20 =	simm.s32 $0xE400  }
0xd8: {  	[hbm4b:s3+s2] =	stream.indirect_vreg.scatter [tilespmem:s20], [sflag:$0x1], $0x80, v3, vm0, $0xb8;
	[tilespmem:$0x10400] =	vst v63  }
0xd9: {  	s20 =	simm.s32 $0xEC00  }
0xda: {  	[hbm4b:s5+s2] =	stream.indirect_vreg.scatter [tilespmem:s20], [sflag:$0x1], $0x80, v3, vm0, $0xb8;
	[tilespmem:$0x10400] =	vst v63  }
0xdb: {  	s20 =	simm.s32 $0xF400  }
0xdc: {  	[hbm4b:s6+s2] =	stream.indirect_vreg.scatter [tilespmem:s20], [sflag:$0x1], $0x80, v3, vm0, $0xb8;
	[tilespmem:$0x10400] =	vst v63  }
0xdd: {  	s20 =	simm.s32 $0xFC00  }
0xde: {  	[hbm4b:s7+s2] =	stream.indirect_vreg.scatter [tilespmem:s20], [sflag:$0x1], $0x80, v3, vm0, $0xb8;
	[tilespmem:$0x10400] =	vst v63  }
0xdf: {  	_ =	swait.ge [sflag:s19], $0x8000  }
0xe0: {  	[sflag:s19] =	ssyncset.done $0x0  }
0xe1: {  	s20 =	rddreg [dreg:$0x7];
	[sflag:s19] =	ssyncadd.s32 $0xFFFF8000  }
0xe2: {  	[tilespmem:s26], [sflag:$0x2] =	stream.linear.gather [hbm4b:s20+s2], $0x8000, $0x38;
	[tilespmem:$0x10400] =	vst v63  }
0xe3: {  	_ =	swait.ge [sflag:s9], $0x8000  }
0xe4: {  	[sflag:s9] =	ssyncset.done $0x0  }
0xe5: {  	[sflag:s9] =	ssyncadd.s32 $0xFFFF8000  }
0xe6: {  	v3 =	vld [tilespmem:$0x200];
	_ =	sdelay $0x4  }
0xe7: {  	v60 =	vshll.u32 v3, $0x3  }
0xe8: {  	v3 =	vand.u32 $0x7, v3;
	v4 =	vand.u32 $0xFFFFFFC0, v60  }
0xe9: {  	v3 =	vor.u32 v3, v4  }
0xea: {  	v4 =	vperm.xlane v3, v0;
	_ =	sdelay $0x1  }
0xeb: {  	v4 =	vadd.s32 v1, v4;
	_ =	sdelay $0x4  }
0xec: {  	[hbm4b:s3+s2] =	stream.indirect_vreg.scatter [tilespmem:s26], [sflag:$0x1], $0x80, v4, vm0, $0xb8;
	[tilespmem:$0x10400] =	vst v63  }
0xed: {  	v3 =	vperm.xlane v3, v2  }
0xee: {  	[hbm4b:s5+s2] =	stream.indirect_vreg.scatter [tilespmem:s21], [sflag:$0x1], $0x80, v4, vm0, $0xb8;
	[tilespmem:$0x10400] =	vst v63  }
0xef: {  	v3 =	vadd.s32 v1, v3  }
0xf0: {  	[hbm4b:s6+s2] =	stream.indirect_vreg.scatter [tilespmem:s22], [sflag:$0x1], $0x80, v4, vm0, $0xb8;
	[tilespmem:$0x10400] =	vst v63  }
0xf1: {  	_ = 	snop  }
0xf2: {  	[hbm4b:s7+s2] =	stream.indirect_vreg.scatter [tilespmem:s23], [sflag:$0x1], $0x80, v4, vm0, $0xb8;
	[tilespmem:$0x10400] =	vst v63  }
0xf3: {  	_ = 	snop  }
0xf4: {  	[hbm4b:s3+s2] =	stream.indirect_vreg.scatter [tilespmem:s24], [sflag:$0x1], $0x80, v3, vm0, $0xb8;
	[tilespmem:$0x10400] =	vst v63  }
0xf5: {  	_ = 	snop  }
0xf6: {  	[hbm4b:s5+s2] =	stream.indirect_vreg.scatter [tilespmem:s25], [sflag:$0x1], $0x80, v3, vm0, $0xb8;
	[tilespmem:$0x10400] =	vst v63  }
0xf7: {  	_ = 	snop  }
0xf8: {  	[hbm4b:s6+s2] =	stream.indirect_vreg.scatter [tilespmem:s28], [sflag:$0x1], $0x80, v3, vm0, $0xb8;
	[tilespmem:$0x10400] =	vst v63  }
0xf9: {  	_ = 	snop  }
0xfa: {  	[hbm4b:s7+s2] =	stream.indirect_vreg.scatter [tilespmem:s29], [sflag:$0x1], $0x80, v3, vm0, $0xb8;
	[tilespmem:$0x10400] =	vst v63  }
0xfb: {  	v3 =	vld [tilespmem:$0x210];
	_ =	sdelay $0x4  }
0xfc: {  	v61 =	vshll.u32 v3, $0x3  }
0xfd: {  	v3 =	vand.u32 $0x7, v3;
	v4 =	vand.u32 $0xFFFFFFC0, v61  }
0xfe: {  	v3 =	vor.u32 v3, v4  }
0xff: {  	v4 =	vperm.xlane v3, v0;
	_ =	sdelay $0x1  }
0x100: {  	v4 =	vadd.s32 v1, v4;
	_ =	sdelay $0x4  }
0x101: {  	[hbm4b:s3+s2] =	stream.indirect_vreg.scatter [tilespmem:s30], [sflag:$0x1], $0x80, v4, vm0, $0xb8;
	[tilespmem:$0x10400] =	vst v63  }
0x102: {  	v3 =	vperm.xlane v3, v2  }
0x103: {  	[hbm4b:s5+s2] =	stream.indirect_vreg.scatter [tilespmem:s31], [sflag:$0x1], $0x80, v4, vm0, $0xb8;
	[tilespmem:$0x10400] =	vst v63  }
0x104: {  	v3 =	vadd.s32 v1, v3  }
0x105: {  	[hbm4b:s6+s2] =	stream.indirect_vreg.scatter [tilespmem:s10], [sflag:$0x1], $0x80, v4, vm0, $0xb8;
	[tilespmem:$0x10400] =	vst v63  }
0x106: {  	_ = 	snop  }
0x107: {  	[hbm4b:s7+s2] =	stream.indirect_vreg.scatter [tilespmem:s1], [sflag:$0x1], $0x80, v4, vm0, $0xb8;
	[tilespmem:$0x10400] =	vst v63  }
0x108: {  	_ = 	snop  }
0x109: {  	[hbm4b:s3+s2] =	stream.indirect_vreg.scatter [tilespmem:s4], [sflag:$0x1], $0x80, v3, vm0, $0xb8;
	[tilespmem:$0x10400] =	vst v63  }
0x10a: {  	_ = 	snop  }
0x10b: {  	[hbm4b:s5+s2] =	stream.indirect_vreg.scatter [tilespmem:s11], [sflag:$0x1], $0x80, v3, vm0, $0xb8;
	[tilespmem:$0x10400] =	vst v63  }
0x10c: {  	_ = 	snop  }
0x10d: {  	[hbm4b:s6+s2] =	stream.indirect_vreg.scatter [tilespmem:s12], [sflag:$0x1], $0x80, v3, vm0, $0xb8;
	[tilespmem:$0x10400] =	vst v63  }
0x10e: {  	_ = 	snop  }
0x10f: {  	[hbm4b:s7+s2] =	stream.indirect_vreg.scatter [tilespmem:s13], [sflag:$0x1], $0x80, v3, vm0, $0xb8;
	[tilespmem:$0x10400] =	vst v63  }
0x110: {  	_ =	swait.ge [sflag:s19], $0x8000  }
0x111: {  	[sflag:s19] =	ssyncset.done $0x0  }
0x112: {  	s20 =	rddreg [dreg:$0x8];
	[sflag:s19] =	ssyncadd.s32 $0xFFFF8000  }
0x113: {  	[tilespmem:s0], [sflag:$0x2] =	stream.linear.gather [hbm4b:s20+s2], $0x8000, $0x38;
	[tilespmem:$0x10400] =	vst v63  }
0x114: {  	_ =	swait.ge [sflag:s9], $0x8000  }
0x115: {  	[sflag:s9] =	ssyncset.done $0x0  }
0x116: {  	[sflag:s9] =	ssyncadd.s32 $0xFFFF8000  }
0x117: {  	v3 =	vld [tilespmem:$0x280];
	_ =	sdelay $0x4  }
0x118: {  	v62 =	vshll.u32 v3, $0x3  }
0x119: {  	v3 =	vand.u32 $0x7, v3;
	v4 =	vand.u32 $0xFFFFFFC0, v62  }
0x11a: {  	v3 =	vor.u32 v3, v4  }
0x11b: {  	v4 =	vperm.xlane v3, v0;
	_ =	sdelay $0x1  }
0x11c: {  	v4 =	vadd.s32 v1, v4;
	_ =	sdelay $0x4  }
0x11d: {  	[hbm4b:s3+s2] =	stream.indirect_vreg.scatter [tilespmem:s0], [sflag:$0x1], $0x80, v4, vm0, $0xb8;
	[tilespmem:$0x10400] =	vst v63  }
0x11e: {  	v3 =	vperm.xlane v3, v2  }
0x11f: {  	[hbm4b:s5+s2] =	stream.indirect_vreg.scatter [tilespmem:s14], [sflag:$0x1], $0x80, v4, vm0, $0xb8;
	[tilespmem:$0x10400] =	vst v63  }
0x120: {  	v3 =	vadd.s32 v1, v3  }
0x121: {  	[hbm4b:s6+s2] =	stream.indirect_vreg.scatter [tilespmem:s15], [sflag:$0x1], $0x80, v4, vm0, $0xb8;
	[tilespmem:$0x10400] =	vst v63  }
0x122: {  	_ = 	snop  }
0x123: {  	[hbm4b:s7+s2] =	stream.indirect_vreg.scatter [tilespmem:s16], [sflag:$0x1], $0x80, v4, vm0, $0xb8;
	[tilespmem:$0x10400] =	vst v63  }
0x124: {  	_ = 	snop  }
0x125: {  	[hbm4b:s3+s2] =	stream.indirect_vreg.scatter [tilespmem:s17], [sflag:$0x1], $0x80, v3, vm0, $0xb8;
	[tilespmem:$0x10400] =	vst v63  }
0x126: {  	_ = 	snop  }
0x127: {  	[hbm4b:s5+s2] =	stream.indirect_vreg.scatter [tilespmem:s18], [sflag:$0x1], $0x80, v3, vm0, $0xb8;
	[tilespmem:$0x10400] =	vst v63  }
0x128: {  	s20 =	simm.s32 $0xB400  }
0x129: {  	[hbm4b:s6+s2] =	stream.indirect_vreg.scatter [tilespmem:s20], [sflag:$0x1], $0x80, v3, vm0, $0xb8;
	[tilespmem:$0x10400] =	vst v63  }
0x12a: {  	s20 =	simm.s32 $0xBC00  }
0x12b: {  	[hbm4b:s7+s2] =	stream.indirect_vreg.scatter [tilespmem:s20], [sflag:$0x1], $0x80, v3, vm0, $0xb8;
	[tilespmem:$0x10400] =	vst v63  }
0x12c: {  	v3 =	vld [tilespmem:$0x290];
	_ =	sdelay $0x4  }
0x12d: {  	v63 =	vshll.u32 v3, $0x3  }
0x12e: {  	v3 =	vand.u32 $0x7, v3;
	v4 =	vand.u32 $0xFFFFFFC0, v63  }
0x12f: {  	v3 =	vor.u32 v3, v4  }
0x130: {  	v4 =	vperm.xlane v3, v0;
	_ =	sdelay $0x1  }
0x131: {  	v4 =	vadd.s32 v1, v4;
	_ =	sdelay $0x3  }
0x132: {  	s20 =	simm.s32 $0xC400  }
0x133: {  	[hbm4b:s3+s2] =	stream.indirect_vreg.scatter [tilespmem:s20], [sflag:$0x1], $0x80, v4, vm0, $0xb8;
	[tilespmem:$0x10400] =	vst v63  }
0x134: {  	v3 =	vperm.xlane v3, v2;
	s20 =	simm.s32 $0xCC00  }
0x135: {  	[hbm4b:s5+s2] =	stream.indirect_vreg.scatter [tilespmem:s20], [sflag:$0x1], $0x80, v4, vm0, $0xb8;
	[tilespmem:$0x10400] =	vst v63  }
0x136: {  	v3 =	vadd.s32 v1, v3;
	s20 =	simm.s32 $0xD400  }
0x137: {  	[hbm4b:s6+s2] =	stream.indirect_vreg.scatter [tilespmem:s20], [sflag:$0x1], $0x80, v4, vm0, $0xb8;
	[tilespmem:$0x10400] =	vst v63  }
0x138: {  	s20 =	simm.s32 $0xDC00  }
0x139: {  	[hbm4b:s7+s2] =	stream.indirect_vreg.scatter [tilespmem:s20], [sflag:$0x1], $0x80, v4, vm0, $0xb8;
	[tilespmem:$0x10400] =	vst v63  }
0x13a: {  	s20 =	simm.s32 $0xE400  }
0x13b: {  	[hbm4b:s3+s2] =	stream.indirect_vreg.scatter [tilespmem:s20], [sflag:$0x1], $0x80, v3, vm0, $0xb8;
	[tilespmem:$0x10400] =	vst v63  }
0x13c: {  	s20 =	simm.s32 $0xEC00  }
0x13d: {  	[hbm4b:s5+s2] =	stream.indirect_vreg.scatter [tilespmem:s20], [sflag:$0x1], $0x80, v3, vm0, $0xb8;
	[tilespmem:$0x10400] =	vst v63  }
0x13e: {  	s20 =	simm.s32 $0xF400  }
0x13f: {  	[hbm4b:s6+s2] =	stream.indirect_vreg.scatter [tilespmem:s20], [sflag:$0x1], $0x80, v3, vm0, $0xb8;
	[tilespmem:$0x10400] =	vst v63  }
0x140: {  	s20 =	simm.s32 $0xFC00  }
0x141: {  	[hbm4b:s7+s2] =	stream.indirect_vreg.scatter [tilespmem:s20], [sflag:$0x1], $0x80, v3, vm0, $0xb8;
	[tilespmem:$0x10400] =	vst v63  }
0x142: {  	p0 =	sne.s32 s8, $0x1;
	_ =	swait.ge [sflag:s19], $0x8000  }
.Ltmp0:
0x143: {  	[sflag:s19] =	ssyncset.done $0x0;
	(pc) =	sbr.rel @p0 .LBB2_1-.Ltmp0, $4  }
0x144: {  	[sflag:s19] =	ssyncadd.s32 $0xFFFF8000  }
0x145: {  	_ =	swait.ge [sflag:s19], $0x8000  }
0x146: {  	[sflag:s19] =	ssyncset.done $0x0  }
0x147: {  	s8 =	sadd.s32 $0xFFFFFFFF, s8;
	[sflag:s19] =	ssyncadd.s32 $0xFFFF8000  }
0x148: {  	_ =	sfence.sel $0x180000  }
0x149: {  	[bflag:$0x0] =	sbarrier.arrive $0xFFFF  }
0x14a: {  	_ =	strace $0x90000047  }
0x14b: {  	s0 =	stileid.u32;
	[bflag:$0x2] =	sbarrier.arrive $0xFFFF  }
0x14c: {  	p0 =	sne.s32 s0, $0x0;
	s0 =	rddreg [dreg:$0x2]  }
0x14d: {  	s0 =	sadd.s32 @!p0 $0x100000, s0  }
0x14e: {  	[sflag:s0] =	ssyncadd.tile.s32 @!p0 $0x1;
	_ =	shalt  }
.Lfunc_end2:
_tile_overlayer_lowered:
.L_overlay_start_2:
0x14f: {  	(tag) =	ssettag $0x2  }
0x150: {  	s0 =	rddreg [dreg:$0x0];
	s2 =	stileid.u32  }
0x151: {  	s1 =	rddreg [dreg:$0x1];
	p0 =	sne.s32 s2, $0x0  }
0x152: {  	s3 =	rddreg [dreg:$0x2];
	[bflag:$0x3] =	sbarrier.arrive $0xFFFF;
	s2 =	simm.s32 @!p0 $0x1C02  }
0x153: {  	[timem:s3], [sflag:s2] =	dma.local @!p0 [hbm:s0], s1  }
0x154: {  	s0 =	simm.s32 @!p0 $0x2  }
0x155: {  	_ =	swait.ge @!p0 [sflag:s0], s1  }
0x156: {  	s1 =	ssub.s32 @!p0 $0x0, s1;
	[sflag:s0] =	ssyncset.done @!p0 $0x0  }
0x157: {  	[sflag:s0] =	ssyncadd.s32 @!p0 s1  }
0x158: {  	[bflag:$0x3] =	sbarrier.arrive $0xFFFF  }
0x159: {  	_ =	shalt  }

</sc_bundles>
